<compile_context>
chip_gen: v7x
topology: tpu7x:2x2x1
jax: 0.10.2.dev20260603
libtpu: 0.0.44.dev20260713+nightly
codegen_flags: <defaults>
</compile_context>

<pallas_src>
import functools

import jax
import jax.numpy as jnp
from jax import lax
from jax.experimental import pallas as pl
from jax.experimental.pallas import tpu as pltpu
from jax.experimental.pallas import tpu_sc as plsc

NUM_SEGMENTS = 64
N_ROWS = 100000
D = 512
TC_R = 800
R_TC = 48000
TC_B0 = R_TC // TC_R
TC_NB = (N_ROWS - R_TC) // TC_R
NC = 2
NS = 16
L = 16
NW = NC * NS
SEGS_PER_W = NUM_SEGMENTS // NW
NVEC = D // L
BLK = 64
STARTS_PAD = 104


def _seg_max_sc(x, starts):
    mesh = plsc.VectorSubcoreMesh(
        core_axis_name="c", subcore_axis_name="s",
        num_cores=NC, num_subcores=NS)

    @functools.partial(
        pl.kernel,
        out_type=jax.ShapeDtypeStruct((NUM_SEGMENTS * D,), jnp.float32),
        mesh=mesh,
        scratch_types=[
            pltpu.VMEM((STARTS_PAD,), jnp.int32),
            pltpu.VMEM((BLK, D), jnp.float32),
            pltpu.VMEM((BLK, D), jnp.float32),
            pltpu.VMEM((D,), jnp.float32),
            pltpu.SemaphoreType.DMA,
            pltpu.SemaphoreType.DMA,
            pltpu.SemaphoreType.DMA,
        ],
    )
    def k(x_hbm, starts_hbm, out_hbm, starts_v, buf0, buf1, res_v,
          sem0, sem1, sem_out):
        wid = lax.axis_index("s") * NC + lax.axis_index("c")
        pltpu.sync_copy(starts_hbm, starts_v)
        bufs = (buf0, buf1)
        sems = (sem0, sem1)

        for si in range(SEGS_PER_W):
            seg = si * NW + wid
            bounds = starts_v[pl.ds(seg, L)]
            row_lo = jnp.minimum(bounds[0], R_TC)
            row_hi = jnp.minimum(bounds[1], R_TC)
            aligned_lo = (row_lo // 8) * 8
            nblk = (row_hi - aligned_lo + BLK - 1) // BLK

            def blk_base(i, aligned_lo=aligned_lo):
                return jnp.minimum(aligned_lo + i * BLK, N_ROWS - BLK)

            def start_dma(i, b):
                pltpu.async_copy(
                    x_hbm.at[pl.ds(blk_base(i), BLK)], bufs[b], sems[b])

            def wait_dma(b):
                pltpu.make_async_copy(
                    x_hbm.at[pl.ds(0, BLK)], bufs[b], sems[b]).wait()

            @pl.when(nblk > 0)
            def _():
                start_dma(0, 0)

            def process(i, b, acc, row_lo=row_lo, row_hi=row_hi):
                base = blk_base(i)
                lo_r = jnp.maximum(row_lo - base, 0)
                hi_r = jnp.minimum(row_hi - base, BLK)
                buf = bufs[b]

                def row_body(r, acc):
                    return tuple(
                        jnp.maximum(acc[j], buf[r, pl.ds(j * L, L)])
                        for j in range(NVEC))

                return plsc.parallel_loop(
                    lo_r, hi_r, unroll=2, carry=acc)(row_body)

            def pair_body(p, acc, nblk=nblk):
                i0 = 2 * p
                i1 = i0 + 1

                @pl.when(i1 < nblk)
                def _():
                    start_dma(i1, 1)

                wait_dma(0)
                acc = process(i0, 0, acc)

                @pl.when(i1 + 1 < nblk)
                def _():
                    start_dma(i1 + 1, 0)

                @pl.when(i1 < nblk)
                def _():
                    wait_dma(1)

                acc = process(i1, 1, acc)
                return acc

            neg_inf = jnp.full((L,), -jnp.inf, dtype=jnp.float32)
            acc0 = tuple(neg_inf for _ in range(NVEC))
            npairs = (nblk + 1) // 2
            acc = lax.fori_loop(0, npairs, pair_body, acc0)

            for j in range(NVEC):
                res_v[pl.ds(j * L, L)] = acc[j]

            pltpu.async_copy(
                res_v, out_hbm.at[pl.ds(seg * D, D)], sem_out).wait()

    return k(x, starts)


def _seg_max_tc(x, starts, seg_first, seg_last):

    def body(starts_ref, sf_ref, sl_ref, x_ref, o_ref):
        i = pl.program_id(0)
        b = i + TC_B0

        @pl.when(i == 0)
        def _():
            o_ref[...] = jnp.full(
                (NUM_SEGMENTS, D), -jnp.inf, dtype=jnp.float32)

        base = b * TC_R
        sf = sf_ref[b]
        sl = sl_ref[b]
        blk = x_ref[...]
        neg_inf = jnp.float32(-jnp.inf)
        oiota = lax.broadcasted_iota(jnp.int32, (NUM_SEGMENTS, D), 0)

        def acc_row(s, mrow):
            o_ref[...] = jnp.maximum(
                o_ref[...], jnp.where(oiota == s, mrow, neg_inf))

        @pl.when(sf == sl)
        def _():
            m8 = jnp.max(blk.reshape(TC_R // 8, 8, D), axis=0)
            acc_row(sl, jnp.max(m8, axis=0, keepdims=True))

        @pl.when(sf != sl)
        def _():
            rowid = lax.broadcasted_iota(jnp.int32, (TC_R, D), 0)

            def seg_body(s, carry):
                lo = starts_ref[s] - base
                hi = starts_ref[s + 1] - base
                valid = (rowid >= lo) & (rowid < hi)
                vals = jnp.where(valid, blk, neg_inf)
                m8 = jnp.max(vals.reshape(TC_R // 8, 8, D), axis=0)
                acc_row(s, jnp.max(m8, axis=0, keepdims=True))
                return carry

            lax.fori_loop(sf, sl + 1, seg_body, 0)

    grid_spec = pltpu.PrefetchScalarGridSpec(
        num_scalar_prefetch=3,
        grid=(TC_NB,),
        in_specs=[pl.BlockSpec((TC_R, D), lambda i, *_: (i + TC_B0, 0))],
        out_specs=pl.BlockSpec(
            (NUM_SEGMENTS, D), lambda i, *_: (0, 0)),
        scratch_shapes=[],
    )
    return pl.pallas_call(
        body,
        grid_spec=grid_spec,
        out_shape=jax.ShapeDtypeStruct((NUM_SEGMENTS, D), jnp.float32),
        compiler_params=pltpu.CompilerParams(
            dimension_semantics=("arbitrary",)),
    )(starts, seg_first, seg_last, x)


def _merge_max(a, b):
    def body(a_ref, b_ref, o_ref):
        o_ref[...] = jnp.maximum(a_ref[...], b_ref[...])

    return pl.pallas_call(
        body,
        out_shape=jax.ShapeDtypeStruct((NUM_SEGMENTS, D), jnp.float32),
    )(a, b)


def kernel(x, batch):
    seg_ids = jnp.arange(NUM_SEGMENTS + 1, dtype=batch.dtype)
    starts = jnp.searchsorted(
        batch, seg_ids, side="left", method="compare_all").astype(jnp.int32)
    starts_pad = jnp.pad(starts, (0, STARTS_PAD - NUM_SEGMENTS - 1))
    batch32 = batch.astype(jnp.int32)
    seg_first = batch32[::TC_R]
    seg_last = batch32[TC_R - 1::TC_R]
    out_tc = _seg_max_tc(x, starts, seg_first, seg_last)
    out_sc = _seg_max_sc(x, starts_pad).reshape(NUM_SEGMENTS, D)
    return _merge_max(out_sc, out_tc)

# --- scband reference (transcript-rebuilt; emitter-appended) ---
"""Pipeline reference for scband-pool-44461501449024 (READ-ONLY COPY).

The authoritative reference and input builder live on the scoring server;
editing this copy changes nothing except your own understanding.
"""

import jax, jax.numpy as jnp
import numpy as np

NUM_GRAPHS = 64

def setup_inputs(seed: int = 0) -> dict:
    key = jax.random.key(seed)
    k1, k2 = jax.random.split(key)
    x = jax.random.normal(k1, (100000, 512), dtype=jnp.float32)
    batch = jnp.sort(jax.random.randint(k2, (100000,), 0, NUM_GRAPHS)).astype(jnp.int64)
    return {"x": x, "batch": batch}

def reference(x, batch):
    # torch_geometric global_max_pool: per-graph max over node features
    # scatter-max maps to jax.ops.segment_max (SparseCore-friendly segment reduce)
    out = jax.ops.segment_max(x, batch, num_segments=NUM_GRAPHS)
    return out

if __name__ == "__main__":
    import jax
    _d = setup_inputs()
    print(jax.jit(kernel)(*tuple(_d.values())))

</pallas_src>

<mosaic_0001>
#map = affine_map<(d0, d1) -> (0, 0)>
#map1 = affine_map<(d0, d1) -> (0)>
module attributes {stable_mosaic.version = 14 : i64} {
  func.func @k(%arg0: i32, %arg1: i32, %arg2: memref<100000x512xf32, #tpu.memory_space<hbm>>, %arg3: memref<104xi32, #tpu.memory_space<hbm>>, %arg4: memref<32768xf32, #tpu.memory_space<hbm>>, %arg5: memref<104xi32, #tpu.memory_space<vmem>>, %arg6: memref<64x512xf32, #tpu.memory_space<vmem>>, %arg7: memref<64x512xf32, #tpu.memory_space<vmem>>, %arg8: memref<512xf32, #tpu.memory_space<vmem>>, %arg9: memref<!tpu.dma_semaphore, #tpu.memory_space<semaphore_mem>>, %arg10: memref<!tpu.dma_semaphore, #tpu.memory_space<semaphore_mem>>, %arg11: memref<!tpu.dma_semaphore, #tpu.memory_space<semaphore_mem>>) attributes {dimension_semantics = [#tpu.dimension_semantics<core_parallel>, #tpu.dimension_semantics<subcore_parallel>], iteration_bounds = array<i64: 2, 16>, scalar_prefetch = 0 : i64, scratch_operands = 7 : i64, tpu.core_type = #tpu.core_type<sc_vector_subcore>, window_params = [{transform_indices = #map}, {transform_indices = #map1}, {transform_indices = #map1}]} {
    %mul3A = arith.constant 2 : i32
    %mul3A_0 = arith.muli %arg1, %mul3A : i32
    %add3A = arith.addi %mul3A_0, %arg0 : i32
    "tpu.region"() ({
      %run_scoped3A = tpu.sem_alloc : memref<!tpu.dma_semaphore, #tpu.memory_space<semaphore_mem>>
      tpu.enqueue_dma source(%arg3 : memref<104xi32, #tpu.memory_space<hbm>>) target(%arg5 : memref<104xi32, #tpu.memory_space<vmem>>) target_semaphore(%run_scoped3A : memref<!tpu.dma_semaphore, #tpu.memory_space<semaphore_mem>>)
      tpu.wait_dma2 semaphore(%run_scoped3A : memref<!tpu.dma_semaphore, #tpu.memory_space<semaphore_mem>>) src(%arg3 : memref<104xi32, #tpu.memory_space<hbm>>) dst(%arg5 : memref<104xi32, #tpu.memory_space<vmem>>)
      tpu.yield
    }) : () -> ()
    %add3A_1 = arith.constant 0 : i32
    %add3A_2 = arith.addi %add3A_1, %add3A : i32
    %get3A = arith.index_cast %add3A_2 : i32 to index
    %get3A_3 = tpu.vector_load %arg5[%get3A] {strides = array<i32>} : memref<104xi32, #tpu.memory_space<vmem>>, vector<16xi32>,
    %get3A_4 = vector.shape_cast %get3A_3 : vector<16xi32> to vector<16xi32>
    %slice3A = vector.extract_strided_slice %get3A_4 {offsets = [0], sizes = [1], strides = [1]} : vector<16xi32> to vector<1xi32>
    %squeeze3A = vector.extract %slice3A[0] : i32 from vector<1xi32>
    %min3A = arith.constant 48000 : i32
    %min3A_5 = arith.minsi %squeeze3A, %min3A : i32
    %slice3A_6 = vector.extract_strided_slice %get3A_4 {offsets = [1], sizes = [1], strides = [1]} : vector<16xi32> to vector<1xi32>
    %squeeze3A_7 = vector.extract %slice3A_6[0] : i32 from vector<1xi32>
    %min3A_8 = arith.constant 48000 : i32
    %min3A_9 = arith.minsi %squeeze3A_7, %min3A_8 : i32
    %jit3A = arith.constant 8 : i32
    %div3A = arith.divsi %min3A_5, %jit3A : i32
    %sign3A = arith.constant 0 : i32
    %sign3A_10 = arith.cmpi sgt, %min3A_5, %sign3A : i32
    %sign3A_11 = arith.extui %sign3A_10 : i1 to i32
    %sign3A_12 = arith.constant 0 : i32
    %sign3A_13 = arith.cmpi slt, %min3A_5, %sign3A_12 : i32
    %sign3A_14 = arith.extui %sign3A_13 : i1 to i32
    %sign3A_15 = arith.subi %sign3A_11, %sign3A_14 : i32
    %sign3A_16 = arith.constant 0 : i32
    %sign3A_17 = arith.cmpi sgt, %jit3A, %sign3A_16 : i32
    %sign3A_18 = arith.extui %sign3A_17 : i1 to i32
    %sign3A_19 = arith.constant 0 : i32
    %sign3A_20 = arith.cmpi slt, %jit3A, %sign3A_19 : i32
    %sign3A_21 = arith.extui %sign3A_20 : i1 to i32
    %sign3A_22 = arith.subi %sign3A_18, %sign3A_21 : i32
    %ne3A = arith.cmpi ne, %sign3A_15, %sign3A_22 : i32
    %rem3A = arith.remsi %min3A_5, %jit3A : i32
    %ne3A_23 = arith.constant 0 : i32
    %ne3A_24 = arith.cmpi ne, %rem3A, %ne3A_23 : i32
    %and3A = arith.andi %ne3A, %ne3A_24 : i1
    %sub3A = arith.constant 1 : i32
    %sub3A_25 = arith.subi %div3A, %sub3A : i32
    %select_n3A = arith.select %and3A, %sub3A_25, %div3A : i32
    %mul3A_26 = arith.constant 8 : i32
    %mul3A_27 = arith.muli %select_n3A, %mul3A_26 : i32
    %sub3A_28 = arith.subi %min3A_9, %mul3A_27 : i32
    %add3A_29 = arith.constant 64 : i32
    %add3A_30 = arith.addi %sub3A_28, %add3A_29 : i32
    %sub3A_31 = arith.constant 1 : i32
    %sub3A_32 = arith.subi %add3A_30, %sub3A_31 : i32
    %jit3A_33 = arith.constant 64 : i32
    %div3A_34 = arith.divsi %sub3A_32, %jit3A_33 : i32
    %sign3A_35 = arith.constant 0 : i32
    %sign3A_36 = arith.cmpi sgt, %sub3A_32, %sign3A_35 : i32
    %sign3A_37 = arith.extui %sign3A_36 : i1 to i32
    %sign3A_38 = arith.constant 0 : i32
    %sign3A_39 = arith.cmpi slt, %sub3A_32, %sign3A_38 : i32
    %sign3A_40 = arith.extui %sign3A_39 : i1 to i32
    %sign3A_41 = arith.subi %sign3A_37, %sign3A_40 : i32
    %sign3A_42 = arith.constant 0 : i32
    %sign3A_43 = arith.cmpi sgt, %jit3A_33, %sign3A_42 : i32
    %sign3A_44 = arith.extui %sign3A_43 : i1 to i32
    %sign3A_45 = arith.constant 0 : i32
    %sign3A_46 = arith.cmpi slt, %jit3A_33, %sign3A_45 : i32
    %sign3A_47 = arith.extui %sign3A_46 : i1 to i32
    %sign3A_48 = arith.subi %sign3A_44, %sign3A_47 : i32
    %ne3A_49 = arith.cmpi ne, %sign3A_41, %sign3A_48 : i32
    %rem3A_50 = arith.remsi %sub3A_32, %jit3A_33 : i32
    %ne3A_51 = arith.constant 0 : i32
    %ne3A_52 = arith.cmpi ne, %rem3A_50, %ne3A_51 : i32
    %and3A_53 = arith.andi %ne3A_49, %ne3A_52 : i1
    %sub3A_54 = arith.constant 1 : i32
    %sub3A_55 = arith.subi %div3A_34, %sub3A_54 : i32
    %select_n3A_56 = arith.select %and3A_53, %sub3A_55, %div3A_34 : i32
    %gt3A = arith.constant 0 : i32
    %gt3A_57 = arith.cmpi sgt, %select_n3A_56, %gt3A : i32
    %convert_element_type3A = arith.extui %gt3A_57 : i1 to i32
    %cond3A = arith.constant 0 : i32
    %cond3A_58 = arith.cmpi ne, %convert_element_type3A, %cond3A : i32
    scf.if %cond3A_58 {
      %add3A_473 = arith.constant 0 : i32
      %add3A_474 = arith.addi %mul3A_27, %add3A_473 : i32
      %min3A_475 = arith.constant 99936 : i32
      %min3A_476 = arith.minsi %add3A_474, %min3A_475 : i32
      %dma_start3A_477 = arith.constant 0 : i32
      %dma_start3A_478 = tpu.memref_slice %arg2[%min3A_476, %dma_start3A_477] : memref<100000x512xf32, #tpu.memory_space<hbm>> -> memref<64x512xf32, #tpu.memory_space<hbm>>
      %dma_start3A_479 = arith.constant 0 : i32
      %dma_start3A_480 = tpu.memref_slice %arg2[%min3A_476, %dma_start3A_479] : memref<100000x512xf32, #tpu.memory_space<hbm>> -> memref<64x512xf32, #tpu.memory_space<hbm>>
      tpu.enqueue_dma source(%dma_start3A_480 : memref<64x512xf32, #tpu.memory_space<hbm>>) target(%arg6 : memref<64x512xf32, #tpu.memory_space<vmem>>) target_semaphore(%arg9 : memref<!tpu.dma_semaphore, #tpu.memory_space<semaphore_mem>>)
    } else {
    }
    %broadcast_in_dim3A = arith.constant 0xFF800000 : f32
    %broadcast_in_dim3A_59 = vector.broadcast %broadcast_in_dim3A : f32 to vector<16xf32>
    %add3A_60 = arith.constant 1 : i32
    %add3A_61 = arith.addi %select_n3A_56, %add3A_60 : i32
    %jit3A_62 = arith.constant 2 : i32
    %div3A_63 = arith.divsi %add3A_61, %jit3A_62 : i32
    %sign3A_64 = arith.constant 0 : i32
    %sign3A_65 = arith.cmpi sgt, %add3A_61, %sign3A_64 : i32
    %sign3A_66 = arith.extui %sign3A_65 : i1 to i32
    %sign3A_67 = arith.constant 0 : i32
    %sign3A_68 = arith.cmpi slt, %add3A_61, %sign3A_67 : i32
    %sign3A_69 = arith.extui %sign3A_68 : i1 to i32
    %sign3A_70 = arith.subi %sign3A_66, %sign3A_69 : i32
    %sign3A_71 = arith.constant 0 : i32
    %sign3A_72 = arith.cmpi sgt, %jit3A_62, %sign3A_71 : i32
    %sign3A_73 = arith.extui %sign3A_72 : i1 to i32
    %sign3A_74 = arith.constant 0 : i32
    %sign3A_75 = arith.cmpi slt, %jit3A_62, %sign3A_74 : i32
    %sign3A_76 = arith.extui %sign3A_75 : i1 to i32
    %sign3A_77 = arith.subi %sign3A_73, %sign3A_76 : i32
    %ne3A_78 = arith.cmpi ne, %sign3A_70, %sign3A_77 : i32
    %rem3A_79 = arith.remsi %add3A_61, %jit3A_62 : i32
    %ne3A_80 = arith.constant 0 : i32
    %ne3A_81 = arith.cmpi ne, %rem3A_79, %ne3A_80 : i32
    %and3A_82 = arith.andi %ne3A_78, %ne3A_81 : i1
    %sub3A_83 = arith.constant 1 : i32
    %sub3A_84 = arith.subi %div3A_63, %sub3A_83 : i32
    %select_n3A_85 = arith.select %and3A_82, %sub3A_84, %div3A_63 : i32
    %while3A = arith.constant 0 : i32
    %while3A_86 = arith.subi %select_n3A_85, %while3A : i32
    %while3A_87 = arith.addi %while3A, %while3A_86 : i32
    %while3A_88 = arith.constant 1 : i32
    %while3A_89 = arith.divsi %while3A_86, %while3A_88 : i32
    %while3A_90 = arith.muli %while3A_89, %while3A_88 : i32
    %while3A_91 = arith.addi %while3A, %while3A_90 : i32
    %while3A_92 = arith.constant 1 : i32
    %while3A_93:32 = scf.for %while3A_473 = %while3A to %while3A_91 step %while3A_92 iter_args(%while3A_474 = %broadcast_in_dim3A_59, %while3A_475 = %broadcast_in_dim3A_59, %while3A_476 = %broadcast_in_dim3A_59, %while3A_477 = %broadcast_in_dim3A_59, %while3A_478 = %broadcast_in_dim3A_59, %while3A_479 = %broadcast_in_dim3A_59, %while3A_480 = %broadcast_in_dim3A_59, %while3A_481 = %broadcast_in_dim3A_59, %while3A_482 = %broadcast_in_dim3A_59, %while3A_483 = %broadcast_in_dim3A_59, %while3A_484 = %broadcast_in_dim3A_59, %while3A_485 = %broadcast_in_dim3A_59, %while3A_486 = %broadcast_in_dim3A_59, %while3A_487 = %broadcast_in_dim3A_59, %while3A_488 = %broadcast_in_dim3A_59, %while3A_489 = %broadcast_in_dim3A_59, %while3A_490 = %broadcast_in_dim3A_59, %while3A_491 = %broadcast_in_dim3A_59, %while3A_492 = %broadcast_in_dim3A_59, %while3A_493 = %broadcast_in_dim3A_59, %while3A_494 = %broadcast_in_dim3A_59, %while3A_495 = %broadcast_in_dim3A_59, %while3A_496 = %broadcast_in_dim3A_59, %while3A_497 = %broadcast_in_dim3A_59, %while3A_498 = %broadcast_in_dim3A_59, %while3A_499 = %broadcast_in_dim3A_59, %while3A_500 = %broadcast_in_dim3A_59, %while3A_501 = %broadcast_in_dim3A_59, %while3A_502 = %broadcast_in_dim3A_59, %while3A_503 = %broadcast_in_dim3A_59, %while3A_504 = %broadcast_in_dim3A_59, %while3A_505 = %broadcast_in_dim3A_59) -> (vector<16xf32>, vector<16xf32>, vector<16xf32>, vector<16xf32>, vector<16xf32>, vector<16xf32>, vector<16xf32>, vector<16xf32>, vector<16xf32>, vector<16xf32>, vector<16xf32>, vector<16xf32>, vector<16xf32>, vector<16xf32>, vector<16xf32>, vector<16xf32>, vector<16xf32>, vector<16xf32>, vector<16xf32>, vector<16xf32>, vector<16xf32>, vector<16xf32>, vector<16xf32>, vector<16xf32>, vector<16xf32>, vector<16xf32>, vector<16xf32>, vector<16xf32>, vector<16xf32>, vector<16xf32>, vector<16xf32>, vector<16xf32>)  : i32 {
      %mul3A_506 = arith.constant 2 : i32
      %mul3A_507 = arith.muli %mul3A_506, %while3A_473 : i32
      %add3A_508 = arith.constant 1 : i32
      %add3A_509 = arith.addi %mul3A_507, %add3A_508 : i32
      %lt3A = arith.cmpi slt, %add3A_509, %select_n3A_56 : i32
      %convert_element_type3A_510 = arith.extui %lt3A : i1 to i32
      %cond3A_511 = arith.constant 0 : i32
      %cond3A_512 = arith.cmpi ne, %convert_element_type3A_510, %cond3A_511 : i32
      scf.if %cond3A_512 {
        %mul3A_553 = arith.constant 64 : i32
        %mul3A_554 = arith.muli %add3A_509, %mul3A_553 : i32
        %add3A_555 = arith.addi %mul3A_27, %mul3A_554 : i32
        %min3A_556 = arith.constant 99936 : i32
        %min3A_557 = arith.minsi %add3A_555, %min3A_556 : i32
        %dma_start3A_558 = arith.constant 0 : i32
        %dma_start3A_559 = tpu.memref_slice %arg2[%min3A_557, %dma_start3A_558] : memref<100000x512xf32, #tpu.memory_space<hbm>> -> memref<64x512xf32, #tpu.memory_space<hbm>>
        %dma_start3A_560 = arith.constant 0 : i32
        %dma_start3A_561 = tpu.memref_slice %arg2[%min3A_557, %dma_start3A_560] : memref<100000x512xf32, #tpu.memory_space<hbm>> -> memref<64x512xf32, #tpu.memory_space<hbm>>
        tpu.enqueue_dma source(%dma_start3A_561 : memref<64x512xf32, #tpu.memory_space<hbm>>) target(%arg7 : memref<64x512xf32, #tpu.memory_space<vmem>>) target_semaphore(%arg10 : memref<!tpu.dma_semaphore, #tpu.memory_space<semaphore_mem>>)
      } else {
      }
      %dma_wait3A_513 = arith.constant 0 : i32
      %dma_wait3A_514 = arith.constant 0 : i32
      %dma_wait3A_515 = tpu.memref_slice %arg2[%dma_wait3A_513, %dma_wait3A_514] : memref<100000x512xf32, #tpu.memory_space<hbm>> -> memref<64x512xf32, #tpu.memory_space<hbm>>
      %dma_wait3A_516 = arith.constant 0 : i32
      %dma_wait3A_517 = arith.constant 0 : i32
      %dma_wait3A_518 = tpu.memref_slice %arg2[%dma_wait3A_516, %dma_wait3A_517] : memref<100000x512xf32, #tpu.memory_space<hbm>> -> memref<64x512xf32, #tpu.memory_space<hbm>>
      tpu.wait_dma2 semaphore(%arg9 : memref<!tpu.dma_semaphore, #tpu.memory_space<semaphore_mem>>) src(%dma_wait3A_518 : memref<64x512xf32, #tpu.memory_space<hbm>>) dst(%arg6 : memref<64x512xf32, #tpu.memory_space<vmem>>)
      %mul3A_519 = arith.constant 64 : i32
      %mul3A_520 = arith.muli %mul3A_507, %mul3A_519 : i32
      %add3A_521 = arith.addi %mul3A_27, %mul3A_520 : i32
      %min3A_522 = arith.constant 99936 : i32
      %min3A_523 = arith.minsi %add3A_521, %min3A_522 : i32
      %sub3A_524 = arith.subi %min3A_5, %min3A_523 : i32
      %max3A = arith.constant 0 : i32
      %max3A_525 = arith.maxsi %sub3A_524, %max3A : i32
      %sub3A_526 = arith.subi %min3A_9, %min3A_523 : i32
      %min3A_527 = arith.constant 64 : i32
      %min3A_528 = arith.minsi %sub3A_526, %min3A_527 : i32
      %parallel_loop3A = arith.constant 1 : i32
      %parallel_loop3A_529:32 = scf.for %parallel_loop3A_553 = %max3A_525 to %min3A_528 step %parallel_loop3A iter_args(%parallel_loop3A_554 = %while3A_474, %parallel_loop3A_555 = %while3A_475, %parallel_loop3A_556 = %while3A_476, %parallel_loop3A_557 = %while3A_477, %parallel_loop3A_558 = %while3A_478, %parallel_loop3A_559 = %while3A_479, %parallel_loop3A_560 = %while3A_480, %parallel_loop3A_561 = %while3A_481, %parallel_loop3A_562 = %while3A_482, %parallel_loop3A_563 = %while3A_483, %parallel_loop3A_564 = %while3A_484, %parallel_loop3A_565 = %while3A_485, %parallel_loop3A_566 = %while3A_486, %parallel_loop3A_567 = %while3A_487, %parallel_loop3A_568 = %while3A_488, %parallel_loop3A_569 = %while3A_489, %parallel_loop3A_570 = %while3A_490, %parallel_loop3A_571 = %while3A_491, %parallel_loop3A_572 = %while3A_492, %parallel_loop3A_573 = %while3A_493, %parallel_loop3A_574 = %while3A_494, %parallel_loop3A_575 = %while3A_495, %parallel_loop3A_576 = %while3A_496, %parallel_loop3A_577 = %while3A_497, %parallel_loop3A_578 = %while3A_498, %parallel_loop3A_579 = %while3A_499, %parallel_loop3A_580 = %while3A_500, %parallel_loop3A_581 = %while3A_501, %parallel_loop3A_582 = %while3A_502, %parallel_loop3A_583 = %while3A_503, %parallel_loop3A_584 = %while3A_504, %parallel_loop3A_585 = %while3A_505) -> (vector<16xf32>, vector<16xf32>, vector<16xf32>, vector<16xf32>, vector<16xf32>, vector<16xf32>, vector<16xf32>, vector<16xf32>, vector<16xf32>, vector<16xf32>, vector<16xf32>, vector<16xf32>, vector<16xf32>, vector<16xf32>, vector<16xf32>, vector<16xf32>, vector<16xf32>, vector<16xf32>, vector<16xf32>, vector<16xf32>, vector<16xf32>, vector<16xf32>, vector<16xf32>, vector<16xf32>, vector<16xf32>, vector<16xf32>, vector<16xf32>, vector<16xf32>, vector<16xf32>, vector<16xf32>, vector<16xf32>, vector<16xf32>)  : i32 {
        %parallel_loop3A_586 = arith.index_cast %parallel_loop3A_553 : i32 to index
        %parallel_loop3A_587 = arith.constant 0 : index
        %parallel_loop3A_588 = tpu.vector_load %arg6[%parallel_loop3A_586, %parallel_loop3A_587] {strides = array<i32>} : memref<64x512xf32, #tpu.memory_space<vmem>>, vector<1x16xf32>,
        %parallel_loop3A_589 = vector.shape_cast %parallel_loop3A_588 : vector<1x16xf32> to vector<16xf32>
        %parallel_loop3A_590 = arith.maximumf %parallel_loop3A_554, %parallel_loop3A_589 : vector<16xf32>
        %parallel_loop3A_591 = arith.index_cast %parallel_loop3A_553 : i32 to index
        %parallel_loop3A_592 = arith.constant 16 : index
        %parallel_loop3A_593 = tpu.vector_load %arg6[%parallel_loop3A_591, %parallel_loop3A_592] {strides = array<i32>} : memref<64x512xf32, #tpu.memory_space<vmem>>, vector<1x16xf32>,
        %parallel_loop3A_594 = vector.shape_cast %parallel_loop3A_593 : vector<1x16xf32> to vector<16xf32>
        %parallel_loop3A_595 = arith.maximumf %parallel_loop3A_555, %parallel_loop3A_594 : vector<16xf32>
        %parallel_loop3A_596 = arith.index_cast %parallel_loop3A_553 : i32 to index
        %parallel_loop3A_597 = arith.constant 32 : index
        %parallel_loop3A_598 = tpu.vector_load %arg6[%parallel_loop3A_596, %parallel_loop3A_597] {strides = array<i32>} : memref<64x512xf32, #tpu.memory_space<vmem>>, vector<1x16xf32>,
        %parallel_loop3A_599 = vector.shape_cast %parallel_loop3A_598 : vector<1x16xf32> to vector<16xf32>
        %parallel_loop3A_600 = arith.maximumf %parallel_loop3A_556, %parallel_loop3A_599 : vector<16xf32>
        %parallel_loop3A_601 = arith.index_cast %parallel_loop3A_553 : i32 to index
        %parallel_loop3A_602 = arith.constant 48 : index
        %parallel_loop3A_603 = tpu.vector_load %arg6[%parallel_loop3A_601, %parallel_loop3A_602] {strides = array<i32>} : memref<64x512xf32, #tpu.memory_space<vmem>>, vector<1x16xf32>,
        %parallel_loop3A_604 = vector.shape_cast %parallel_loop3A_603 : vector<1x16xf32> to vector<16xf32>
        %parallel_loop3A_605 = arith.maximumf %parallel_loop3A_557, %parallel_loop3A_604 : vector<16xf32>
        %parallel_loop3A_606 = arith.index_cast %parallel_loop3A_553 : i32 to index
        %parallel_loop3A_607 = arith.constant 64 : index
        %parallel_loop3A_608 = tpu.vector_load %arg6[%parallel_loop3A_606, %parallel_loop3A_607] {strides = array<i32>} : memref<64x512xf32, #tpu.memory_space<vmem>>, vector<1x16xf32>,
        %parallel_loop3A_609 = vector.shape_cast %parallel_loop3A_608 : vector<1x16xf32> to vector<16xf32>
        %parallel_loop3A_610 = arith.maximumf %parallel_loop3A_558, %parallel_loop3A_609 : vector<16xf32>
        %parallel_loop3A_611 = arith.index_cast %parallel_loop3A_553 : i32 to index
        %parallel_loop3A_612 = arith.constant 80 : index
        %parallel_loop3A_613 = tpu.vector_load %arg6[%parallel_loop3A_611, %parallel_loop3A_612] {strides = array<i32>} : memref<64x512xf32, #tpu.memory_space<vmem>>, vector<1x16xf32>,
        %parallel_loop3A_614 = vector.shape_cast %parallel_loop3A_613 : vector<1x16xf32> to vector<16xf32>
        %parallel_loop3A_615 = arith.maximumf %parallel_loop3A_559, %parallel_loop3A_614 : vector<16xf32>
        %parallel_loop3A_616 = arith.index_cast %parallel_loop3A_553 : i32 to index
        %parallel_loop3A_617 = arith.constant 96 : index
        %parallel_loop3A_618 = tpu.vector_load %arg6[%parallel_loop3A_616, %parallel_loop3A_617] {strides = array<i32>} : memref<64x512xf32, #tpu.memory_space<vmem>>, vector<1x16xf32>,
        %parallel_loop3A_619 = vector.shape_cast %parallel_loop3A_618 : vector<1x16xf32> to vector<16xf32>
        %parallel_loop3A_620 = arith.maximumf %parallel_loop3A_560, %parallel_loop3A_619 : vector<16xf32>
        %parallel_loop3A_621 = arith.index_cast %parallel_loop3A_553 : i32 to index
        %parallel_loop3A_622 = arith.constant 112 : index
        %parallel_loop3A_623 = tpu.vector_load %arg6[%parallel_loop3A_621, %parallel_loop3A_622] {strides = array<i32>} : memref<64x512xf32, #tpu.memory_space<vmem>>, vector<1x16xf32>,
        %parallel_loop3A_624 = vector.shape_cast %parallel_loop3A_623 : vector<1x16xf32> to vector<16xf32>
        %parallel_loop3A_625 = arith.maximumf %parallel_loop3A_561, %parallel_loop3A_624 : vector<16xf32>
        %parallel_loop3A_626 = arith.index_cast %parallel_loop3A_553 : i32 to index
        %parallel_loop3A_627 = arith.constant 128 : index
        %parallel_loop3A_628 = tpu.vector_load %arg6[%parallel_loop3A_626, %parallel_loop3A_627] {strides = array<i32>} : memref<64x512xf32, #tpu.memory_space<vmem>>, vector<1x16xf32>,
        %parallel_loop3A_629 = vector.shape_cast %parallel_loop3A_628 : vector<1x16xf32> to vector<16xf32>
        %parallel_loop3A_630 = arith.maximumf %parallel_loop3A_562, %parallel_loop3A_629 : vector<16xf32>
        %parallel_loop3A_631 = arith.index_cast %parallel_loop3A_553 : i32 to index
        %parallel_loop3A_632 = arith.constant 144 : index
        %parallel_loop3A_633 = tpu.vector_load %arg6[%parallel_loop3A_631, %parallel_loop3A_632] {strides = array<i32>} : memref<64x512xf32, #tpu.memory_space<vmem>>, vector<1x16xf32>,
        %parallel_loop3A_634 = vector.shape_cast %parallel_loop3A_633 : vector<1x16xf32> to vector<16xf32>
        %parallel_loop3A_635 = arith.maximumf %parallel_loop3A_563, %parallel_loop3A_634 : vector<16xf32>
        %parallel_loop3A_636 = arith.index_cast %parallel_loop3A_553 : i32 to index
        %parallel_loop3A_637 = arith.constant 160 : index
        %parallel_loop3A_638 = tpu.vector_load %arg6[%parallel_loop3A_636, %parallel_loop3A_637] {strides = array<i32>} : memref<64x512xf32, #tpu.memory_space<vmem>>, vector<1x16xf32>,
        %parallel_loop3A_639 = vector.shape_cast %parallel_loop3A_638 : vector<1x16xf32> to vector<16xf32>
        %parallel_loop3A_640 = arith.maximumf %parallel_loop3A_564, %parallel_loop3A_639 : vector<16xf32>
        %parallel_loop3A_641 = arith.index_cast %parallel_loop3A_553 : i32 to index
        %parallel_loop3A_642 = arith.constant 176 : index
        %parallel_loop3A_643 = tpu.vector_load %arg6[%parallel_loop3A_641, %parallel_loop3A_642] {strides = array<i32>} : memref<64x512xf32, #tpu.memory_space<vmem>>, vector<1x16xf32>,
        %parallel_loop3A_644 = vector.shape_cast %parallel_loop3A_643 : vector<1x16xf32> to vector<16xf32>
        %parallel_loop3A_645 = arith.maximumf %parallel_loop3A_565, %parallel_loop3A_644 : vector<16xf32>
        %parallel_loop3A_646 = arith.index_cast %parallel_loop3A_553 : i32 to index
        %parallel_loop3A_647 = arith.constant 192 : index
        %parallel_loop3A_648 = tpu.vector_load %arg6[%parallel_loop3A_646, %parallel_loop3A_647] {strides = array<i32>} : memref<64x512xf32, #tpu.memory_space<vmem>>, vector<1x16xf32>,
        %parallel_loop3A_649 = vector.shape_cast %parallel_loop3A_648 : vector<1x16xf32> to vector<16xf32>
        %parallel_loop3A_650 = arith.maximumf %parallel_loop3A_566, %parallel_loop3A_649 : vector<16xf32>
        %parallel_loop3A_651 = arith.index_cast %parallel_loop3A_553 : i32 to index
        %parallel_loop3A_652 = arith.constant 208 : index
        %parallel_loop3A_653 = tpu.vector_load %arg6[%parallel_loop3A_651, %parallel_loop3A_652] {strides = array<i32>} : memref<64x512xf32, #tpu.memory_space<vmem>>, vector<1x16xf32>,
        %parallel_loop3A_654 = vector.shape_cast %parallel_loop3A_653 : vector<1x16xf32> to vector<16xf32>
        %parallel_loop3A_655 = arith.maximumf %parallel_loop3A_567, %parallel_loop3A_654 : vector<16xf32>
        %parallel_loop3A_656 = arith.index_cast %parallel_loop3A_553 : i32 to index
        %parallel_loop3A_657 = arith.constant 224 : index
        %parallel_loop3A_658 = tpu.vector_load %arg6[%parallel_loop3A_656, %parallel_loop3A_657] {strides = array<i32>} : memref<64x512xf32, #tpu.memory_space<vmem>>, vector<1x16xf32>,
        %parallel_loop3A_659 = vector.shape_cast %parallel_loop3A_658 : vector<1x16xf32> to vector<16xf32>
        %parallel_loop3A_660 = arith.maximumf %parallel_loop3A_568, %parallel_loop3A_659 : vector<16xf32>
        %parallel_loop3A_661 = arith.index_cast %parallel_loop3A_553 : i32 to index
        %parallel_loop3A_662 = arith.constant 240 : index
        %parallel_loop3A_663 = tpu.vector_load %arg6[%parallel_loop3A_661, %parallel_loop3A_662] {strides = array<i32>} : memref<64x512xf32, #tpu.memory_space<vmem>>, vector<1x16xf32>,
        %parallel_loop3A_664 = vector.shape_cast %parallel_loop3A_663 : vector<1x16xf32> to vector<16xf32>
        %parallel_loop3A_665 = arith.maximumf %parallel_loop3A_569, %parallel_loop3A_664 : vector<16xf32>
        %parallel_loop3A_666 = arith.index_cast %parallel_loop3A_553 : i32 to index
        %parallel_loop3A_667 = arith.constant 256 : index
        %parallel_loop3A_668 = tpu.vector_load %arg6[%parallel_loop3A_666, %parallel_loop3A_667] {strides = array<i32>} : memref<64x512xf32, #tpu.memory_space<vmem>>, vector<1x16xf32>,
        %parallel_loop3A_669 = vector.shape_cast %parallel_loop3A_668 : vector<1x16xf32> to vector<16xf32>
        %parallel_loop3A_670 = arith.maximumf %parallel_loop3A_570, %parallel_loop3A_669 : vector<16xf32>
        %parallel_loop3A_671 = arith.index_cast %parallel_loop3A_553 : i32 to index
        %parallel_loop3A_672 = arith.constant 272 : index
        %parallel_loop3A_673 = tpu.vector_load %arg6[%parallel_loop3A_671, %parallel_loop3A_672] {strides = array<i32>} : memref<64x512xf32, #tpu.memory_space<vmem>>, vector<1x16xf32>,
        %parallel_loop3A_674 = vector.shape_cast %parallel_loop3A_673 : vector<1x16xf32> to vector<16xf32>
        %parallel_loop3A_675 = arith.maximumf %parallel_loop3A_571, %parallel_loop3A_674 : vector<16xf32>
        %parallel_loop3A_676 = arith.index_cast %parallel_loop3A_553 : i32 to index
        %parallel_loop3A_677 = arith.constant 288 : index
        %parallel_loop3A_678 = tpu.vector_load %arg6[%parallel_loop3A_676, %parallel_loop3A_677] {strides = array<i32>} : memref<64x512xf32, #tpu.memory_space<vmem>>, vector<1x16xf32>,
        %parallel_loop3A_679 = vector.shape_cast %parallel_loop3A_678 : vector<1x16xf32> to vector<16xf32>
        %parallel_loop3A_680 = arith.maximumf %parallel_loop3A_572, %parallel_loop3A_679 : vector<16xf32>
        %parallel_loop3A_681 = arith.index_cast %parallel_loop3A_553 : i32 to index
        %parallel_loop3A_682 = arith.constant 304 : index
        %parallel_loop3A_683 = tpu.vector_load %arg6[%parallel_loop3A_681, %parallel_loop3A_682] {strides = array<i32>} : memref<64x512xf32, #tpu.memory_space<vmem>>, vector<1x16xf32>,
        %parallel_loop3A_684 = vector.shape_cast %parallel_loop3A_683 : vector<1x16xf32> to vector<16xf32>
        %parallel_loop3A_685 = arith.maximumf %parallel_loop3A_573, %parallel_loop3A_684 : vector<16xf32>
        %parallel_loop3A_686 = arith.index_cast %parallel_loop3A_553 : i32 to index
        %parallel_loop3A_687 = arith.constant 320 : index
        %parallel_loop3A_688 = tpu.vector_load %arg6[%parallel_loop3A_686, %parallel_loop3A_687] {strides = array<i32>} : memref<64x512xf32, #tpu.memory_space<vmem>>, vector<1x16xf32>,
        %parallel_loop3A_689 = vector.shape_cast %parallel_loop3A_688 : vector<1x16xf32> to vector<16xf32>
        %parallel_loop3A_690 = arith.maximumf %parallel_loop3A_574, %parallel_loop3A_689 : vector<16xf32>
        %parallel_loop3A_691 = arith.index_cast %parallel_loop3A_553 : i32 to index
        %parallel_loop3A_692 = arith.constant 336 : index
        %parallel_loop3A_693 = tpu.vector_load %arg6[%parallel_loop3A_691, %parallel_loop3A_692] {strides = array<i32>} : memref<64x512xf32, #tpu.memory_space<vmem>>, vector<1x16xf32>,
        %parallel_loop3A_694 = vector.shape_cast %parallel_loop3A_693 : vector<1x16xf32> to vector<16xf32>
        %parallel_loop3A_695 = arith.maximumf %parallel_loop3A_575, %parallel_loop3A_694 : vector<16xf32>
        %parallel_loop3A_696 = arith.index_cast %parallel_loop3A_553 : i32 to index
        %parallel_loop3A_697 = arith.constant 352 : index
        %parallel_loop3A_698 = tpu.vector_load %arg6[%parallel_loop3A_696, %parallel_loop3A_697] {strides = array<i32>} : memref<64x512xf32, #tpu.memory_space<vmem>>, vector<1x16xf32>,
        %parallel_loop3A_699 = vector.shape_cast %parallel_loop3A_698 : vector<1x16xf32> to vector<16xf32>
        %parallel_loop3A_700 = arith.maximumf %parallel_loop3A_576, %parallel_loop3A_699 : vector<16xf32>
        %parallel_loop3A_701 = arith.index_cast %parallel_loop3A_553 : i32 to index
        %parallel_loop3A_702 = arith.constant 368 : index
        %parallel_loop3A_703 = tpu.vector_load %arg6[%parallel_loop3A_701, %parallel_loop3A_702] {strides = array<i32>} : memref<64x512xf32, #tpu.memory_space<vmem>>, vector<1x16xf32>,
        %parallel_loop3A_704 = vector.shape_cast %parallel_loop3A_703 : vector<1x16xf32> to vector<16xf32>
        %parallel_loop3A_705 = arith.maximumf %parallel_loop3A_577, %parallel_loop3A_704 : vector<16xf32>
        %parallel_loop3A_706 = arith.index_cast %parallel_loop3A_553 : i32 to index
        %parallel_loop3A_707 = arith.constant 384 : index
        %parallel_loop3A_708 = tpu.vector_load %arg6[%parallel_loop3A_706, %parallel_loop3A_707] {strides = array<i32>} : memref<64x512xf32, #tpu.memory_space<vmem>>, vector<1x16xf32>,
        %parallel_loop3A_709 = vector.shape_cast %parallel_loop3A_708 : vector<1x16xf32> to vector<16xf32>
        %parallel_loop3A_710 = arith.maximumf %parallel_loop3A_578, %parallel_loop3A_709 : vector<16xf32>
        %parallel_loop3A_711 = arith.index_cast %parallel_loop3A_553 : i32 to index
        %parallel_loop3A_712 = arith.constant 400 : index
        %parallel_loop3A_713 = tpu.vector_load %arg6[%parallel_loop3A_711, %parallel_loop3A_712] {strides = array<i32>} : memref<64x512xf32, #tpu.memory_space<vmem>>, vector<1x16xf32>,
        %parallel_loop3A_714 = vector.shape_cast %parallel_loop3A_713 : vector<1x16xf32> to vector<16xf32>
        %parallel_loop3A_715 = arith.maximumf %parallel_loop3A_579, %parallel_loop3A_714 : vector<16xf32>
        %parallel_loop3A_716 = arith.index_cast %parallel_loop3A_553 : i32 to index
        %parallel_loop3A_717 = arith.constant 416 : index
        %parallel_loop3A_718 = tpu.vector_load %arg6[%parallel_loop3A_716, %parallel_loop3A_717] {strides = array<i32>} : memref<64x512xf32, #tpu.memory_space<vmem>>, vector<1x16xf32>,
        %parallel_loop3A_719 = vector.shape_cast %parallel_loop3A_718 : vector<1x16xf32> to vector<16xf32>
        %parallel_loop3A_720 = arith.maximumf %parallel_loop3A_580, %parallel_loop3A_719 : vector<16xf32>
        %parallel_loop3A_721 = arith.index_cast %parallel_loop3A_553 : i32 to index
        %parallel_loop3A_722 = arith.constant 432 : index
        %parallel_loop3A_723 = tpu.vector_load %arg6[%parallel_loop3A_721, %parallel_loop3A_722] {strides = array<i32>} : memref<64x512xf32, #tpu.memory_space<vmem>>, vector<1x16xf32>,
        %parallel_loop3A_724 = vector.shape_cast %parallel_loop3A_723 : vector<1x16xf32> to vector<16xf32>
        %parallel_loop3A_725 = arith.maximumf %parallel_loop3A_581, %parallel_loop3A_724 : vector<16xf32>
        %parallel_loop3A_726 = arith.index_cast %parallel_loop3A_553 : i32 to index
        %parallel_loop3A_727 = arith.constant 448 : index
        %parallel_loop3A_728 = tpu.vector_load %arg6[%parallel_loop3A_726, %parallel_loop3A_727] {strides = array<i32>} : memref<64x512xf32, #tpu.memory_space<vmem>>, vector<1x16xf32>,
        %parallel_loop3A_729 = vector.shape_cast %parallel_loop3A_728 : vector<1x16xf32> to vector<16xf32>
        %parallel_loop3A_730 = arith.maximumf %parallel_loop3A_582, %parallel_loop3A_729 : vector<16xf32>
        %parallel_loop3A_731 = arith.index_cast %parallel_loop3A_553 : i32 to index
        %parallel_loop3A_732 = arith.constant 464 : index
        %parallel_loop3A_733 = tpu.vector_load %arg6[%parallel_loop3A_731, %parallel_loop3A_732] {strides = array<i32>} : memref<64x512xf32, #tpu.memory_space<vmem>>, vector<1x16xf32>,
        %parallel_loop3A_734 = vector.shape_cast %parallel_loop3A_733 : vector<1x16xf32> to vector<16xf32>
        %parallel_loop3A_735 = arith.maximumf %parallel_loop3A_583, %parallel_loop3A_734 : vector<16xf32>
        %parallel_loop3A_736 = arith.index_cast %parallel_loop3A_553 : i32 to index
        %parallel_loop3A_737 = arith.constant 480 : index
        %parallel_loop3A_738 = tpu.vector_load %arg6[%parallel_loop3A_736, %parallel_loop3A_737] {strides = array<i32>} : memref<64x512xf32, #tpu.memory_space<vmem>>, vector<1x16xf32>,
        %parallel_loop3A_739 = vector.shape_cast %parallel_loop3A_738 : vector<1x16xf32> to vector<16xf32>
        %parallel_loop3A_740 = arith.maximumf %parallel_loop3A_584, %parallel_loop3A_739 : vector<16xf32>
        %parallel_loop3A_741 = arith.index_cast %parallel_loop3A_553 : i32 to index
        %parallel_loop3A_742 = arith.constant 496 : index
        %parallel_loop3A_743 = tpu.vector_load %arg6[%parallel_loop3A_741, %parallel_loop3A_742] {strides = array<i32>} : memref<64x512xf32, #tpu.memory_space<vmem>>, vector<1x16xf32>,
        %parallel_loop3A_744 = vector.shape_cast %parallel_loop3A_743 : vector<1x16xf32> to vector<16xf32>
        %parallel_loop3A_745 = arith.maximumf %parallel_loop3A_585, %parallel_loop3A_744 : vector<16xf32>
        scf.yield %parallel_loop3A_590, %parallel_loop3A_595, %parallel_loop3A_600, %parallel_loop3A_605, %parallel_loop3A_610, %parallel_loop3A_615, %parallel_loop3A_620, %parallel_loop3A_625, %parallel_loop3A_630, %parallel_loop3A_635, %parallel_loop3A_640, %parallel_loop3A_645, %parallel_loop3A_650, %parallel_loop3A_655, %parallel_loop3A_660, %parallel_loop3A_665, %parallel_loop3A_670, %parallel_loop3A_675, %parallel_loop3A_680, %parallel_loop3A_685, %parallel_loop3A_690, %parallel_loop3A_695, %parallel_loop3A_700, %parallel_loop3A_705, %parallel_loop3A_710, %parallel_loop3A_715, %parallel_loop3A_720, %parallel_loop3A_725, %parallel_loop3A_730, %parallel_loop3A_735, %parallel_loop3A_740, %parallel_loop3A_745 : vector<16xf32>, vector<16xf32>, vector<16xf32>, vector<16xf32>, vector<16xf32>, vector<16xf32>, vector<16xf32>, vector<16xf32>, vector<16xf32>, vector<16xf32>, vector<16xf32>, vector<16xf32>, vector<16xf32>, vector<16xf32>, vector<16xf32>, vector<16xf32>, vector<16xf32>, vector<16xf32>, vector<16xf32>, vector<16xf32>, vector<16xf32>, vector<16xf32>, vector<16xf32>, vector<16xf32>, vector<16xf32>, vector<16xf32>, vector<16xf32>, vector<16xf32>, vector<16xf32>, vector<16xf32>, vector<16xf32>, vector<16xf32>
      } {sc.loop_unroll_factor = 2 : i64, sc.parallel_access}
      %add3A_530 = arith.constant 1 : i32
      %add3A_531 = arith.addi %add3A_509, %add3A_530 : i32
      %lt3A_532 = arith.cmpi slt, %add3A_531, %select_n3A_56 : i32
      %convert_element_type3A_533 = arith.extui %lt3A_532 : i1 to i32
      %cond3A_534 = arith.constant 0 : i32
      %cond3A_535 = arith.cmpi ne, %convert_element_type3A_533, %cond3A_534 : i32
      scf.if %cond3A_535 {
        %add3A_553 = arith.constant 1 : i32
        %add3A_554 = arith.addi %add3A_509, %add3A_553 : i32
        %mul3A_555 = arith.constant 64 : i32
        %mul3A_556 = arith.muli %add3A_554, %mul3A_555 : i32
        %add3A_557 = arith.addi %mul3A_27, %mul3A_556 : i32
        %min3A_558 = arith.constant 99936 : i32
        %min3A_559 = arith.minsi %add3A_557, %min3A_558 : i32
        %dma_start3A_560 = arith.constant 0 : i32
        %dma_start3A_561 = tpu.memref_slice %arg2[%min3A_559, %dma_start3A_560] : memref<100000x512xf32, #tpu.memory_space<hbm>> -> memref<64x512xf32, #tpu.memory_space<hbm>>
        %dma_start3A_562 = arith.constant 0 : i32
        %dma_start3A_563 = tpu.memref_slice %arg2[%min3A_559, %dma_start3A_562] : memref<100000x512xf32, #tpu.memory_space<hbm>> -> memref<64x512xf32, #tpu.memory_space<hbm>>
        tpu.enqueue_dma source(%dma_start3A_563 : memref<64x512xf32, #tpu.memory_space<hbm>>) target(%arg6 : memref<64x512xf32, #tpu.memory_space<vmem>>) target_semaphore(%arg9 : memref<!tpu.dma_semaphore, #tpu.memory_space<semaphore_mem>>)
      } else {
      }
      %lt3A_536 = arith.cmpi slt, %add3A_509, %select_n3A_56 : i32
      %convert_element_type3A_537 = arith.extui %lt3A_536 : i1 to i32
      %cond3A_538 = arith.constant 0 : i32
      %cond3A_539 = arith.cmpi ne, %convert_element_type3A_537, %cond3A_538 : i32
      scf.if %cond3A_539 {
        %dma_wait3A_553 = arith.constant 0 : i32
        %dma_wait3A_554 = arith.constant 0 : i32
        %dma_wait3A_555 = tpu.memref_slice %arg2[%dma_wait3A_553, %dma_wait3A_554] : memref<100000x512xf32, #tpu.memory_space<hbm>> -> memref<64x512xf32, #tpu.memory_space<hbm>>
        %dma_wait3A_556 = arith.constant 0 : i32
        %dma_wait3A_557 = arith.constant 0 : i32
        %dma_wait3A_558 = tpu.memref_slice %arg2[%dma_wait3A_556, %dma_wait3A_557] : memref<100000x512xf32, #tpu.memory_space<hbm>> -> memref<64x512xf32, #tpu.memory_space<hbm>>
        tpu.wait_dma2 semaphore(%arg10 : memref<!tpu.dma_semaphore, #tpu.memory_space<semaphore_mem>>) src(%dma_wait3A_558 : memref<64x512xf32, #tpu.memory_space<hbm>>) dst(%arg7 : memref<64x512xf32, #tpu.memory_space<vmem>>)
      } else {
      }
      %mul3A_540 = arith.constant 64 : i32
      %mul3A_541 = arith.muli %add3A_509, %mul3A_540 : i32
      %add3A_542 = arith.addi %mul3A_27, %mul3A_541 : i32
      %min3A_543 = arith.constant 99936 : i32
      %min3A_544 = arith.minsi %add3A_542, %min3A_543 : i32
      %sub3A_545 = arith.subi %min3A_5, %min3A_544 : i32
      %max3A_546 = arith.constant 0 : i32
      %max3A_547 = arith.maxsi %sub3A_545, %max3A_546 : i32
      %sub3A_548 = arith.subi %min3A_9, %min3A_544 : i32
      %min3A_549 = arith.constant 64 : i32
      %min3A_550 = arith.minsi %sub3A_548, %min3A_549 : i32
      %parallel_loop3A_551 = arith.constant 1 : i32
      %parallel_loop3A_552:32 = scf.for %parallel_loop3A_553 = %max3A_547 to %min3A_550 step %parallel_loop3A_551 iter_args(%parallel_loop3A_554 = %parallel_loop3A_529#0, %parallel_loop3A_555 = %parallel_loop3A_529#1, %parallel_loop3A_556 = %parallel_loop3A_529#2, %parallel_loop3A_557 = %parallel_loop3A_529#3, %parallel_loop3A_558 = %parallel_loop3A_529#4, %parallel_loop3A_559 = %parallel_loop3A_529#5, %parallel_loop3A_560 = %parallel_loop3A_529#6, %parallel_loop3A_561 = %parallel_loop3A_529#7, %parallel_loop3A_562 = %parallel_loop3A_529#8, %parallel_loop3A_563 = %parallel_loop3A_529#9, %parallel_loop3A_564 = %parallel_loop3A_529#10, %parallel_loop3A_565 = %parallel_loop3A_529#11, %parallel_loop3A_566 = %parallel_loop3A_529#12, %parallel_loop3A_567 = %parallel_loop3A_529#13, %parallel_loop3A_568 = %parallel_loop3A_529#14, %parallel_loop3A_569 = %parallel_loop3A_529#15, %parallel_loop3A_570 = %parallel_loop3A_529#16, %parallel_loop3A_571 = %parallel_loop3A_529#17, %parallel_loop3A_572 = %parallel_loop3A_529#18, %parallel_loop3A_573 = %parallel_loop3A_529#19, %parallel_loop3A_574 = %parallel_loop3A_529#20, %parallel_loop3A_575 = %parallel_loop3A_529#21, %parallel_loop3A_576 = %parallel_loop3A_529#22, %parallel_loop3A_577 = %parallel_loop3A_529#23, %parallel_loop3A_578 = %parallel_loop3A_529#24, %parallel_loop3A_579 = %parallel_loop3A_529#25, %parallel_loop3A_580 = %parallel_loop3A_529#26, %parallel_loop3A_581 = %parallel_loop3A_529#27, %parallel_loop3A_582 = %parallel_loop3A_529#28, %parallel_loop3A_583 = %parallel_loop3A_529#29, %parallel_loop3A_584 = %parallel_loop3A_529#30, %parallel_loop3A_585 = %parallel_loop3A_529#31) -> (vector<16xf32>, vector<16xf32>, vector<16xf32>, vector<16xf32>, vector<16xf32>, vector<16xf32>, vector<16xf32>, vector<16xf32>, vector<16xf32>, vector<16xf32>, vector<16xf32>, vector<16xf32>, vector<16xf32>, vector<16xf32>, vector<16xf32>, vector<16xf32>, vector<16xf32>, vector<16xf32>, vector<16xf32>, vector<16xf32>, vector<16xf32>, vector<16xf32>, vector<16xf32>, vector<16xf32>, vector<16xf32>, vector<16xf32>, vector<16xf32>, vector<16xf32>, vector<16xf32>, vector<16xf32>, vector<16xf32>, vector<16xf32>)  : i32 {
        %parallel_loop3A_586 = arith.index_cast %parallel_loop3A_553 : i32 to index
        %parallel_loop3A_587 = arith.constant 0 : index
        %parallel_loop3A_588 = tpu.vector_load %arg7[%parallel_loop3A_586, %parallel_loop3A_587] {strides = array<i32>} : memref<64x512xf32, #tpu.memory_space<vmem>>, vector<1x16xf32>,
        %parallel_loop3A_589 = vector.shape_cast %parallel_loop3A_588 : vector<1x16xf32> to vector<16xf32>
        %parallel_loop3A_590 = arith.maximumf %parallel_loop3A_554, %parallel_loop3A_589 : vector<16xf32>
        %parallel_loop3A_591 = arith.index_cast %parallel_loop3A_553 : i32 to index
        %parallel_loop3A_592 = arith.constant 16 : index
        %parallel_loop3A_593 = tpu.vector_load %arg7[%parallel_loop3A_591, %parallel_loop3A_592] {strides = array<i32>} : memref<64x512xf32, #tpu.memory_space<vmem>>, vector<1x16xf32>,
        %parallel_loop3A_594 = vector.shape_cast %parallel_loop3A_593 : vector<1x16xf32> to vector<16xf32>
        %parallel_loop3A_595 = arith.maximumf %parallel_loop3A_555, %parallel_loop3A_594 : vector<16xf32>
        %parallel_loop3A_596 = arith.index_cast %parallel_loop3A_553 : i32 to index
        %parallel_loop3A_597 = arith.constant 32 : index
        %parallel_loop3A_598 = tpu.vector_load %arg7[%parallel_loop3A_596, %parallel_loop3A_597] {strides = array<i32>} : memref<64x512xf32, #tpu.memory_space<vmem>>, vector<1x16xf32>,
        %parallel_loop3A_599 = vector.shape_cast %parallel_loop3A_598 : vector<1x16xf32> to vector<16xf32>
        %parallel_loop3A_600 = arith.maximumf %parallel_loop3A_556, %parallel_loop3A_599 : vector<16xf32>
        %parallel_loop3A_601 = arith.index_cast %parallel_loop3A_553 : i32 to index
        %parallel_loop3A_602 = arith.constant 48 : index
        %parallel_loop3A_603 = tpu.vector_load %arg7[%parallel_loop3A_601, %parallel_loop3A_602] {strides = array<i32>} : memref<64x512xf32, #tpu.memory_space<vmem>>, vector<1x16xf32>,
        %parallel_loop3A_604 = vector.shape_cast %parallel_loop3A_603 : vector<1x16xf32> to vector<16xf32>
        %parallel_loop3A_605 = arith.maximumf %parallel_loop3A_557, %parallel_loop3A_604 : vector<16xf32>
        %parallel_loop3A_606 = arith.index_cast %parallel_loop3A_553 : i32 to index
        %parallel_loop3A_607 = arith.constant 64 : index
        %parallel_loop3A_608 = tpu.vector_load %arg7[%parallel_loop3A_606, %parallel_loop3A_607] {strides = array<i32>} : memref<64x512xf32, #tpu.memory_space<vmem>>, vector<1x16xf32>,
        %parallel_loop3A_609 = vector.shape_cast %parallel_loop3A_608 : vector<1x16xf32> to vector<16xf32>
        %parallel_loop3A_610 = arith.maximumf %parallel_loop3A_558, %parallel_loop3A_609 : vector<16xf32>
        %parallel_loop3A_611 = arith.index_cast %parallel_loop3A_553 : i32 to index
        %parallel_loop3A_612 = arith.constant 80 : index
        %parallel_loop3A_613 = tpu.vector_load %arg7[%parallel_loop3A_611, %parallel_loop3A_612] {strides = array<i32>} : memref<64x512xf32, #tpu.memory_space<vmem>>, vector<1x16xf32>,
        %parallel_loop3A_614 = vector.shape_cast %parallel_loop3A_613 : vector<1x16xf32> to vector<16xf32>
        %parallel_loop3A_615 = arith.maximumf %parallel_loop3A_559, %parallel_loop3A_614 : vector<16xf32>
        %parallel_loop3A_616 = arith.index_cast %parallel_loop3A_553 : i32 to index
        %parallel_loop3A_617 = arith.constant 96 : index
        %parallel_loop3A_618 = tpu.vector_load %arg7[%parallel_loop3A_616, %parallel_loop3A_617] {strides = array<i32>} : memref<64x512xf32, #tpu.memory_space<vmem>>, vector<1x16xf32>,
        %parallel_loop3A_619 = vector.shape_cast %parallel_loop3A_618 : vector<1x16xf32> to vector<16xf32>
        %parallel_loop3A_620 = arith.maximumf %parallel_loop3A_560, %parallel_loop3A_619 : vector<16xf32>
        %parallel_loop3A_621 = arith.index_cast %parallel_loop3A_553 : i32 to index
        %parallel_loop3A_622 = arith.constant 112 : index
        %parallel_loop3A_623 = tpu.vector_load %arg7[%parallel_loop3A_621, %parallel_loop3A_622] {strides = array<i32>} : memref<64x512xf32, #tpu.memory_space<vmem>>, vector<1x16xf32>,
        %parallel_loop3A_624 = vector.shape_cast %parallel_loop3A_623 : vector<1x16xf32> to vector<16xf32>
        %parallel_loop3A_625 = arith.maximumf %parallel_loop3A_561, %parallel_loop3A_624 : vector<16xf32>
        %parallel_loop3A_626 = arith.index_cast %parallel_loop3A_553 : i32 to index
        %parallel_loop3A_627 = arith.constant 128 : index
        %parallel_loop3A_628 = tpu.vector_load %arg7[%parallel_loop3A_626, %parallel_loop3A_627] {strides = array<i32>} : memref<64x512xf32, #tpu.memory_space<vmem>>, vector<1x16xf32>,
        %parallel_loop3A_629 = vector.shape_cast %parallel_loop3A_628 : vector<1x16xf32> to vector<16xf32>
        %parallel_loop3A_630 = arith.maximumf %parallel_loop3A_562, %parallel_loop3A_629 : vector<16xf32>
        %parallel_loop3A_631 = arith.index_cast %parallel_loop3A_553 : i32 to index
        %parallel_loop3A_632 = arith.constant 144 : index
        %parallel_loop3A_633 = tpu.vector_load %arg7[%parallel_loop3A_631, %parallel_loop3A_632] {strides = array<i32>} : memref<64x512xf32, #tpu.memory_space<vmem>>, vector<1x16xf32>,
        %parallel_loop3A_634 = vector.shape_cast %parallel_loop3A_633 : vector<1x16xf32> to vector<16xf32>
        %parallel_loop3A_635 = arith.maximumf %parallel_loop3A_563, %parallel_loop3A_634 : vector<16xf32>
        %parallel_loop3A_636 = arith.index_cast %parallel_loop3A_553 : i32 to index
        %parallel_loop3A_637 = arith.constant 160 : index
        %parallel_loop3A_638 = tpu.vector_load %arg7[%parallel_loop3A_636, %parallel_loop3A_637] {strides = array<i32>} : memref<64x512xf32, #tpu.memory_space<vmem>>, vector<1x16xf32>,
        %parallel_loop3A_639 = vector.shape_cast %parallel_loop3A_638 : vector<1x16xf32> to vector<16xf32>
        %parallel_loop3A_640 = arith.maximumf %parallel_loop3A_564, %parallel_loop3A_639 : vector<16xf32>
        %parallel_loop3A_641 = arith.index_cast %parallel_loop3A_553 : i32 to index
        %parallel_loop3A_642 = arith.constant 176 : index
        %parallel_loop3A_643 = tpu.vector_load %arg7[%parallel_loop3A_641, %parallel_loop3A_642] {strides = array<i32>} : memref<64x512xf32, #tpu.memory_space<vmem>>, vector<1x16xf32>,
        %parallel_loop3A_644 = vector.shape_cast %parallel_loop3A_643 : vector<1x16xf32> to vector<16xf32>
        %parallel_loop3A_645 = arith.maximumf %parallel_loop3A_565, %parallel_loop3A_644 : vector<16xf32>
        %parallel_loop3A_646 = arith.index_cast %parallel_loop3A_553 : i32 to index
        %parallel_loop3A_647 = arith.constant 192 : index
        %parallel_loop3A_648 = tpu.vector_load %arg7[%parallel_loop3A_646, %parallel_loop3A_647] {strides = array<i32>} : memref<64x512xf32, #tpu.memory_space<vmem>>, vector<1x16xf32>,
        %parallel_loop3A_649 = vector.shape_cast %parallel_loop3A_648 : vector<1x16xf32> to vector<16xf32>
        %parallel_loop3A_650 = arith.maximumf %parallel_loop3A_566, %parallel_loop3A_649 : vector<16xf32>
        %parallel_loop3A_651 = arith.index_cast %parallel_loop3A_553 : i32 to index
        %parallel_loop3A_652 = arith.constant 208 : index
        %parallel_loop3A_653 = tpu.vector_load %arg7[%parallel_loop3A_651, %parallel_loop3A_652] {strides = array<i32>} : memref<64x512xf32, #tpu.memory_space<vmem>>, vector<1x16xf32>,
        %parallel_loop3A_654 = vector.shape_cast %parallel_loop3A_653 : vector<1x16xf32> to vector<16xf32>
        %parallel_loop3A_655 = arith.maximumf %parallel_loop3A_567, %parallel_loop3A_654 : vector<16xf32>
        %parallel_loop3A_656 = arith.index_cast %parallel_loop3A_553 : i32 to index
        %parallel_loop3A_657 = arith.constant 224 : index
        %parallel_loop3A_658 = tpu.vector_load %arg7[%parallel_loop3A_656, %parallel_loop3A_657] {strides = array<i32>} : memref<64x512xf32, #tpu.memory_space<vmem>>, vector<1x16xf32>,
        %parallel_loop3A_659 = vector.shape_cast %parallel_loop3A_658 : vector<1x16xf32> to vector<16xf32>
        %parallel_loop3A_660 = arith.maximumf %parallel_loop3A_568, %parallel_loop3A_659 : vector<16xf32>
        %parallel_loop3A_661 = arith.index_cast %parallel_loop3A_553 : i32 to index
        %parallel_loop3A_662 = arith.constant 240 : index
        %parallel_loop3A_663 = tpu.vector_load %arg7[%parallel_loop3A_661, %parallel_loop3A_662] {strides = array<i32>} : memref<64x512xf32, #tpu.memory_space<vmem>>, vector<1x16xf32>,
        %parallel_loop3A_664 = vector.shape_cast %parallel_loop3A_663 : vector<1x16xf32> to vector<16xf32>
        %parallel_loop3A_665 = arith.maximumf %parallel_loop3A_569, %parallel_loop3A_664 : vector<16xf32>
        %parallel_loop3A_666 = arith.index_cast %parallel_loop3A_553 : i32 to index
        %parallel_loop3A_667 = arith.constant 256 : index
        %parallel_loop3A_668 = tpu.vector_load %arg7[%parallel_loop3A_666, %parallel_loop3A_667] {strides = array<i32>} : memref<64x512xf32, #tpu.memory_space<vmem>>, vector<1x16xf32>,
        %parallel_loop3A_669 = vector.shape_cast %parallel_loop3A_668 : vector<1x16xf32> to vector<16xf32>
        %parallel_loop3A_670 = arith.maximumf %parallel_loop3A_570, %parallel_loop3A_669 : vector<16xf32>
        %parallel_loop3A_671 = arith.index_cast %parallel_loop3A_553 : i32 to index
        %parallel_loop3A_672 = arith.constant 272 : index
        %parallel_loop3A_673 = tpu.vector_load %arg7[%parallel_loop3A_671, %parallel_loop3A_672] {strides = array<i32>} : memref<64x512xf32, #tpu.memory_space<vmem>>, vector<1x16xf32>,
        %parallel_loop3A_674 = vector.shape_cast %parallel_loop3A_673 : vector<1x16xf32> to vector<16xf32>
        %parallel_loop3A_675 = arith.maximumf %parallel_loop3A_571, %parallel_loop3A_674 : vector<16xf32>
        %parallel_loop3A_676 = arith.index_cast %parallel_loop3A_553 : i32 to index
        %parallel_loop3A_677 = arith.constant 288 : index
        %parallel_loop3A_678 = tpu.vector_load %arg7[%parallel_loop3A_676, %parallel_loop3A_677] {strides = array<i32>} : memref<64x512xf32, #tpu.memory_space<vmem>>, vector<1x16xf32>,
        %parallel_loop3A_679 = vector.shape_cast %parallel_loop3A_678 : vector<1x16xf32> to vector<16xf32>
        %parallel_loop3A_680 = arith.maximumf %parallel_loop3A_572, %parallel_loop3A_679 : vector<16xf32>
        %parallel_loop3A_681 = arith.index_cast %parallel_loop3A_553 : i32 to index
        %parallel_loop3A_682 = arith.constant 304 : index
        %parallel_loop3A_683 = tpu.vector_load %arg7[%parallel_loop3A_681, %parallel_loop3A_682] {strides = array<i32>} : memref<64x512xf32, #tpu.memory_space<vmem>>, vector<1x16xf32>,
        %parallel_loop3A_684 = vector.shape_cast %parallel_loop3A_683 : vector<1x16xf32> to vector<16xf32>
        %parallel_loop3A_685 = arith.maximumf %parallel_loop3A_573, %parallel_loop3A_684 : vector<16xf32>
        %parallel_loop3A_686 = arith.index_cast %parallel_loop3A_553 : i32 to index
        %parallel_loop3A_687 = arith.constant 320 : index
        %parallel_loop3A_688 = tpu.vector_load %arg7[%parallel_loop3A_686, %parallel_loop3A_687] {strides = array<i32>} : memref<64x512xf32, #tpu.memory_space<vmem>>, vector<1x16xf32>,
        %parallel_loop3A_689 = vector.shape_cast %parallel_loop3A_688 : vector<1x16xf32> to vector<16xf32>
        %parallel_loop3A_690 = arith.maximumf %parallel_loop3A_574, %parallel_loop3A_689 : vector<16xf32>
        %parallel_loop3A_691 = arith.index_cast %parallel_loop3A_553 : i32 to index
        %parallel_loop3A_692 = arith.constant 336 : index
        %parallel_loop3A_693 = tpu.vector_load %arg7[%parallel_loop3A_691, %parallel_loop3A_692] {strides = array<i32>} : memref<64x512xf32, #tpu.memory_space<vmem>>, vector<1x16xf32>,
        %parallel_loop3A_694 = vector.shape_cast %parallel_loop3A_693 : vector<1x16xf32> to vector<16xf32>
        %parallel_loop3A_695 = arith.maximumf %parallel_loop3A_575, %parallel_loop3A_694 : vector<16xf32>
        %parallel_loop3A_696 = arith.index_cast %parallel_loop3A_553 : i32 to index
        %parallel_loop3A_697 = arith.constant 352 : index
        %parallel_loop3A_698 = tpu.vector_load %arg7[%parallel_loop3A_696, %parallel_loop3A_697] {strides = array<i32>} : memref<64x512xf32, #tpu.memory_space<vmem>>, vector<1x16xf32>,
        %parallel_loop3A_699 = vector.shape_cast %parallel_loop3A_698 : vector<1x16xf32> to vector<16xf32>
        %parallel_loop3A_700 = arith.maximumf %parallel_loop3A_576, %parallel_loop3A_699 : vector<16xf32>
        %parallel_loop3A_701 = arith.index_cast %parallel_loop3A_553 : i32 to index
        %parallel_loop3A_702 = arith.constant 368 : index
        %parallel_loop3A_703 = tpu.vector_load %arg7[%parallel_loop3A_701, %parallel_loop3A_702] {strides = array<i32>} : memref<64x512xf32, #tpu.memory_space<vmem>>, vector<1x16xf32>,
        %parallel_loop3A_704 = vector.shape_cast %parallel_loop3A_703 : vector<1x16xf32> to vector<16xf32>
        %parallel_loop3A_705 = arith.maximumf %parallel_loop3A_577, %parallel_loop3A_704 : vector<16xf32>
        %parallel_loop3A_706 = arith.index_cast %parallel_loop3A_553 : i32 to index
        %parallel_loop3A_707 = arith.constant 384 : index
        %parallel_loop3A_708 = tpu.vector_load %arg7[%parallel_loop3A_706, %parallel_loop3A_707] {strides = array<i32>} : memref<64x512xf32, #tpu.memory_space<vmem>>, vector<1x16xf32>,
        %parallel_loop3A_709 = vector.shape_cast %parallel_loop3A_708 : vector<1x16xf32> to vector<16xf32>
        %parallel_loop3A_710 = arith.maximumf %parallel_loop3A_578, %parallel_loop3A_709 : vector<16xf32>
        %parallel_loop3A_711 = arith.index_cast %parallel_loop3A_553 : i32 to index
        %parallel_loop3A_712 = arith.constant 400 : index
        %parallel_loop3A_713 = tpu.vector_load %arg7[%parallel_loop3A_711, %parallel_loop3A_712] {strides = array<i32>} : memref<64x512xf32, #tpu.memory_space<vmem>>, vector<1x16xf32>,
        %parallel_loop3A_714 = vector.shape_cast %parallel_loop3A_713 : vector<1x16xf32> to vector<16xf32>
        %parallel_loop3A_715 = arith.maximumf %parallel_loop3A_579, %parallel_loop3A_714 : vector<16xf32>
        %parallel_loop3A_716 = arith.index_cast %parallel_loop3A_553 : i32 to index
        %parallel_loop3A_717 = arith.constant 416 : index
        %parallel_loop3A_718 = tpu.vector_load %arg7[%parallel_loop3A_716, %parallel_loop3A_717] {strides = array<i32>} : memref<64x512xf32, #tpu.memory_space<vmem>>, vector<1x16xf32>,
        %parallel_loop3A_719 = vector.shape_cast %parallel_loop3A_718 : vector<1x16xf32> to vector<16xf32>
        %parallel_loop3A_720 = arith.maximumf %parallel_loop3A_580, %parallel_loop3A_719 : vector<16xf32>
        %parallel_loop3A_721 = arith.index_cast %parallel_loop3A_553 : i32 to index
        %parallel_loop3A_722 = arith.constant 432 : index
        %parallel_loop3A_723 = tpu.vector_load %arg7[%parallel_loop3A_721, %parallel_loop3A_722] {strides = array<i32>} : memref<64x512xf32, #tpu.memory_space<vmem>>, vector<1x16xf32>,
        %parallel_loop3A_724 = vector.shape_cast %parallel_loop3A_723 : vector<1x16xf32> to vector<16xf32>
        %parallel_loop3A_725 = arith.maximumf %parallel_loop3A_581, %parallel_loop3A_724 : vector<16xf32>
        %parallel_loop3A_726 = arith.index_cast %parallel_loop3A_553 : i32 to index
        %parallel_loop3A_727 = arith.constant 448 : index
        %parallel_loop3A_728 = tpu.vector_load %arg7[%parallel_loop3A_726, %parallel_loop3A_727] {strides = array<i32>} : memref<64x512xf32, #tpu.memory_space<vmem>>, vector<1x16xf32>,
        %parallel_loop3A_729 = vector.shape_cast %parallel_loop3A_728 : vector<1x16xf32> to vector<16xf32>
        %parallel_loop3A_730 = arith.maximumf %parallel_loop3A_582, %parallel_loop3A_729 : vector<16xf32>
        %parallel_loop3A_731 = arith.index_cast %parallel_loop3A_553 : i32 to index
        %parallel_loop3A_732 = arith.constant 464 : index
        %parallel_loop3A_733 = tpu.vector_load %arg7[%parallel_loop3A_731, %parallel_loop3A_732] {strides = array<i32>} : memref<64x512xf32, #tpu.memory_space<vmem>>, vector<1x16xf32>,
        %parallel_loop3A_734 = vector.shape_cast %parallel_loop3A_733 : vector<1x16xf32> to vector<16xf32>
        %parallel_loop3A_735 = arith.maximumf %parallel_loop3A_583, %parallel_loop3A_734 : vector<16xf32>
        %parallel_loop3A_736 = arith.index_cast %parallel_loop3A_553 : i32 to index
        %parallel_loop3A_737 = arith.constant 480 : index
        %parallel_loop3A_738 = tpu.vector_load %arg7[%parallel_loop3A_736, %parallel_loop3A_737] {strides = array<i32>} : memref<64x512xf32, #tpu.memory_space<vmem>>, vector<1x16xf32>,
        %parallel_loop3A_739 = vector.shape_cast %parallel_loop3A_738 : vector<1x16xf32> to vector<16xf32>
        %parallel_loop3A_740 = arith.maximumf %parallel_loop3A_584, %parallel_loop3A_739 : vector<16xf32>
        %parallel_loop3A_741 = arith.index_cast %parallel_loop3A_553 : i32 to index
        %parallel_loop3A_742 = arith.constant 496 : index
        %parallel_loop3A_743 = tpu.vector_load %arg7[%parallel_loop3A_741, %parallel_loop3A_742] {strides = array<i32>} : memref<64x512xf32, #tpu.memory_space<vmem>>, vector<1x16xf32>,
        %parallel_loop3A_744 = vector.shape_cast %parallel_loop3A_743 : vector<1x16xf32> to vector<16xf32>
        %parallel_loop3A_745 = arith.maximumf %parallel_loop3A_585, %parallel_loop3A_744 : vector<16xf32>
        scf.yield %parallel_loop3A_590, %parallel_loop3A_595, %parallel_loop3A_600, %parallel_loop3A_605, %parallel_loop3A_610, %parallel_loop3A_615, %parallel_loop3A_620, %parallel_loop3A_625, %parallel_loop3A_630, %parallel_loop3A_635, %parallel_loop3A_640, %parallel_loop3A_645, %parallel_loop3A_650, %parallel_loop3A_655, %parallel_loop3A_660, %parallel_loop3A_665, %parallel_loop3A_670, %parallel_loop3A_675, %parallel_loop3A_680, %parallel_loop3A_685, %parallel_loop3A_690, %parallel_loop3A_695, %parallel_loop3A_700, %parallel_loop3A_705, %parallel_loop3A_710, %parallel_loop3A_715, %parallel_loop3A_720, %parallel_loop3A_725, %parallel_loop3A_730, %parallel_loop3A_735, %parallel_loop3A_740, %parallel_loop3A_745 : vector<16xf32>, vector<16xf32>, vector<16xf32>, vector<16xf32>, vector<16xf32>, vector<16xf32>, vector<16xf32>, vector<16xf32>, vector<16xf32>, vector<16xf32>, vector<16xf32>, vector<16xf32>, vector<16xf32>, vector<16xf32>, vector<16xf32>, vector<16xf32>, vector<16xf32>, vector<16xf32>, vector<16xf32>, vector<16xf32>, vector<16xf32>, vector<16xf32>, vector<16xf32>, vector<16xf32>, vector<16xf32>, vector<16xf32>, vector<16xf32>, vector<16xf32>, vector<16xf32>, vector<16xf32>, vector<16xf32>, vector<16xf32>
      } {sc.loop_unroll_factor = 2 : i64, sc.parallel_access}
      scf.yield %parallel_loop3A_552#0, %parallel_loop3A_552#1, %parallel_loop3A_552#2, %parallel_loop3A_552#3, %parallel_loop3A_552#4, %parallel_loop3A_552#5, %parallel_loop3A_552#6, %parallel_loop3A_552#7, %parallel_loop3A_552#8, %parallel_loop3A_552#9, %parallel_loop3A_552#10, %parallel_loop3A_552#11, %parallel_loop3A_552#12, %parallel_loop3A_552#13, %parallel_loop3A_552#14, %parallel_loop3A_552#15, %parallel_loop3A_552#16, %parallel_loop3A_552#17, %parallel_loop3A_552#18, %parallel_loop3A_552#19, %parallel_loop3A_552#20, %parallel_loop3A_552#21, %parallel_loop3A_552#22, %parallel_loop3A_552#23, %parallel_loop3A_552#24, %parallel_loop3A_552#25, %parallel_loop3A_552#26, %parallel_loop3A_552#27, %parallel_loop3A_552#28, %parallel_loop3A_552#29, %parallel_loop3A_552#30, %parallel_loop3A_552#31 : vector<16xf32>, vector<16xf32>, vector<16xf32>, vector<16xf32>, vector<16xf32>, vector<16xf32>, vector<16xf32>, vector<16xf32>, vector<16xf32>, vector<16xf32>, vector<16xf32>, vector<16xf32>, vector<16xf32>, vector<16xf32>, vector<16xf32>, vector<16xf32>, vector<16xf32>, vector<16xf32>, vector<16xf32>, vector<16xf32>, vector<16xf32>, vector<16xf32>, vector<16xf32>, vector<16xf32>, vector<16xf32>, vector<16xf32>, vector<16xf32>, vector<16xf32>, vector<16xf32>, vector<16xf32>, vector<16xf32>, vector<16xf32>
    }
    %while3A_94 = arith.constant 1 : i32
    %while3A_95:32 = scf.for %while3A_473 = %while3A_91 to %while3A_87 step %while3A_94 iter_args(%while3A_474 = %while3A_93#0, %while3A_475 = %while3A_93#1, %while3A_476 = %while3A_93#2, %while3A_477 = %while3A_93#3, %while3A_478 = %while3A_93#4, %while3A_479 = %while3A_93#5, %while3A_480 = %while3A_93#6, %while3A_481 = %while3A_93#7, %while3A_482 = %while3A_93#8, %while3A_483 = %while3A_93#9, %while3A_484 = %while3A_93#10, %while3A_485 = %while3A_93#11, %while3A_486 = %while3A_93#12, %while3A_487 = %while3A_93#13, %while3A_488 = %while3A_93#14, %while3A_489 = %while3A_93#15, %while3A_490 = %while3A_93#16, %while3A_491 = %while3A_93#17, %while3A_492 = %while3A_93#18, %while3A_493 = %while3A_93#19, %while3A_494 = %while3A_93#20, %while3A_495 = %while3A_93#21, %while3A_496 = %while3A_93#22, %while3A_497 = %while3A_93#23, %while3A_498 = %while3A_93#24, %while3A_499 = %while3A_93#25, %while3A_500 = %while3A_93#26, %while3A_501 = %while3A_93#27, %while3A_502 = %while3A_93#28, %while3A_503 = %while3A_93#29, %while3A_504 = %while3A_93#30, %while3A_505 = %while3A_93#31) -> (vector<16xf32>, vector<16xf32>, vector<16xf32>, vector<16xf32>, vector<16xf32>, vector<16xf32>, vector<16xf32>, vector<16xf32>, vector<16xf32>, vector<16xf32>, vector<16xf32>, vector<16xf32>, vector<16xf32>, vector<16xf32>, vector<16xf32>, vector<16xf32>, vector<16xf32>, vector<16xf32>, vector<16xf32>, vector<16xf32>, vector<16xf32>, vector<16xf32>, vector<16xf32>, vector<16xf32>, vector<16xf32>, vector<16xf32>, vector<16xf32>, vector<16xf32>, vector<16xf32>, vector<16xf32>, vector<16xf32>, vector<16xf32>)  : i32 {
      %mul3A_506 = arith.constant 2 : i32
      %mul3A_507 = arith.muli %mul3A_506, %while3A_473 : i32
      %add3A_508 = arith.constant 1 : i32
      %add3A_509 = arith.addi %mul3A_507, %add3A_508 : i32
      %lt3A = arith.cmpi slt, %add3A_509, %select_n3A_56 : i32
      %convert_element_type3A_510 = arith.extui %lt3A : i1 to i32
      %cond3A_511 = arith.constant 0 : i32
      %cond3A_512 = arith.cmpi ne, %convert_element_type3A_510, %cond3A_511 : i32
      scf.if %cond3A_512 {
        %mul3A_553 = arith.constant 64 : i32
        %mul3A_554 = arith.muli %add3A_509, %mul3A_553 : i32
        %add3A_555 = arith.addi %mul3A_27, %mul3A_554 : i32
        %min3A_556 = arith.constant 99936 : i32
        %min3A_557 = arith.minsi %add3A_555, %min3A_556 : i32
        %dma_start3A_558 = arith.constant 0 : i32
        %dma_start3A_559 = tpu.memref_slice %arg2[%min3A_557, %dma_start3A_558] : memref<100000x512xf32, #tpu.memory_space<hbm>> -> memref<64x512xf32, #tpu.memory_space<hbm>>
        %dma_start3A_560 = arith.constant 0 : i32
        %dma_start3A_561 = tpu.memref_slice %arg2[%min3A_557, %dma_start3A_560] : memref<100000x512xf32, #tpu.memory_space<hbm>> -> memref<64x512xf32, #tpu.memory_space<hbm>>
        tpu.enqueue_dma source(%dma_start3A_561 : memref<64x512xf32, #tpu.memory_space<hbm>>) target(%arg7 : memref<64x512xf32, #tpu.memory_space<vmem>>) target_semaphore(%arg10 : memref<!tpu.dma_semaphore, #tpu.memory_space<semaphore_mem>>)
      } else {
      }
      %dma_wait3A_513 = arith.constant 0 : i32
      %dma_wait3A_514 = arith.constant 0 : i32
      %dma_wait3A_515 = tpu.memref_slice %arg2[%dma_wait3A_513, %dma_wait3A_514] : memref<100000x512xf32, #tpu.memory_space<hbm>> -> memref<64x512xf32, #tpu.memory_space<hbm>>
      %dma_wait3A_516 = arith.constant 0 : i32
      %dma_wait3A_517 = arith.constant 0 : i32
      %dma_wait3A_518 = tpu.memref_slice %arg2[%dma_wait3A_516, %dma_wait3A_517] : memref<100000x512xf32, #tpu.memory_space<hbm>> -> memref<64x512xf32, #tpu.memory_space<hbm>>
      tpu.wait_dma2 semaphore(%arg9 : memref<!tpu.dma_semaphore, #tpu.memory_space<semaphore_mem>>) src(%dma_wait3A_518 : memref<64x512xf32, #tpu.memory_space<hbm>>) dst(%arg6 : memref<64x512xf32, #tpu.memory_space<vmem>>)
      %mul3A_519 = arith.constant 64 : i32
      %mul3A_520 = arith.muli %mul3A_507, %mul3A_519 : i32
      %add3A_521 = arith.addi %mul3A_27, %mul3A_520 : i32
      %min3A_522 = arith.constant 99936 : i32
      %min3A_523 = arith.minsi %add3A_521, %min3A_522 : i32
      %sub3A_524 = arith.subi %min3A_5, %min3A_523 : i32
      %max3A = arith.constant 0 : i32
      %max3A_525 = arith.maxsi %sub3A_524, %max3A : i32
      %sub3A_526 = arith.subi %min3A_9, %min3A_523 : i32
      %min3A_527 = arith.constant 64 : i32
      %min3A_528 = arith.minsi %sub3A_526, %min3A_527 : i32
      %parallel_loop3A = arith.constant 1 : i32
      %parallel_loop3A_529:32 = scf.for %parallel_loop3A_553 = %max3A_525 to %min3A_528 step %parallel_loop3A iter_args(%parallel_loop3A_554 = %while3A_474, %parallel_loop3A_555 = %while3A_475, %parallel_loop3A_556 = %while3A_476, %parallel_loop3A_557 = %while3A_477, %parallel_loop3A_558 = %while3A_478, %parallel_loop3A_559 = %while3A_479, %parallel_loop3A_560 = %while3A_480, %parallel_loop3A_561 = %while3A_481, %parallel_loop3A_562 = %while3A_482, %parallel_loop3A_563 = %while3A_483, %parallel_loop3A_564 = %while3A_484, %parallel_loop3A_565 = %while3A_485, %parallel_loop3A_566 = %while3A_486, %parallel_loop3A_567 = %while3A_487, %parallel_loop3A_568 = %while3A_488, %parallel_loop3A_569 = %while3A_489, %parallel_loop3A_570 = %while3A_490, %parallel_loop3A_571 = %while3A_491, %parallel_loop3A_572 = %while3A_492, %parallel_loop3A_573 = %while3A_493, %parallel_loop3A_574 = %while3A_494, %parallel_loop3A_575 = %while3A_495, %parallel_loop3A_576 = %while3A_496, %parallel_loop3A_577 = %while3A_497, %parallel_loop3A_578 = %while3A_498, %parallel_loop3A_579 = %while3A_499, %parallel_loop3A_580 = %while3A_500, %parallel_loop3A_581 = %while3A_501, %parallel_loop3A_582 = %while3A_502, %parallel_loop3A_583 = %while3A_503, %parallel_loop3A_584 = %while3A_504, %parallel_loop3A_585 = %while3A_505) -> (vector<16xf32>, vector<16xf32>, vector<16xf32>, vector<16xf32>, vector<16xf32>, vector<16xf32>, vector<16xf32>, vector<16xf32>, vector<16xf32>, vector<16xf32>, vector<16xf32>, vector<16xf32>, vector<16xf32>, vector<16xf32>, vector<16xf32>, vector<16xf32>, vector<16xf32>, vector<16xf32>, vector<16xf32>, vector<16xf32>, vector<16xf32>, vector<16xf32>, vector<16xf32>, vector<16xf32>, vector<16xf32>, vector<16xf32>, vector<16xf32>, vector<16xf32>, vector<16xf32>, vector<16xf32>, vector<16xf32>, vector<16xf32>)  : i32 {
        %parallel_loop3A_586 = arith.index_cast %parallel_loop3A_553 : i32 to index
        %parallel_loop3A_587 = arith.constant 0 : index
        %parallel_loop3A_588 = tpu.vector_load %arg6[%parallel_loop3A_586, %parallel_loop3A_587] {strides = array<i32>} : memref<64x512xf32, #tpu.memory_space<vmem>>, vector<1x16xf32>,
        %parallel_loop3A_589 = vector.shape_cast %parallel_loop3A_588 : vector<1x16xf32> to vector<16xf32>
        %parallel_loop3A_590 = arith.maximumf %parallel_loop3A_554, %parallel_loop3A_589 : vector<16xf32>
        %parallel_loop3A_591 = arith.index_cast %parallel_loop3A_553 : i32 to index
        %parallel_loop3A_592 = arith.constant 16 : index
        %parallel_loop3A_593 = tpu.vector_load %arg6[%parallel_loop3A_591, %parallel_loop3A_592] {strides = array<i32>} : memref<64x512xf32, #tpu.memory_space<vmem>>, vector<1x16xf32>,
        %parallel_loop3A_594 = vector.shape_cast %parallel_loop3A_593 : vector<1x16xf32> to vector<16xf32>
        %parallel_loop3A_595 = arith.maximumf %parallel_loop3A_555, %parallel_loop3A_594 : vector<16xf32>
        %parallel_loop3A_596 = arith.index_cast %parallel_loop3A_553 : i32 to index
        %parallel_loop3A_597 = arith.constant 32 : index
        %parallel_loop3A_598 = tpu.vector_load %arg6[%parallel_loop3A_596, %parallel_loop3A_597] {strides = array<i32>} : memref<64x512xf32, #tpu.memory_space<vmem>>, vector<1x16xf32>,
        %parallel_loop3A_599 = vector.shape_cast %parallel_loop3A_598 : vector<1x16xf32> to vector<16xf32>
        %parallel_loop3A_600 = arith.maximumf %parallel_loop3A_556, %parallel_loop3A_599 : vector<16xf32>
        %parallel_loop3A_601 = arith.index_cast %parallel_loop3A_553 : i32 to index
        %parallel_loop3A_602 = arith.constant 48 : index
        %parallel_loop3A_603 = tpu.vector_load %arg6[%parallel_loop3A_601, %parallel_loop3A_602] {strides = array<i32>} : memref<64x512xf32, #tpu.memory_space<vmem>>, vector<1x16xf32>,
        %parallel_loop3A_604 = vector.shape_cast %parallel_loop3A_603 : vector<1x16xf32> to vector<16xf32>
        %parallel_loop3A_605 = arith.maximumf %parallel_loop3A_557, %parallel_loop3A_604 : vector<16xf32>
        %parallel_loop3A_606 = arith.index_cast %parallel_loop3A_553 : i32 to index
        %parallel_loop3A_607 = arith.constant 64 : index
        %parallel_loop3A_608 = tpu.vector_load %arg6[%parallel_loop3A_606, %parallel_loop3A_607] {strides = array<i32>} : memref<64x512xf32, #tpu.memory_space<vmem>>, vector<1x16xf32>,
        %parallel_loop3A_609 = vector.shape_cast %parallel_loop3A_608 : vector<1x16xf32> to vector<16xf32>
        %parallel_loop3A_610 = arith.maximumf %parallel_loop3A_558, %parallel_loop3A_609 : vector<16xf32>
        %parallel_loop3A_611 = arith.index_cast %parallel_loop3A_553 : i32 to index
        %parallel_loop3A_612 = arith.constant 80 : index
        %parallel_loop3A_613 = tpu.vector_load %arg6[%parallel_loop3A_611, %parallel_loop3A_612] {strides = array<i32>} : memref<64x512xf32, #tpu.memory_space<vmem>>, vector<1x16xf32>,
        %parallel_loop3A_614 = vector.shape_cast %parallel_loop3A_613 : vector<1x16xf32> to vector<16xf32>
        %parallel_loop3A_615 = arith.maximumf %parallel_loop3A_559, %parallel_loop3A_614 : vector<16xf32>
        %parallel_loop3A_616 = arith.index_cast %parallel_loop3A_553 : i32 to index
        %parallel_loop3A_617 = arith.constant 96 : index
        %parallel_loop3A_618 = tpu.vector_load %arg6[%parallel_loop3A_616, %parallel_loop3A_617] {strides = array<i32>} : memref<64x512xf32, #tpu.memory_space<vmem>>, vector<1x16xf32>,
        %parallel_loop3A_619 = vector.shape_cast %parallel_loop3A_618 : vector<1x16xf32> to vector<16xf32>
        %parallel_loop3A_620 = arith.maximumf %parallel_loop3A_560, %parallel_loop3A_619 : vector<16xf32>
        %parallel_loop3A_621 = arith.index_cast %parallel_loop3A_553 : i32 to index
        %parallel_loop3A_622 = arith.constant 112 : index
        %parallel_loop3A_623 = tpu.vector_load %arg6[%parallel_loop3A_621, %parallel_loop3A_622] {strides = array<i32>} : memref<64x512xf32, #tpu.memory_space<vmem>>, vector<1x16xf32>,
        %parallel_loop3A_624 = vector.shape_cast %parallel_loop3A_623 : vector<1x16xf32> to vector<16xf32>
        %parallel_loop3A_625 = arith.maximumf %parallel_loop3A_561, %parallel_loop3A_624 : vector<16xf32>
        %parallel_loop3A_626 = arith.index_cast %parallel_loop3A_553 : i32 to index
        %parallel_loop3A_627 = arith.constant 128 : index
        %parallel_loop3A_628 = tpu.vector_load %arg6[%parallel_loop3A_626, %parallel_loop3A_627] {strides = array<i32>} : memref<64x512xf32, #tpu.memory_space<vmem>>, vector<1x16xf32>,
        %parallel_loop3A_629 = vector.shape_cast %parallel_loop3A_628 : vector<1x16xf32> to vector<16xf32>
        %parallel_loop3A_630 = arith.maximumf %parallel_loop3A_562, %parallel_loop3A_629 : vector<16xf32>
        %parallel_loop3A_631 = arith.index_cast %parallel_loop3A_553 : i32 to index
        %parallel_loop3A_632 = arith.constant 144 : index
        %parallel_loop3A_633 = tpu.vector_load %arg6[%parallel_loop3A_631, %parallel_loop3A_632] {strides = array<i32>} : memref<64x512xf32, #tpu.memory_space<vmem>>, vector<1x16xf32>,
        %parallel_loop3A_634 = vector.shape_cast %parallel_loop3A_633 : vector<1x16xf32> to vector<16xf32>
        %parallel_loop3A_635 = arith.maximumf %parallel_loop3A_563, %parallel_loop3A_634 : vector<16xf32>
        %parallel_loop3A_636 = arith.index_cast %parallel_loop3A_553 : i32 to index
        %parallel_loop3A_637 = arith.constant 160 : index
        %parallel_loop3A_638 = tpu.vector_load %arg6[%parallel_loop3A_636, %parallel_loop3A_637] {strides = array<i32>} : memref<64x512xf32, #tpu.memory_space<vmem>>, vector<1x16xf32>,
        %parallel_loop3A_639 = vector.shape_cast %parallel_loop3A_638 : vector<1x16xf32> to vector<16xf32>
        %parallel_loop3A_640 = arith.maximumf %parallel_loop3A_564, %parallel_loop3A_639 : vector<16xf32>
        %parallel_loop3A_641 = arith.index_cast %parallel_loop3A_553 : i32 to index
        %parallel_loop3A_642 = arith.constant 176 : index
        %parallel_loop3A_643 = tpu.vector_load %arg6[%parallel_loop3A_641, %parallel_loop3A_642] {strides = array<i32>} : memref<64x512xf32, #tpu.memory_space<vmem>>, vector<1x16xf32>,
        %parallel_loop3A_644 = vector.shape_cast %parallel_loop3A_643 : vector<1x16xf32> to vector<16xf32>
        %parallel_loop3A_645 = arith.maximumf %parallel_loop3A_565, %parallel_loop3A_644 : vector<16xf32>
        %parallel_loop3A_646 = arith.index_cast %parallel_loop3A_553 : i32 to index
        %parallel_loop3A_647 = arith.constant 192 : index
        %parallel_loop3A_648 = tpu.vector_load %arg6[%parallel_loop3A_646, %parallel_loop3A_647] {strides = array<i32>} : memref<64x512xf32, #tpu.memory_space<vmem>>, vector<1x16xf32>,
        %parallel_loop3A_649 = vector.shape_cast %parallel_loop3A_648 : vector<1x16xf32> to vector<16xf32>
        %parallel_loop3A_650 = arith.maximumf %parallel_loop3A_566, %parallel_loop3A_649 : vector<16xf32>
        %parallel_loop3A_651 = arith.index_cast %parallel_loop3A_553 : i32 to index
        %parallel_loop3A_652 = arith.constant 208 : index
        %parallel_loop3A_653 = tpu.vector_load %arg6[%parallel_loop3A_651, %parallel_loop3A_652] {strides = array<i32>} : memref<64x512xf32, #tpu.memory_space<vmem>>, vector<1x16xf32>,
        %parallel_loop3A_654 = vector.shape_cast %parallel_loop3A_653 : vector<1x16xf32> to vector<16xf32>
        %parallel_loop3A_655 = arith.maximumf %parallel_loop3A_567, %parallel_loop3A_654 : vector<16xf32>
        %parallel_loop3A_656 = arith.index_cast %parallel_loop3A_553 : i32 to index
        %parallel_loop3A_657 = arith.constant 224 : index
        %parallel_loop3A_658 = tpu.vector_load %arg6[%parallel_loop3A_656, %parallel_loop3A_657] {strides = array<i32>} : memref<64x512xf32, #tpu.memory_space<vmem>>, vector<1x16xf32>,
        %parallel_loop3A_659 = vector.shape_cast %parallel_loop3A_658 : vector<1x16xf32> to vector<16xf32>
        %parallel_loop3A_660 = arith.maximumf %parallel_loop3A_568, %parallel_loop3A_659 : vector<16xf32>
        %parallel_loop3A_661 = arith.index_cast %parallel_loop3A_553 : i32 to index
        %parallel_loop3A_662 = arith.constant 240 : index
        %parallel_loop3A_663 = tpu.vector_load %arg6[%parallel_loop3A_661, %parallel_loop3A_662] {strides = array<i32>} : memref<64x512xf32, #tpu.memory_space<vmem>>, vector<1x16xf32>,
        %parallel_loop3A_664 = vector.shape_cast %parallel_loop3A_663 : vector<1x16xf32> to vector<16xf32>
        %parallel_loop3A_665 = arith.maximumf %parallel_loop3A_569, %parallel_loop3A_664 : vector<16xf32>
        %parallel_loop3A_666 = arith.index_cast %parallel_loop3A_553 : i32 to index
        %parallel_loop3A_667 = arith.constant 256 : index
        %parallel_loop3A_668 = tpu.vector_load %arg6[%parallel_loop3A_666, %parallel_loop3A_667] {strides = array<i32>} : memref<64x512xf32, #tpu.memory_space<vmem>>, vector<1x16xf32>,
        %parallel_loop3A_669 = vector.shape_cast %parallel_loop3A_668 : vector<1x16xf32> to vector<16xf32>
        %parallel_loop3A_670 = arith.maximumf %parallel_loop3A_570, %parallel_loop3A_669 : vector<16xf32>
        %parallel_loop3A_671 = arith.index_cast %parallel_loop3A_553 : i32 to index
        %parallel_loop3A_672 = arith.constant 272 : index
        %parallel_loop3A_673 = tpu.vector_load %arg6[%parallel_loop3A_671, %parallel_loop3A_672] {strides = array<i32>} : memref<64x512xf32, #tpu.memory_space<vmem>>, vector<1x16xf32>,
        %parallel_loop3A_674 = vector.shape_cast %parallel_loop3A_673 : vector<1x16xf32> to vector<16xf32>
        %parallel_loop3A_675 = arith.maximumf %parallel_loop3A_571, %parallel_loop3A_674 : vector<16xf32>
        %parallel_loop3A_676 = arith.index_cast %parallel_loop3A_553 : i32 to index
        %parallel_loop3A_677 = arith.constant 288 : index
        %parallel_loop3A_678 = tpu.vector_load %arg6[%parallel_loop3A_676, %parallel_loop3A_677] {strides = array<i32>} : memref<64x512xf32, #tpu.memory_space<vmem>>, vector<1x16xf32>,
        %parallel_loop3A_679 = vector.shape_cast %parallel_loop3A_678 : vector<1x16xf32> to vector<16xf32>
        %parallel_loop3A_680 = arith.maximumf %parallel_loop3A_572, %parallel_loop3A_679 : vector<16xf32>
        %parallel_loop3A_681 = arith.index_cast %parallel_loop3A_553 : i32 to index
        %parallel_loop3A_682 = arith.constant 304 : index
        %parallel_loop3A_683 = tpu.vector_load %arg6[%parallel_loop3A_681, %parallel_loop3A_682] {strides = array<i32>} : memref<64x512xf32, #tpu.memory_space<vmem>>, vector<1x16xf32>,
        %parallel_loop3A_684 = vector.shape_cast %parallel_loop3A_683 : vector<1x16xf32> to vector<16xf32>
        %parallel_loop3A_685 = arith.maximumf %parallel_loop3A_573, %parallel_loop3A_684 : vector<16xf32>
        %parallel_loop3A_686 = arith.index_cast %parallel_loop3A_553 : i32 to index
        %parallel_loop3A_687 = arith.constant 320 : index
        %parallel_loop3A_688 = tpu.vector_load %arg6[%parallel_loop3A_686, %parallel_loop3A_687] {strides = array<i32>} : memref<64x512xf32, #tpu.memory_space<vmem>>, vector<1x16xf32>,
        %parallel_loop3A_689 = vector.shape_cast %parallel_loop3A_688 : vector<1x16xf32> to vector<16xf32>
        %parallel_loop3A_690 = arith.maximumf %parallel_loop3A_574, %parallel_loop3A_689 : vector<16xf32>
        %parallel_loop3A_691 = arith.index_cast %parallel_loop3A_553 : i32 to index
        %parallel_loop3A_692 = arith.constant 336 : index
        %parallel_loop3A_693 = tpu.vector_load %arg6[%parallel_loop3A_691, %parallel_loop3A_692] {strides = array<i32>} : memref<64x512xf32, #tpu.memory_space<vmem>>, vector<1x16xf32>,
        %parallel_loop3A_694 = vector.shape_cast %parallel_loop3A_693 : vector<1x16xf32> to vector<16xf32>
        %parallel_loop3A_695 = arith.maximumf %parallel_loop3A_575, %parallel_loop3A_694 : vector<16xf32>
        %parallel_loop3A_696 = arith.index_cast %parallel_loop3A_553 : i32 to index
        %parallel_loop3A_697 = arith.constant 352 : index
        %parallel_loop3A_698 = tpu.vector_load %arg6[%parallel_loop3A_696, %parallel_loop3A_697] {strides = array<i32>} : memref<64x512xf32, #tpu.memory_space<vmem>>, vector<1x16xf32>,
        %parallel_loop3A_699 = vector.shape_cast %parallel_loop3A_698 : vector<1x16xf32> to vector<16xf32>
        %parallel_loop3A_700 = arith.maximumf %parallel_loop3A_576, %parallel_loop3A_699 : vector<16xf32>
        %parallel_loop3A_701 = arith.index_cast %parallel_loop3A_553 : i32 to index
        %parallel_loop3A_702 = arith.constant 368 : index
        %parallel_loop3A_703 = tpu.vector_load %arg6[%parallel_loop3A_701, %parallel_loop3A_702] {strides = array<i32>} : memref<64x512xf32, #tpu.memory_space<vmem>>, vector<1x16xf32>,
        %parallel_loop3A_704 = vector.shape_cast %parallel_loop3A_703 : vector<1x16xf32> to vector<16xf32>
        %parallel_loop3A_705 = arith.maximumf %parallel_loop3A_577, %parallel_loop3A_704 : vector<16xf32>
        %parallel_loop3A_706 = arith.index_cast %parallel_loop3A_553 : i32 to index
        %parallel_loop3A_707 = arith.constant 384 : index
        %parallel_loop3A_708 = tpu.vector_load %arg6[%parallel_loop3A_706, %parallel_loop3A_707] {strides = array<i32>} : memref<64x512xf32, #tpu.memory_space<vmem>>, vector<1x16xf32>,
        %parallel_loop3A_709 = vector.shape_cast %parallel_loop3A_708 : vector<1x16xf32> to vector<16xf32>
        %parallel_loop3A_710 = arith.maximumf %parallel_loop3A_578, %parallel_loop3A_709 : vector<16xf32>
        %parallel_loop3A_711 = arith.index_cast %parallel_loop3A_553 : i32 to index
        %parallel_loop3A_712 = arith.constant 400 : index
        %parallel_loop3A_713 = tpu.vector_load %arg6[%parallel_loop3A_711, %parallel_loop3A_712] {strides = array<i32>} : memref<64x512xf32, #tpu.memory_space<vmem>>, vector<1x16xf32>,
        %parallel_loop3A_714 = vector.shape_cast %parallel_loop3A_713 : vector<1x16xf32> to vector<16xf32>
        %parallel_loop3A_715 = arith.maximumf %parallel_loop3A_579, %parallel_loop3A_714 : vector<16xf32>
        %parallel_loop3A_716 = arith.index_cast %parallel_loop3A_553 : i32 to index
        %parallel_loop3A_717 = arith.constant 416 : index
        %parallel_loop3A_718 = tpu.vector_load %arg6[%parallel_loop3A_716, %parallel_loop3A_717] {strides = array<i32>} : memref<64x512xf32, #tpu.memory_space<vmem>>, vector<1x16xf32>,
        %parallel_loop3A_719 = vector.shape_cast %parallel_loop3A_718 : vector<1x16xf32> to vector<16xf32>
        %parallel_loop3A_720 = arith.maximumf %parallel_loop3A_580, %parallel_loop3A_719 : vector<16xf32>
        %parallel_loop3A_721 = arith.index_cast %parallel_loop3A_553 : i32 to index
        %parallel_loop3A_722 = arith.constant 432 : index
        %parallel_loop3A_723 = tpu.vector_load %arg6[%parallel_loop3A_721, %parallel_loop3A_722] {strides = array<i32>} : memref<64x512xf32, #tpu.memory_space<vmem>>, vector<1x16xf32>,
        %parallel_loop3A_724 = vector.shape_cast %parallel_loop3A_723 : vector<1x16xf32> to vector<16xf32>
        %parallel_loop3A_725 = arith.maximumf %parallel_loop3A_581, %parallel_loop3A_724 : vector<16xf32>
        %parallel_loop3A_726 = arith.index_cast %parallel_loop3A_553 : i32 to index
        %parallel_loop3A_727 = arith.constant 448 : index
        %parallel_loop3A_728 = tpu.vector_load %arg6[%parallel_loop3A_726, %parallel_loop3A_727] {strides = array<i32>} : memref<64x512xf32, #tpu.memory_space<vmem>>, vector<1x16xf32>,
        %parallel_loop3A_729 = vector.shape_cast %parallel_loop3A_728 : vector<1x16xf32> to vector<16xf32>
        %parallel_loop3A_730 = arith.maximumf %parallel_loop3A_582, %parallel_loop3A_729 : vector<16xf32>
        %parallel_loop3A_731 = arith.index_cast %parallel_loop3A_553 : i32 to index
        %parallel_loop3A_732 = arith.constant 464 : index
        %parallel_loop3A_733 = tpu.vector_load %arg6[%parallel_loop3A_731, %parallel_loop3A_732] {strides = array<i32>} : memref<64x512xf32, #tpu.memory_space<vmem>>, vector<1x16xf32>,
        %parallel_loop3A_734 = vector.shape_cast %parallel_loop3A_733 : vector<1x16xf32> to vector<16xf32>
        %parallel_loop3A_735 = arith.maximumf %parallel_loop3A_583, %parallel_loop3A_734 : vector<16xf32>
        %parallel_loop3A_736 = arith.index_cast %parallel_loop3A_553 : i32 to index
        %parallel_loop3A_737 = arith.constant 480 : index
        %parallel_loop3A_738 = tpu.vector_load %arg6[%parallel_loop3A_736, %parallel_loop3A_737] {strides = array<i32>} : memref<64x512xf32, #tpu.memory_space<vmem>>, vector<1x16xf32>,
        %parallel_loop3A_739 = vector.shape_cast %parallel_loop3A_738 : vector<1x16xf32> to vector<16xf32>
        %parallel_loop3A_740 = arith.maximumf %parallel_loop3A_584, %parallel_loop3A_739 : vector<16xf32>
        %parallel_loop3A_741 = arith.index_cast %parallel_loop3A_553 : i32 to index
        %parallel_loop3A_742 = arith.constant 496 : index
        %parallel_loop3A_743 = tpu.vector_load %arg6[%parallel_loop3A_741, %parallel_loop3A_742] {strides = array<i32>} : memref<64x512xf32, #tpu.memory_space<vmem>>, vector<1x16xf32>,
        %parallel_loop3A_744 = vector.shape_cast %parallel_loop3A_743 : vector<1x16xf32> to vector<16xf32>
        %parallel_loop3A_745 = arith.maximumf %parallel_loop3A_585, %parallel_loop3A_744 : vector<16xf32>
        scf.yield %parallel_loop3A_590, %parallel_loop3A_595, %parallel_loop3A_600, %parallel_loop3A_605, %parallel_loop3A_610, %parallel_loop3A_615, %parallel_loop3A_620, %parallel_loop3A_625, %parallel_loop3A_630, %parallel_loop3A_635, %parallel_loop3A_640, %parallel_loop3A_645, %parallel_loop3A_650, %parallel_loop3A_655, %parallel_loop3A_660, %parallel_loop3A_665, %parallel_loop3A_670, %parallel_loop3A_675, %parallel_loop3A_680, %parallel_loop3A_685, %parallel_loop3A_690, %parallel_loop3A_695, %parallel_loop3A_700, %parallel_loop3A_705, %parallel_loop3A_710, %parallel_loop3A_715, %parallel_loop3A_720, %parallel_loop3A_725, %parallel_loop3A_730, %parallel_loop3A_735, %parallel_loop3A_740, %parallel_loop3A_745 : vector<16xf32>, vector<16xf32>, vector<16xf32>, vector<16xf32>, vector<16xf32>, vector<16xf32>, vector<16xf32>, vector<16xf32>, vector<16xf32>, vector<16xf32>, vector<16xf32>, vector<16xf32>, vector<16xf32>, vector<16xf32>, vector<16xf32>, vector<16xf32>, vector<16xf32>, vector<16xf32>, vector<16xf32>, vector<16xf32>, vector<16xf32>, vector<16xf32>, vector<16xf32>, vector<16xf32>, vector<16xf32>, vector<16xf32>, vector<16xf32>, vector<16xf32>, vector<16xf32>, vector<16xf32>, vector<16xf32>, vector<16xf32>
      } {sc.loop_unroll_factor = 2 : i64, sc.parallel_access}
      %add3A_530 = arith.constant 1 : i32
      %add3A_531 = arith.addi %add3A_509, %add3A_530 : i32
      %lt3A_532 = arith.cmpi slt, %add3A_531, %select_n3A_56 : i32
      %convert_element_type3A_533 = arith.extui %lt3A_532 : i1 to i32
      %cond3A_534 = arith.constant 0 : i32
      %cond3A_535 = arith.cmpi ne, %convert_element_type3A_533, %cond3A_534 : i32
      scf.if %cond3A_535 {
        %add3A_553 = arith.constant 1 : i32
        %add3A_554 = arith.addi %add3A_509, %add3A_553 : i32
        %mul3A_555 = arith.constant 64 : i32
        %mul3A_556 = arith.muli %add3A_554, %mul3A_555 : i32
        %add3A_557 = arith.addi %mul3A_27, %mul3A_556 : i32
        %min3A_558 = arith.constant 99936 : i32
        %min3A_559 = arith.minsi %add3A_557, %min3A_558 : i32
        %dma_start3A_560 = arith.constant 0 : i32
        %dma_start3A_561 = tpu.memref_slice %arg2[%min3A_559, %dma_start3A_560] : memref<100000x512xf32, #tpu.memory_space<hbm>> -> memref<64x512xf32, #tpu.memory_space<hbm>>
        %dma_start3A_562 = arith.constant 0 : i32
        %dma_start3A_563 = tpu.memref_slice %arg2[%min3A_559, %dma_start3A_562] : memref<100000x512xf32, #tpu.memory_space<hbm>> -> memref<64x512xf32, #tpu.memory_space<hbm>>
        tpu.enqueue_dma source(%dma_start3A_563 : memref<64x512xf32, #tpu.memory_space<hbm>>) target(%arg6 : memref<64x512xf32, #tpu.memory_space<vmem>>) target_semaphore(%arg9 : memref<!tpu.dma_semaphore, #tpu.memory_space<semaphore_mem>>)
      } else {
      }
      %lt3A_536 = arith.cmpi slt, %add3A_509, %select_n3A_56 : i32
      %convert_element_type3A_537 = arith.extui %lt3A_536 : i1 to i32
      %cond3A_538 = arith.constant 0 : i32
      %cond3A_539 = arith.cmpi ne, %convert_element_type3A_537, %cond3A_538 : i32
      scf.if %cond3A_539 {
        %dma_wait3A_553 = arith.constant 0 : i32
        %dma_wait3A_554 = arith.constant 0 : i32
        %dma_wait3A_555 = tpu.memref_slice %arg2[%dma_wait3A_553, %dma_wait3A_554] : memref<100000x512xf32, #tpu.memory_space<hbm>> -> memref<64x512xf32, #tpu.memory_space<hbm>>
        %dma_wait3A_556 = arith.constant 0 : i32
        %dma_wait3A_557 = arith.constant 0 : i32
        %dma_wait3A_558 = tpu.memref_slice %arg2[%dma_wait3A_556, %dma_wait3A_557] : memref<100000x512xf32, #tpu.memory_space<hbm>> -> memref<64x512xf32, #tpu.memory_space<hbm>>
        tpu.wait_dma2 semaphore(%arg10 : memref<!tpu.dma_semaphore, #tpu.memory_space<semaphore_mem>>) src(%dma_wait3A_558 : memref<64x512xf32, #tpu.memory_space<hbm>>) dst(%arg7 : memref<64x512xf32, #tpu.memory_space<vmem>>)
      } else {
      }
      %mul3A_540 = arith.constant 64 : i32
      %mul3A_541 = arith.muli %add3A_509, %mul3A_540 : i32
      %add3A_542 = arith.addi %mul3A_27, %mul3A_541 : i32
      %min3A_543 = arith.constant 99936 : i32
      %min3A_544 = arith.minsi %add3A_542, %min3A_543 : i32
      %sub3A_545 = arith.subi %min3A_5, %min3A_544 : i32
      %max3A_546 = arith.constant 0 : i32
      %max3A_547 = arith.maxsi %sub3A_545, %max3A_546 : i32
      %sub3A_548 = arith.subi %min3A_9, %min3A_544 : i32
      %min3A_549 = arith.constant 64 : i32
      %min3A_550 = arith.minsi %sub3A_548, %min3A_549 : i32
      %parallel_loop3A_551 = arith.constant 1 : i32
      %parallel_loop3A_552:32 = scf.for %parallel_loop3A_553 = %max3A_547 to %min3A_550 step %parallel_loop3A_551 iter_args(%parallel_loop3A_554 = %parallel_loop3A_529#0, %parallel_loop3A_555 = %parallel_loop3A_529#1, %parallel_loop3A_556 = %parallel_loop3A_529#2, %parallel_loop3A_557 = %parallel_loop3A_529#3, %parallel_loop3A_558 = %parallel_loop3A_529#4, %parallel_loop3A_559 = %parallel_loop3A_529#5, %parallel_loop3A_560 = %parallel_loop3A_529#6, %parallel_loop3A_561 = %parallel_loop3A_529#7, %parallel_loop3A_562 = %parallel_loop3A_529#8, %parallel_loop3A_563 = %parallel_loop3A_529#9, %parallel_loop3A_564 = %parallel_loop3A_529#10, %parallel_loop3A_565 = %parallel_loop3A_529#11, %parallel_loop3A_566 = %parallel_loop3A_529#12, %parallel_loop3A_567 = %parallel_loop3A_529#13, %parallel_loop3A_568 = %parallel_loop3A_529#14, %parallel_loop3A_569 = %parallel_loop3A_529#15, %parallel_loop3A_570 = %parallel_loop3A_529#16, %parallel_loop3A_571 = %parallel_loop3A_529#17, %parallel_loop3A_572 = %parallel_loop3A_529#18, %parallel_loop3A_573 = %parallel_loop3A_529#19, %parallel_loop3A_574 = %parallel_loop3A_529#20, %parallel_loop3A_575 = %parallel_loop3A_529#21, %parallel_loop3A_576 = %parallel_loop3A_529#22, %parallel_loop3A_577 = %parallel_loop3A_529#23, %parallel_loop3A_578 = %parallel_loop3A_529#24, %parallel_loop3A_579 = %parallel_loop3A_529#25, %parallel_loop3A_580 = %parallel_loop3A_529#26, %parallel_loop3A_581 = %parallel_loop3A_529#27, %parallel_loop3A_582 = %parallel_loop3A_529#28, %parallel_loop3A_583 = %parallel_loop3A_529#29, %parallel_loop3A_584 = %parallel_loop3A_529#30, %parallel_loop3A_585 = %parallel_loop3A_529#31) -> (vector<16xf32>, vector<16xf32>, vector<16xf32>, vector<16xf32>, vector<16xf32>, vector<16xf32>, vector<16xf32>, vector<16xf32>, vector<16xf32>, vector<16xf32>, vector<16xf32>, vector<16xf32>, vector<16xf32>, vector<16xf32>, vector<16xf32>, vector<16xf32>, vector<16xf32>, vector<16xf32>, vector<16xf32>, vector<16xf32>, vector<16xf32>, vector<16xf32>, vector<16xf32>, vector<16xf32>, vector<16xf32>, vector<16xf32>, vector<16xf32>, vector<16xf32>, vector<16xf32>, vector<16xf32>, vector<16xf32>, vector<16xf32>)  : i32 {
        %parallel_loop3A_586 = arith.index_cast %parallel_loop3A_553 : i32 to index
        %parallel_loop3A_587 = arith.constant 0 : index
        %parallel_loop3A_588 = tpu.vector_load %arg7[%parallel_loop3A_586, %parallel_loop3A_587] {strides = array<i32>} : memref<64x512xf32, #tpu.memory_space<vmem>>, vector<1x16xf32>,
        %parallel_loop3A_589 = vector.shape_cast %parallel_loop3A_588 : vector<1x16xf32> to vector<16xf32>
        %parallel_loop3A_590 = arith.maximumf %parallel_loop3A_554, %parallel_loop3A_589 : vector<16xf32>
        %parallel_loop3A_591 = arith.index_cast %parallel_loop3A_553 : i32 to index
        %parallel_loop3A_592 = arith.constant 16 : index
        %parallel_loop3A_593 = tpu.vector_load %arg7[%parallel_loop3A_591, %parallel_loop3A_592] {strides = array<i32>} : memref<64x512xf32, #tpu.memory_space<vmem>>, vector<1x16xf32>,
        %parallel_loop3A_594 = vector.shape_cast %parallel_loop3A_593 : vector<1x16xf32> to vector<16xf32>
        %parallel_loop3A_595 = arith.maximumf %parallel_loop3A_555, %parallel_loop3A_594 : vector<16xf32>
        %parallel_loop3A_596 = arith.index_cast %parallel_loop3A_553 : i32 to index
        %parallel_loop3A_597 = arith.constant 32 : index
        %parallel_loop3A_598 = tpu.vector_load %arg7[%parallel_loop3A_596, %parallel_loop3A_597] {strides = array<i32>} : memref<64x512xf32, #tpu.memory_space<vmem>>, vector<1x16xf32>,
        %parallel_loop3A_599 = vector.shape_cast %parallel_loop3A_598 : vector<1x16xf32> to vector<16xf32>
        %parallel_loop3A_600 = arith.maximumf %parallel_loop3A_556, %parallel_loop3A_599 : vector<16xf32>
        %parallel_loop3A_601 = arith.index_cast %parallel_loop3A_553 : i32 to index
        %parallel_loop3A_602 = arith.constant 48 : index
        %parallel_loop3A_603 = tpu.vector_load %arg7[%parallel_loop3A_601, %parallel_loop3A_602] {strides = array<i32>} : memref<64x512xf32, #tpu.memory_space<vmem>>, vector<1x16xf32>,
        %parallel_loop3A_604 = vector.shape_cast %parallel_loop3A_603 : vector<1x16xf32> to vector<16xf32>
        %parallel_loop3A_605 = arith.maximumf %parallel_loop3A_557, %parallel_loop3A_604 : vector<16xf32>
        %parallel_loop3A_606 = arith.index_cast %parallel_loop3A_553 : i32 to index
        %parallel_loop3A_607 = arith.constant 64 : index
        %parallel_loop3A_608 = tpu.vector_load %arg7[%parallel_loop3A_606, %parallel_loop3A_607] {strides = array<i32>} : memref<64x512xf32, #tpu.memory_space<vmem>>, vector<1x16xf32>,
        %parallel_loop3A_609 = vector.shape_cast %parallel_loop3A_608 : vector<1x16xf32> to vector<16xf32>
        %parallel_loop3A_610 = arith.maximumf %parallel_loop3A_558, %parallel_loop3A_609 : vector<16xf32>
        %parallel_loop3A_611 = arith.index_cast %parallel_loop3A_553 : i32 to index
        %parallel_loop3A_612 = arith.constant 80 : index
        %parallel_loop3A_613 = tpu.vector_load %arg7[%parallel_loop3A_611, %parallel_loop3A_612] {strides = array<i32>} : memref<64x512xf32, #tpu.memory_space<vmem>>, vector<1x16xf32>,
        %parallel_loop3A_614 = vector.shape_cast %parallel_loop3A_613 : vector<1x16xf32> to vector<16xf32>
        %parallel_loop3A_615 = arith.maximumf %parallel_loop3A_559, %parallel_loop3A_614 : vector<16xf32>
        %parallel_loop3A_616 = arith.index_cast %parallel_loop3A_553 : i32 to index
        %parallel_loop3A_617 = arith.constant 96 : index
        %parallel_loop3A_618 = tpu.vector_load %arg7[%parallel_loop3A_616, %parallel_loop3A_617] {strides = array<i32>} : memref<64x512xf32, #tpu.memory_space<vmem>>, vector<1x16xf32>,
        %parallel_loop3A_619 = vector.shape_cast %parallel_loop3A_618 : vector<1x16xf32> to vector<16xf32>
        %parallel_loop3A_620 = arith.maximumf %parallel_loop3A_560, %parallel_loop3A_619 : vector<16xf32>
        %parallel_loop3A_621 = arith.index_cast %parallel_loop3A_553 : i32 to index
        %parallel_loop3A_622 = arith.constant 112 : index
        %parallel_loop3A_623 = tpu.vector_load %arg7[%parallel_loop3A_621, %parallel_loop3A_622] {strides = array<i32>} : memref<64x512xf32, #tpu.memory_space<vmem>>, vector<1x16xf32>,
        %parallel_loop3A_624 = vector.shape_cast %parallel_loop3A_623 : vector<1x16xf32> to vector<16xf32>
        %parallel_loop3A_625 = arith.maximumf %parallel_loop3A_561, %parallel_loop3A_624 : vector<16xf32>
        %parallel_loop3A_626 = arith.index_cast %parallel_loop3A_553 : i32 to index
        %parallel_loop3A_627 = arith.constant 128 : index
        %parallel_loop3A_628 = tpu.vector_load %arg7[%parallel_loop3A_626, %parallel_loop3A_627] {strides = array<i32>} : memref<64x512xf32, #tpu.memory_space<vmem>>, vector<1x16xf32>,
        %parallel_loop3A_629 = vector.shape_cast %parallel_loop3A_628 : vector<1x16xf32> to vector<16xf32>
        %parallel_loop3A_630 = arith.maximumf %parallel_loop3A_562, %parallel_loop3A_629 : vector<16xf32>
        %parallel_loop3A_631 = arith.index_cast %parallel_loop3A_553 : i32 to index
        %parallel_loop3A_632 = arith.constant 144 : index
        %parallel_loop3A_633 = tpu.vector_load %arg7[%parallel_loop3A_631, %parallel_loop3A_632] {strides = array<i32>} : memref<64x512xf32, #tpu.memory_space<vmem>>, vector<1x16xf32>,
        %parallel_loop3A_634 = vector.shape_cast %parallel_loop3A_633 : vector<1x16xf32> to vector<16xf32>
        %parallel_loop3A_635 = arith.maximumf %parallel_loop3A_563, %parallel_loop3A_634 : vector<16xf32>
        %parallel_loop3A_636 = arith.index_cast %parallel_loop3A_553 : i32 to index
        %parallel_loop3A_637 = arith.constant 160 : index
        %parallel_loop3A_638 = tpu.vector_load %arg7[%parallel_loop3A_636, %parallel_loop3A_637] {strides = array<i32>} : memref<64x512xf32, #tpu.memory_space<vmem>>, vector<1x16xf32>,
        %parallel_loop3A_639 = vector.shape_cast %parallel_loop3A_638 : vector<1x16xf32> to vector<16xf32>
        %parallel_loop3A_640 = arith.maximumf %parallel_loop3A_564, %parallel_loop3A_639 : vector<16xf32>
        %parallel_loop3A_641 = arith.index_cast %parallel_loop3A_553 : i32 to index
        %parallel_loop3A_642 = arith.constant 176 : index
        %parallel_loop3A_643 = tpu.vector_load %arg7[%parallel_loop3A_641, %parallel_loop3A_642] {strides = array<i32>} : memref<64x512xf32, #tpu.memory_space<vmem>>, vector<1x16xf32>,
        %parallel_loop3A_644 = vector.shape_cast %parallel_loop3A_643 : vector<1x16xf32> to vector<16xf32>
        %parallel_loop3A_645 = arith.maximumf %parallel_loop3A_565, %parallel_loop3A_644 : vector<16xf32>
        %parallel_loop3A_646 = arith.index_cast %parallel_loop3A_553 : i32 to index
        %parallel_loop3A_647 = arith.constant 192 : index
        %parallel_loop3A_648 = tpu.vector_load %arg7[%parallel_loop3A_646, %parallel_loop3A_647] {strides = array<i32>} : memref<64x512xf32, #tpu.memory_space<vmem>>, vector<1x16xf32>,
        %parallel_loop3A_649 = vector.shape_cast %parallel_loop3A_648 : vector<1x16xf32> to vector<16xf32>
        %parallel_loop3A_650 = arith.maximumf %parallel_loop3A_566, %parallel_loop3A_649 : vector<16xf32>
        %parallel_loop3A_651 = arith.index_cast %parallel_loop3A_553 : i32 to index
        %parallel_loop3A_652 = arith.constant 208 : index
        %parallel_loop3A_653 = tpu.vector_load %arg7[%parallel_loop3A_651, %parallel_loop3A_652] {strides = array<i32>} : memref<64x512xf32, #tpu.memory_space<vmem>>, vector<1x16xf32>,
        %parallel_loop3A_654 = vector.shape_cast %parallel_loop3A_653 : vector<1x16xf32> to vector<16xf32>
        %parallel_loop3A_655 = arith.maximumf %parallel_loop3A_567, %parallel_loop3A_654 : vector<16xf32>
        %parallel_loop3A_656 = arith.index_cast %parallel_loop3A_553 : i32 to index
        %parallel_loop3A_657 = arith.constant 224 : index
        %parallel_loop3A_658 = tpu.vector_load %arg7[%parallel_loop3A_656, %parallel_loop3A_657] {strides = array<i32>} : memref<64x512xf32, #tpu.memory_space<vmem>>, vector<1x16xf32>,
        %parallel_loop3A_659 = vector.shape_cast %parallel_loop3A_658 : vector<1x16xf32> to vector<16xf32>
        %parallel_loop3A_660 = arith.maximumf %parallel_loop3A_568, %parallel_loop3A_659 : vector<16xf32>
        %parallel_loop3A_661 = arith.index_cast %parallel_loop3A_553 : i32 to index
        %parallel_loop3A_662 = arith.constant 240 : index
        %parallel_loop3A_663 = tpu.vector_load %arg7[%parallel_loop3A_661, %parallel_loop3A_662] {strides = array<i32>} : memref<64x512xf32, #tpu.memory_space<vmem>>, vector<1x16xf32>,
        %parallel_loop3A_664 = vector.shape_cast %parallel_loop3A_663 : vector<1x16xf32> to vector<16xf32>
        %parallel_loop3A_665 = arith.maximumf %parallel_loop3A_569, %parallel_loop3A_664 : vector<16xf32>
        %parallel_loop3A_666 = arith.index_cast %parallel_loop3A_553 : i32 to index
        %parallel_loop3A_667 = arith.constant 256 : index
        %parallel_loop3A_668 = tpu.vector_load %arg7[%parallel_loop3A_666, %parallel_loop3A_667] {strides = array<i32>} : memref<64x512xf32, #tpu.memory_space<vmem>>, vector<1x16xf32>,
        %parallel_loop3A_669 = vector.shape_cast %parallel_loop3A_668 : vector<1x16xf32> to vector<16xf32>
        %parallel_loop3A_670 = arith.maximumf %parallel_loop3A_570, %parallel_loop3A_669 : vector<16xf32>
        %parallel_loop3A_671 = arith.index_cast %parallel_loop3A_553 : i32 to index
        %parallel_loop3A_672 = arith.constant 272 : index
        %parallel_loop3A_673 = tpu.vector_load %arg7[%parallel_loop3A_671, %parallel_loop3A_672] {strides = array<i32>} : memref<64x512xf32, #tpu.memory_space<vmem>>, vector<1x16xf32>,
        %parallel_loop3A_674 = vector.shape_cast %parallel_loop3A_673 : vector<1x16xf32> to vector<16xf32>
        %parallel_loop3A_675 = arith.maximumf %parallel_loop3A_571, %parallel_loop3A_674 : vector<16xf32>
        %parallel_loop3A_676 = arith.index_cast %parallel_loop3A_553 : i32 to index
        %parallel_loop3A_677 = arith.constant 288 : index
        %parallel_loop3A_678 = tpu.vector_load %arg7[%parallel_loop3A_676, %parallel_loop3A_677] {strides = array<i32>} : memref<64x512xf32, #tpu.memory_space<vmem>>, vector<1x16xf32>,
        %parallel_loop3A_679 = vector.shape_cast %parallel_loop3A_678 : vector<1x16xf32> to vector<16xf32>
        %parallel_loop3A_680 = arith.maximumf %parallel_loop3A_572, %parallel_loop3A_679 : vector<16xf32>
        %parallel_loop3A_681 = arith.index_cast %parallel_loop3A_553 : i32 to index
        %parallel_loop3A_682 = arith.constant 304 : index
        %parallel_loop3A_683 = tpu.vector_load %arg7[%parallel_loop3A_681, %parallel_loop3A_682] {strides = array<i32>} : memref<64x512xf32, #tpu.memory_space<vmem>>, vector<1x16xf32>,
        %parallel_loop3A_684 = vector.shape_cast %parallel_loop3A_683 : vector<1x16xf32> to vector<16xf32>
        %parallel_loop3A_685 = arith.maximumf %parallel_loop3A_573, %parallel_loop3A_684 : vector<16xf32>
        %parallel_loop3A_686 = arith.index_cast %parallel_loop3A_553 : i32 to index
        %parallel_loop3A_687 = arith.constant 320 : index
        %parallel_loop3A_688 = tpu.vector_load %arg7[%parallel_loop3A_686, %parallel_loop3A_687] {strides = array<i32>} : memref<64x512xf32, #tpu.memory_space<vmem>>, vector<1x16xf32>,
        %parallel_loop3A_689 = vector.shape_cast %parallel_loop3A_688 : vector<1x16xf32> to vector<16xf32>
        %parallel_loop3A_690 = arith.maximumf %parallel_loop3A_574, %parallel_loop3A_689 : vector<16xf32>
        %parallel_loop3A_691 = arith.index_cast %parallel_loop3A_553 : i32 to index
        %parallel_loop3A_692 = arith.constant 336 : index
        %parallel_loop3A_693 = tpu.vector_load %arg7[%parallel_loop3A_691, %parallel_loop3A_692] {strides = array<i32>} : memref<64x512xf32, #tpu.memory_space<vmem>>, vector<1x16xf32>,
        %parallel_loop3A_694 = vector.shape_cast %parallel_loop3A_693 : vector<1x16xf32> to vector<16xf32>
        %parallel_loop3A_695 = arith.maximumf %parallel_loop3A_575, %parallel_loop3A_694 : vector<16xf32>
        %parallel_loop3A_696 = arith.index_cast %parallel_loop3A_553 : i32 to index
        %parallel_loop3A_697 = arith.constant 352 : index
        %parallel_loop3A_698 = tpu.vector_load %arg7[%parallel_loop3A_696, %parallel_loop3A_697] {strides = array<i32>} : memref<64x512xf32, #tpu.memory_space<vmem>>, vector<1x16xf32>,
        %parallel_loop3A_699 = vector.shape_cast %parallel_loop3A_698 : vector<1x16xf32> to vector<16xf32>
        %parallel_loop3A_700 = arith.maximumf %parallel_loop3A_576, %parallel_loop3A_699 : vector<16xf32>
        %parallel_loop3A_701 = arith.index_cast %parallel_loop3A_553 : i32 to index
        %parallel_loop3A_702 = arith.constant 368 : index
        %parallel_loop3A_703 = tpu.vector_load %arg7[%parallel_loop3A_701, %parallel_loop3A_702] {strides = array<i32>} : memref<64x512xf32, #tpu.memory_space<vmem>>, vector<1x16xf32>,
        %parallel_loop3A_704 = vector.shape_cast %parallel_loop3A_703 : vector<1x16xf32> to vector<16xf32>
        %parallel_loop3A_705 = arith.maximumf %parallel_loop3A_577, %parallel_loop3A_704 : vector<16xf32>
        %parallel_loop3A_706 = arith.index_cast %parallel_loop3A_553 : i32 to index
        %parallel_loop3A_707 = arith.constant 384 : index
        %parallel_loop3A_708 = tpu.vector_load %arg7[%parallel_loop3A_706, %parallel_loop3A_707] {strides = array<i32>} : memref<64x512xf32, #tpu.memory_space<vmem>>, vector<1x16xf32>,
        %parallel_loop3A_709 = vector.shape_cast %parallel_loop3A_708 : vector<1x16xf32> to vector<16xf32>
        %parallel_loop3A_710 = arith.maximumf %parallel_loop3A_578, %parallel_loop3A_709 : vector<16xf32>
        %parallel_loop3A_711 = arith.index_cast %parallel_loop3A_553 : i32 to index
        %parallel_loop3A_712 = arith.constant 400 : index
        %parallel_loop3A_713 = tpu.vector_load %arg7[%parallel_loop3A_711, %parallel_loop3A_712] {strides = array<i32>} : memref<64x512xf32, #tpu.memory_space<vmem>>, vector<1x16xf32>,
        %parallel_loop3A_714 = vector.shape_cast %parallel_loop3A_713 : vector<1x16xf32> to vector<16xf32>
        %parallel_loop3A_715 = arith.maximumf %parallel_loop3A_579, %parallel_loop3A_714 : vector<16xf32>
        %parallel_loop3A_716 = arith.index_cast %parallel_loop3A_553 : i32 to index
        %parallel_loop3A_717 = arith.constant 416 : index
        %parallel_loop3A_718 = tpu.vector_load %arg7[%parallel_loop3A_716, %parallel_loop3A_717] {strides = array<i32>} : memref<64x512xf32, #tpu.memory_space<vmem>>, vector<1x16xf32>,
        %parallel_loop3A_719 = vector.shape_cast %parallel_loop3A_718 : vector<1x16xf32> to vector<16xf32>
        %parallel_loop3A_720 = arith.maximumf %parallel_loop3A_580, %parallel_loop3A_719 : vector<16xf32>
        %parallel_loop3A_721 = arith.index_cast %parallel_loop3A_553 : i32 to index
        %parallel_loop3A_722 = arith.constant 432 : index
        %parallel_loop3A_723 = tpu.vector_load %arg7[%parallel_loop3A_721, %parallel_loop3A_722] {strides = array<i32>} : memref<64x512xf32, #tpu.memory_space<vmem>>, vector<1x16xf32>,
        %parallel_loop3A_724 = vector.shape_cast %parallel_loop3A_723 : vector<1x16xf32> to vector<16xf32>
        %parallel_loop3A_725 = arith.maximumf %parallel_loop3A_581, %parallel_loop3A_724 : vector<16xf32>
        %parallel_loop3A_726 = arith.index_cast %parallel_loop3A_553 : i32 to index
        %parallel_loop3A_727 = arith.constant 448 : index
        %parallel_loop3A_728 = tpu.vector_load %arg7[%parallel_loop3A_726, %parallel_loop3A_727] {strides = array<i32>} : memref<64x512xf32, #tpu.memory_space<vmem>>, vector<1x16xf32>,
        %parallel_loop3A_729 = vector.shape_cast %parallel_loop3A_728 : vector<1x16xf32> to vector<16xf32>
        %parallel_loop3A_730 = arith.maximumf %parallel_loop3A_582, %parallel_loop3A_729 : vector<16xf32>
        %parallel_loop3A_731 = arith.index_cast %parallel_loop3A_553 : i32 to index
        %parallel_loop3A_732 = arith.constant 464 : index
        %parallel_loop3A_733 = tpu.vector_load %arg7[%parallel_loop3A_731, %parallel_loop3A_732] {strides = array<i32>} : memref<64x512xf32, #tpu.memory_space<vmem>>, vector<1x16xf32>,
        %parallel_loop3A_734 = vector.shape_cast %parallel_loop3A_733 : vector<1x16xf32> to vector<16xf32>
        %parallel_loop3A_735 = arith.maximumf %parallel_loop3A_583, %parallel_loop3A_734 : vector<16xf32>
        %parallel_loop3A_736 = arith.index_cast %parallel_loop3A_553 : i32 to index
        %parallel_loop3A_737 = arith.constant 480 : index
        %parallel_loop3A_738 = tpu.vector_load %arg7[%parallel_loop3A_736, %parallel_loop3A_737] {strides = array<i32>} : memref<64x512xf32, #tpu.memory_space<vmem>>, vector<1x16xf32>,
        %parallel_loop3A_739 = vector.shape_cast %parallel_loop3A_738 : vector<1x16xf32> to vector<16xf32>
        %parallel_loop3A_740 = arith.maximumf %parallel_loop3A_584, %parallel_loop3A_739 : vector<16xf32>
        %parallel_loop3A_741 = arith.index_cast %parallel_loop3A_553 : i32 to index
        %parallel_loop3A_742 = arith.constant 496 : index
        %parallel_loop3A_743 = tpu.vector_load %arg7[%parallel_loop3A_741, %parallel_loop3A_742] {strides = array<i32>} : memref<64x512xf32, #tpu.memory_space<vmem>>, vector<1x16xf32>,
        %parallel_loop3A_744 = vector.shape_cast %parallel_loop3A_743 : vector<1x16xf32> to vector<16xf32>
        %parallel_loop3A_745 = arith.maximumf %parallel_loop3A_585, %parallel_loop3A_744 : vector<16xf32>
        scf.yield %parallel_loop3A_590, %parallel_loop3A_595, %parallel_loop3A_600, %parallel_loop3A_605, %parallel_loop3A_610, %parallel_loop3A_615, %parallel_loop3A_620, %parallel_loop3A_625, %parallel_loop3A_630, %parallel_loop3A_635, %parallel_loop3A_640, %parallel_loop3A_645, %parallel_loop3A_650, %parallel_loop3A_655, %parallel_loop3A_660, %parallel_loop3A_665, %parallel_loop3A_670, %parallel_loop3A_675, %parallel_loop3A_680, %parallel_loop3A_685, %parallel_loop3A_690, %parallel_loop3A_695, %parallel_loop3A_700, %parallel_loop3A_705, %parallel_loop3A_710, %parallel_loop3A_715, %parallel_loop3A_720, %parallel_loop3A_725, %parallel_loop3A_730, %parallel_loop3A_735, %parallel_loop3A_740, %parallel_loop3A_745 : vector<16xf32>, vector<16xf32>, vector<16xf32>, vector<16xf32>, vector<16xf32>, vector<16xf32>, vector<16xf32>, vector<16xf32>, vector<16xf32>, vector<16xf32>, vector<16xf32>, vector<16xf32>, vector<16xf32>, vector<16xf32>, vector<16xf32>, vector<16xf32>, vector<16xf32>, vector<16xf32>, vector<16xf32>, vector<16xf32>, vector<16xf32>, vector<16xf32>, vector<16xf32>, vector<16xf32>, vector<16xf32>, vector<16xf32>, vector<16xf32>, vector<16xf32>, vector<16xf32>, vector<16xf32>, vector<16xf32>, vector<16xf32>
      } {sc.loop_unroll_factor = 2 : i64, sc.parallel_access}
      scf.yield %parallel_loop3A_552#0, %parallel_loop3A_552#1, %parallel_loop3A_552#2, %parallel_loop3A_552#3, %parallel_loop3A_552#4, %parallel_loop3A_552#5, %parallel_loop3A_552#6, %parallel_loop3A_552#7, %parallel_loop3A_552#8, %parallel_loop3A_552#9, %parallel_loop3A_552#10, %parallel_loop3A_552#11, %parallel_loop3A_552#12, %parallel_loop3A_552#13, %parallel_loop3A_552#14, %parallel_loop3A_552#15, %parallel_loop3A_552#16, %parallel_loop3A_552#17, %parallel_loop3A_552#18, %parallel_loop3A_552#19, %parallel_loop3A_552#20, %parallel_loop3A_552#21, %parallel_loop3A_552#22, %parallel_loop3A_552#23, %parallel_loop3A_552#24, %parallel_loop3A_552#25, %parallel_loop3A_552#26, %parallel_loop3A_552#27, %parallel_loop3A_552#28, %parallel_loop3A_552#29, %parallel_loop3A_552#30, %parallel_loop3A_552#31 : vector<16xf32>, vector<16xf32>, vector<16xf32>, vector<16xf32>, vector<16xf32>, vector<16xf32>, vector<16xf32>, vector<16xf32>, vector<16xf32>, vector<16xf32>, vector<16xf32>, vector<16xf32>, vector<16xf32>, vector<16xf32>, vector<16xf32>, vector<16xf32>, vector<16xf32>, vector<16xf32>, vector<16xf32>, vector<16xf32>, vector<16xf32>, vector<16xf32>, vector<16xf32>, vector<16xf32>, vector<16xf32>, vector<16xf32>, vector<16xf32>, vector<16xf32>, vector<16xf32>, vector<16xf32>, vector<16xf32>, vector<16xf32>
    }
    %swap3A = arith.constant 0 : index
    %swap3A_96 = tpu.vector_load %arg8[%swap3A] {strides = array<i32>} : memref<512xf32, #tpu.memory_space<vmem>>, vector<16xf32>,
    %swap3A_97 = vector.shape_cast %swap3A_96 : vector<16xf32> to vector<16xf32>
    %swap3A_98 = vector.shape_cast %while3A_95#0 : vector<16xf32> to vector<16xf32>
    tpu.vector_store %arg8[%swap3A], %swap3A_98 {strides = array<i32>} : memref<512xf32, #tpu.memory_space<vmem>>, vector<16xf32>,
    %swap3A_99 = arith.constant 16 : index
    %swap3A_100 = tpu.vector_load %arg8[%swap3A_99] {strides = array<i32>} : memref<512xf32, #tpu.memory_space<vmem>>, vector<16xf32>,
    %swap3A_101 = vector.shape_cast %swap3A_100 : vector<16xf32> to vector<16xf32>
    %swap3A_102 = vector.shape_cast %while3A_95#1 : vector<16xf32> to vector<16xf32>
    tpu.vector_store %arg8[%swap3A_99], %swap3A_102 {strides = array<i32>} : memref<512xf32, #tpu.memory_space<vmem>>, vector<16xf32>,
    %swap3A_103 = arith.constant 32 : index
    %swap3A_104 = tpu.vector_load %arg8[%swap3A_103] {strides = array<i32>} : memref<512xf32, #tpu.memory_space<vmem>>, vector<16xf32>,
    %swap3A_105 = vector.shape_cast %swap3A_104 : vector<16xf32> to vector<16xf32>
    %swap3A_106 = vector.shape_cast %while3A_95#2 : vector<16xf32> to vector<16xf32>
    tpu.vector_store %arg8[%swap3A_103], %swap3A_106 {strides = array<i32>} : memref<512xf32, #tpu.memory_space<vmem>>, vector<16xf32>,
    %swap3A_107 = arith.constant 48 : index
    %swap3A_108 = tpu.vector_load %arg8[%swap3A_107] {strides = array<i32>} : memref<512xf32, #tpu.memory_space<vmem>>, vector<16xf32>,
    %swap3A_109 = vector.shape_cast %swap3A_108 : vector<16xf32> to vector<16xf32>
    %swap3A_110 = vector.shape_cast %while3A_95#3 : vector<16xf32> to vector<16xf32>
    tpu.vector_store %arg8[%swap3A_107], %swap3A_110 {strides = array<i32>} : memref<512xf32, #tpu.memory_space<vmem>>, vector<16xf32>,
    %swap3A_111 = arith.constant 64 : index
    %swap3A_112 = tpu.vector_load %arg8[%swap3A_111] {strides = array<i32>} : memref<512xf32, #tpu.memory_space<vmem>>, vector<16xf32>,
    %swap3A_113 = vector.shape_cast %swap3A_112 : vector<16xf32> to vector<16xf32>
    %swap3A_114 = vector.shape_cast %while3A_95#4 : vector<16xf32> to vector<16xf32>
    tpu.vector_store %arg8[%swap3A_111], %swap3A_114 {strides = array<i32>} : memref<512xf32, #tpu.memory_space<vmem>>, vector<16xf32>,
    %swap3A_115 = arith.constant 80 : index
    %swap3A_116 = tpu.vector_load %arg8[%swap3A_115] {strides = array<i32>} : memref<512xf32, #tpu.memory_space<vmem>>, vector<16xf32>,
    %swap3A_117 = vector.shape_cast %swap3A_116 : vector<16xf32> to vector<16xf32>
    %swap3A_118 = vector.shape_cast %while3A_95#5 : vector<16xf32> to vector<16xf32>
    tpu.vector_store %arg8[%swap3A_115], %swap3A_118 {strides = array<i32>} : memref<512xf32, #tpu.memory_space<vmem>>, vector<16xf32>,
    %swap3A_119 = arith.constant 96 : index
    %swap3A_120 = tpu.vector_load %arg8[%swap3A_119] {strides = array<i32>} : memref<512xf32, #tpu.memory_space<vmem>>, vector<16xf32>,
    %swap3A_121 = vector.shape_cast %swap3A_120 : vector<16xf32> to vector<16xf32>
    %swap3A_122 = vector.shape_cast %while3A_95#6 : vector<16xf32> to vector<16xf32>
    tpu.vector_store %arg8[%swap3A_119], %swap3A_122 {strides = array<i32>} : memref<512xf32, #tpu.memory_space<vmem>>, vector<16xf32>,
    %swap3A_123 = arith.constant 112 : index
    %swap3A_124 = tpu.vector_load %arg8[%swap3A_123] {strides = array<i32>} : memref<512xf32, #tpu.memory_space<vmem>>, vector<16xf32>,
    %swap3A_125 = vector.shape_cast %swap3A_124 : vector<16xf32> to vector<16xf32>
    %swap3A_126 = vector.shape_cast %while3A_95#7 : vector<16xf32> to vector<16xf32>
    tpu.vector_store %arg8[%swap3A_123], %swap3A_126 {strides = array<i32>} : memref<512xf32, #tpu.memory_space<vmem>>, vector<16xf32>,
    %swap3A_127 = arith.constant 128 : index
    %swap3A_128 = tpu.vector_load %arg8[%swap3A_127] {strides = array<i32>} : memref<512xf32, #tpu.memory_space<vmem>>, vector<16xf32>,
    %swap3A_129 = vector.shape_cast %swap3A_128 : vector<16xf32> to vector<16xf32>
    %swap3A_130 = vector.shape_cast %while3A_95#8 : vector<16xf32> to vector<16xf32>
    tpu.vector_store %arg8[%swap3A_127], %swap3A_130 {strides = array<i32>} : memref<512xf32, #tpu.memory_space<vmem>>, vector<16xf32>,
    %swap3A_131 = arith.constant 144 : index
    %swap3A_132 = tpu.vector_load %arg8[%swap3A_131] {strides = array<i32>} : memref<512xf32, #tpu.memory_space<vmem>>, vector<16xf32>,
    %swap3A_133 = vector.shape_cast %swap3A_132 : vector<16xf32> to vector<16xf32>
    %swap3A_134 = vector.shape_cast %while3A_95#9 : vector<16xf32> to vector<16xf32>
    tpu.vector_store %arg8[%swap3A_131], %swap3A_134 {strides = array<i32>} : memref<512xf32, #tpu.memory_space<vmem>>, vector<16xf32>,
    %swap3A_135 = arith.constant 160 : index
    %swap3A_136 = tpu.vector_load %arg8[%swap3A_135] {strides = array<i32>} : memref<512xf32, #tpu.memory_space<vmem>>, vector<16xf32>,
    %swap3A_137 = vector.shape_cast %swap3A_136 : vector<16xf32> to vector<16xf32>
    %swap3A_138 = vector.shape_cast %while3A_95#10 : vector<16xf32> to vector<16xf32>
    tpu.vector_store %arg8[%swap3A_135], %swap3A_138 {strides = array<i32>} : memref<512xf32, #tpu.memory_space<vmem>>, vector<16xf32>,
    %swap3A_139 = arith.constant 176 : index
    %swap3A_140 = tpu.vector_load %arg8[%swap3A_139] {strides = array<i32>} : memref<512xf32, #tpu.memory_space<vmem>>, vector<16xf32>,
    %swap3A_141 = vector.shape_cast %swap3A_140 : vector<16xf32> to vector<16xf32>
    %swap3A_142 = vector.shape_cast %while3A_95#11 : vector<16xf32> to vector<16xf32>
    tpu.vector_store %arg8[%swap3A_139], %swap3A_142 {strides = array<i32>} : memref<512xf32, #tpu.memory_space<vmem>>, vector<16xf32>,
    %swap3A_143 = arith.constant 192 : index
    %swap3A_144 = tpu.vector_load %arg8[%swap3A_143] {strides = array<i32>} : memref<512xf32, #tpu.memory_space<vmem>>, vector<16xf32>,
    %swap3A_145 = vector.shape_cast %swap3A_144 : vector<16xf32> to vector<16xf32>
    %swap3A_146 = vector.shape_cast %while3A_95#12 : vector<16xf32> to vector<16xf32>
    tpu.vector_store %arg8[%swap3A_143], %swap3A_146 {strides = array<i32>} : memref<512xf32, #tpu.memory_space<vmem>>, vector<16xf32>,
    %swap3A_147 = arith.constant 208 : index
    %swap3A_148 = tpu.vector_load %arg8[%swap3A_147] {strides = array<i32>} : memref<512xf32, #tpu.memory_space<vmem>>, vector<16xf32>,
    %swap3A_149 = vector.shape_cast %swap3A_148 : vector<16xf32> to vector<16xf32>
    %swap3A_150 = vector.shape_cast %while3A_95#13 : vector<16xf32> to vector<16xf32>
    tpu.vector_store %arg8[%swap3A_147], %swap3A_150 {strides = array<i32>} : memref<512xf32, #tpu.memory_space<vmem>>, vector<16xf32>,
    %swap3A_151 = arith.constant 224 : index
    %swap3A_152 = tpu.vector_load %arg8[%swap3A_151] {strides = array<i32>} : memref<512xf32, #tpu.memory_space<vmem>>, vector<16xf32>,
    %swap3A_153 = vector.shape_cast %swap3A_152 : vector<16xf32> to vector<16xf32>
    %swap3A_154 = vector.shape_cast %while3A_95#14 : vector<16xf32> to vector<16xf32>
    tpu.vector_store %arg8[%swap3A_151], %swap3A_154 {strides = array<i32>} : memref<512xf32, #tpu.memory_space<vmem>>, vector<16xf32>,
    %swap3A_155 = arith.constant 240 : index
    %swap3A_156 = tpu.vector_load %arg8[%swap3A_155] {strides = array<i32>} : memref<512xf32, #tpu.memory_space<vmem>>, vector<16xf32>,
    %swap3A_157 = vector.shape_cast %swap3A_156 : vector<16xf32> to vector<16xf32>
    %swap3A_158 = vector.shape_cast %while3A_95#15 : vector<16xf32> to vector<16xf32>
    tpu.vector_store %arg8[%swap3A_155], %swap3A_158 {strides = array<i32>} : memref<512xf32, #tpu.memory_space<vmem>>, vector<16xf32>,
    %swap3A_159 = arith.constant 256 : index
    %swap3A_160 = tpu.vector_load %arg8[%swap3A_159] {strides = array<i32>} : memref<512xf32, #tpu.memory_space<vmem>>, vector<16xf32>,
    %swap3A_161 = vector.shape_cast %swap3A_160 : vector<16xf32> to vector<16xf32>
    %swap3A_162 = vector.shape_cast %while3A_95#16 : vector<16xf32> to vector<16xf32>
    tpu.vector_store %arg8[%swap3A_159], %swap3A_162 {strides = array<i32>} : memref<512xf32, #tpu.memory_space<vmem>>, vector<16xf32>,
    %swap3A_163 = arith.constant 272 : index
    %swap3A_164 = tpu.vector_load %arg8[%swap3A_163] {strides = array<i32>} : memref<512xf32, #tpu.memory_space<vmem>>, vector<16xf32>,
    %swap3A_165 = vector.shape_cast %swap3A_164 : vector<16xf32> to vector<16xf32>
    %swap3A_166 = vector.shape_cast %while3A_95#17 : vector<16xf32> to vector<16xf32>
    tpu.vector_store %arg8[%swap3A_163], %swap3A_166 {strides = array<i32>} : memref<512xf32, #tpu.memory_space<vmem>>, vector<16xf32>,
    %swap3A_167 = arith.constant 288 : index
    %swap3A_168 = tpu.vector_load %arg8[%swap3A_167] {strides = array<i32>} : memref<512xf32, #tpu.memory_space<vmem>>, vector<16xf32>,
    %swap3A_169 = vector.shape_cast %swap3A_168 : vector<16xf32> to vector<16xf32>
    %swap3A_170 = vector.shape_cast %while3A_95#18 : vector<16xf32> to vector<16xf32>
    tpu.vector_store %arg8[%swap3A_167], %swap3A_170 {strides = array<i32>} : memref<512xf32, #tpu.memory_space<vmem>>, vector<16xf32>,
    %swap3A_171 = arith.constant 304 : index
    %swap3A_172 = tpu.vector_load %arg8[%swap3A_171] {strides = array<i32>} : memref<512xf32, #tpu.memory_space<vmem>>, vector<16xf32>,
    %swap3A_173 = vector.shape_cast %swap3A_172 : vector<16xf32> to vector<16xf32>
    %swap3A_174 = vector.shape_cast %while3A_95#19 : vector<16xf32> to vector<16xf32>
    tpu.vector_store %arg8[%swap3A_171], %swap3A_174 {strides = array<i32>} : memref<512xf32, #tpu.memory_space<vmem>>, vector<16xf32>,
    %swap3A_175 = arith.constant 320 : index
    %swap3A_176 = tpu.vector_load %arg8[%swap3A_175] {strides = array<i32>} : memref<512xf32, #tpu.memory_space<vmem>>, vector<16xf32>,
    %swap3A_177 = vector.shape_cast %swap3A_176 : vector<16xf32> to vector<16xf32>
    %swap3A_178 = vector.shape_cast %while3A_95#20 : vector<16xf32> to vector<16xf32>
    tpu.vector_store %arg8[%swap3A_175], %swap3A_178 {strides = array<i32>} : memref<512xf32, #tpu.memory_space<vmem>>, vector<16xf32>,
    %swap3A_179 = arith.constant 336 : index
    %swap3A_180 = tpu.vector_load %arg8[%swap3A_179] {strides = array<i32>} : memref<512xf32, #tpu.memory_space<vmem>>, vector<16xf32>,
    %swap3A_181 = vector.shape_cast %swap3A_180 : vector<16xf32> to vector<16xf32>
    %swap3A_182 = vector.shape_cast %while3A_95#21 : vector<16xf32> to vector<16xf32>
    tpu.vector_store %arg8[%swap3A_179], %swap3A_182 {strides = array<i32>} : memref<512xf32, #tpu.memory_space<vmem>>, vector<16xf32>,
    %swap3A_183 = arith.constant 352 : index
    %swap3A_184 = tpu.vector_load %arg8[%swap3A_183] {strides = array<i32>} : memref<512xf32, #tpu.memory_space<vmem>>, vector<16xf32>,
    %swap3A_185 = vector.shape_cast %swap3A_184 : vector<16xf32> to vector<16xf32>
    %swap3A_186 = vector.shape_cast %while3A_95#22 : vector<16xf32> to vector<16xf32>
    tpu.vector_store %arg8[%swap3A_183], %swap3A_186 {strides = array<i32>} : memref<512xf32, #tpu.memory_space<vmem>>, vector<16xf32>,
    %swap3A_187 = arith.constant 368 : index
    %swap3A_188 = tpu.vector_load %arg8[%swap3A_187] {strides = array<i32>} : memref<512xf32, #tpu.memory_space<vmem>>, vector<16xf32>,
    %swap3A_189 = vector.shape_cast %swap3A_188 : vector<16xf32> to vector<16xf32>
    %swap3A_190 = vector.shape_cast %while3A_95#23 : vector<16xf32> to vector<16xf32>
    tpu.vector_store %arg8[%swap3A_187], %swap3A_190 {strides = array<i32>} : memref<512xf32, #tpu.memory_space<vmem>>, vector<16xf32>,
    %swap3A_191 = arith.constant 384 : index
    %swap3A_192 = tpu.vector_load %arg8[%swap3A_191] {strides = array<i32>} : memref<512xf32, #tpu.memory_space<vmem>>, vector<16xf32>,
    %swap3A_193 = vector.shape_cast %swap3A_192 : vector<16xf32> to vector<16xf32>
    %swap3A_194 = vector.shape_cast %while3A_95#24 : vector<16xf32> to vector<16xf32>
    tpu.vector_store %arg8[%swap3A_191], %swap3A_194 {strides = array<i32>} : memref<512xf32, #tpu.memory_space<vmem>>, vector<16xf32>,
    %swap3A_195 = arith.constant 400 : index
    %swap3A_196 = tpu.vector_load %arg8[%swap3A_195] {strides = array<i32>} : memref<512xf32, #tpu.memory_space<vmem>>, vector<16xf32>,
    %swap3A_197 = vector.shape_cast %swap3A_196 : vector<16xf32> to vector<16xf32>
    %swap3A_198 = vector.shape_cast %while3A_95#25 : vector<16xf32> to vector<16xf32>
    tpu.vector_store %arg8[%swap3A_195], %swap3A_198 {strides = array<i32>} : memref<512xf32, #tpu.memory_space<vmem>>, vector<16xf32>,
    %swap3A_199 = arith.constant 416 : index
    %swap3A_200 = tpu.vector_load %arg8[%swap3A_199] {strides = array<i32>} : memref<512xf32, #tpu.memory_space<vmem>>, vector<16xf32>,
    %swap3A_201 = vector.shape_cast %swap3A_200 : vector<16xf32> to vector<16xf32>
    %swap3A_202 = vector.shape_cast %while3A_95#26 : vector<16xf32> to vector<16xf32>
    tpu.vector_store %arg8[%swap3A_199], %swap3A_202 {strides = array<i32>} : memref<512xf32, #tpu.memory_space<vmem>>, vector<16xf32>,
    %swap3A_203 = arith.constant 432 : index
    %swap3A_204 = tpu.vector_load %arg8[%swap3A_203] {strides = array<i32>} : memref<512xf32, #tpu.memory_space<vmem>>, vector<16xf32>,
    %swap3A_205 = vector.shape_cast %swap3A_204 : vector<16xf32> to vector<16xf32>
    %swap3A_206 = vector.shape_cast %while3A_95#27 : vector<16xf32> to vector<16xf32>
    tpu.vector_store %arg8[%swap3A_203], %swap3A_206 {strides = array<i32>} : memref<512xf32, #tpu.memory_space<vmem>>, vector<16xf32>,
    %swap3A_207 = arith.constant 448 : index
    %swap3A_208 = tpu.vector_load %arg8[%swap3A_207] {strides = array<i32>} : memref<512xf32, #tpu.memory_space<vmem>>, vector<16xf32>,
    %swap3A_209 = vector.shape_cast %swap3A_208 : vector<16xf32> to vector<16xf32>
    %swap3A_210 = vector.shape_cast %while3A_95#28 : vector<16xf32> to vector<16xf32>
    tpu.vector_store %arg8[%swap3A_207], %swap3A_210 {strides = array<i32>} : memref<512xf32, #tpu.memory_space<vmem>>, vector<16xf32>,
    %swap3A_211 = arith.constant 464 : index
    %swap3A_212 = tpu.vector_load %arg8[%swap3A_211] {strides = array<i32>} : memref<512xf32, #tpu.memory_space<vmem>>, vector<16xf32>,
    %swap3A_213 = vector.shape_cast %swap3A_212 : vector<16xf32> to vector<16xf32>
    %swap3A_214 = vector.shape_cast %while3A_95#29 : vector<16xf32> to vector<16xf32>
    tpu.vector_store %arg8[%swap3A_211], %swap3A_214 {strides = array<i32>} : memref<512xf32, #tpu.memory_space<vmem>>, vector<16xf32>,
    %swap3A_215 = arith.constant 480 : index
    %swap3A_216 = tpu.vector_load %arg8[%swap3A_215] {strides = array<i32>} : memref<512xf32, #tpu.memory_space<vmem>>, vector<16xf32>,
    %swap3A_217 = vector.shape_cast %swap3A_216 : vector<16xf32> to vector<16xf32>
    %swap3A_218 = vector.shape_cast %while3A_95#30 : vector<16xf32> to vector<16xf32>
    tpu.vector_store %arg8[%swap3A_215], %swap3A_218 {strides = array<i32>} : memref<512xf32, #tpu.memory_space<vmem>>, vector<16xf32>,
    %swap3A_219 = arith.constant 496 : index
    %swap3A_220 = tpu.vector_load %arg8[%swap3A_219] {strides = array<i32>} : memref<512xf32, #tpu.memory_space<vmem>>, vector<16xf32>,
    %swap3A_221 = vector.shape_cast %swap3A_220 : vector<16xf32> to vector<16xf32>
    %swap3A_222 = vector.shape_cast %while3A_95#31 : vector<16xf32> to vector<16xf32>
    tpu.vector_store %arg8[%swap3A_219], %swap3A_222 {strides = array<i32>} : memref<512xf32, #tpu.memory_space<vmem>>, vector<16xf32>,
    %mul3A_223 = arith.constant 512 : i32
    %mul3A_224 = arith.muli %add3A_2, %mul3A_223 : i32
    %dma_start3A = tpu.memref_slice %arg4[%mul3A_224] : memref<32768xf32, #tpu.memory_space<hbm>> -> memref<512xf32, #tpu.memory_space<hbm>>
    %dma_start3A_225 = tpu.memref_slice %arg4[%mul3A_224] : memref<32768xf32, #tpu.memory_space<hbm>> -> memref<512xf32, #tpu.memory_space<hbm>>
    tpu.enqueue_dma source(%arg8 : memref<512xf32, #tpu.memory_space<vmem>>) target(%dma_start3A_225 : memref<512xf32, #tpu.memory_space<hbm>>) target_semaphore(%arg11 : memref<!tpu.dma_semaphore, #tpu.memory_space<semaphore_mem>>)
    %dma_wait3A = tpu.memref_slice %arg4[%mul3A_224] : memref<32768xf32, #tpu.memory_space<hbm>> -> memref<512xf32, #tpu.memory_space<hbm>>
    %dma_wait3A_226 = tpu.memref_slice %arg4[%mul3A_224] : memref<32768xf32, #tpu.memory_space<hbm>> -> memref<512xf32, #tpu.memory_space<hbm>>
    tpu.wait_dma2 semaphore(%arg11 : memref<!tpu.dma_semaphore, #tpu.memory_space<semaphore_mem>>) src(%arg8 : memref<512xf32, #tpu.memory_space<vmem>>) dst(%dma_wait3A_226 : memref<512xf32, #tpu.memory_space<hbm>>)
    %add3A_227 = arith.constant 32 : i32
    %add3A_228 = arith.addi %add3A_227, %add3A : i32
    %get3A_229 = arith.index_cast %add3A_228 : i32 to index
    %get3A_230 = tpu.vector_load %arg5[%get3A_229] {strides = array<i32>} : memref<104xi32, #tpu.memory_space<vmem>>, vector<16xi32>,
    %get3A_231 = vector.shape_cast %get3A_230 : vector<16xi32> to vector<16xi32>
    %slice3A_232 = vector.extract_strided_slice %get3A_231 {offsets = [0], sizes = [1], strides = [1]} : vector<16xi32> to vector<1xi32>
    %squeeze3A_233 = vector.extract %slice3A_232[0] : i32 from vector<1xi32>
    %min3A_234 = arith.constant 48000 : i32
    %min3A_235 = arith.minsi %squeeze3A_233, %min3A_234 : i32
    %slice3A_236 = vector.extract_strided_slice %get3A_231 {offsets = [1], sizes = [1], strides = [1]} : vector<16xi32> to vector<1xi32>
    %squeeze3A_237 = vector.extract %slice3A_236[0] : i32 from vector<1xi32>
    %min3A_238 = arith.constant 48000 : i32
    %min3A_239 = arith.minsi %squeeze3A_237, %min3A_238 : i32
    %jit3A_240 = arith.constant 8 : i32
    %div3A_241 = arith.divsi %min3A_235, %jit3A_240 : i32
    %sign3A_242 = arith.constant 0 : i32
    %sign3A_243 = arith.cmpi sgt, %min3A_235, %sign3A_242 : i32
    %sign3A_244 = arith.extui %sign3A_243 : i1 to i32
    %sign3A_245 = arith.constant 0 : i32
    %sign3A_246 = arith.cmpi slt, %min3A_235, %sign3A_245 : i32
    %sign3A_247 = arith.extui %sign3A_246 : i1 to i32
    %sign3A_248 = arith.subi %sign3A_244, %sign3A_247 : i32
    %sign3A_249 = arith.constant 0 : i32
    %sign3A_250 = arith.cmpi sgt, %jit3A_240, %sign3A_249 : i32
    %sign3A_251 = arith.extui %sign3A_250 : i1 to i32
    %sign3A_252 = arith.constant 0 : i32
    %sign3A_253 = arith.cmpi slt, %jit3A_240, %sign3A_252 : i32
    %sign3A_254 = arith.extui %sign3A_253 : i1 to i32
    %sign3A_255 = arith.subi %sign3A_251, %sign3A_254 : i32
    %ne3A_256 = arith.cmpi ne, %sign3A_248, %sign3A_255 : i32
    %rem3A_257 = arith.remsi %min3A_235, %jit3A_240 : i32
    %ne3A_258 = arith.constant 0 : i32
    %ne3A_259 = arith.cmpi ne, %rem3A_257, %ne3A_258 : i32
    %and3A_260 = arith.andi %ne3A_256, %ne3A_259 : i1
    %sub3A_261 = arith.constant 1 : i32
    %sub3A_262 = arith.subi %div3A_241, %sub3A_261 : i32
    %select_n3A_263 = arith.select %and3A_260, %sub3A_262, %div3A_241 : i32
    %mul3A_264 = arith.constant 8 : i32
    %mul3A_265 = arith.muli %select_n3A_263, %mul3A_264 : i32
    %sub3A_266 = arith.subi %min3A_239, %mul3A_265 : i32
    %add3A_267 = arith.constant 64 : i32
    %add3A_268 = arith.addi %sub3A_266, %add3A_267 : i32
    %sub3A_269 = arith.constant 1 : i32
    %sub3A_270 = arith.subi %add3A_268, %sub3A_269 : i32
    %jit3A_271 = arith.constant 64 : i32
    %div3A_272 = arith.divsi %sub3A_270, %jit3A_271 : i32
    %sign3A_273 = arith.constant 0 : i32
    %sign3A_274 = arith.cmpi sgt, %sub3A_270, %sign3A_273 : i32
    %sign3A_275 = arith.extui %sign3A_274 : i1 to i32
    %sign3A_276 = arith.constant 0 : i32
    %sign3A_277 = arith.cmpi slt, %sub3A_270, %sign3A_276 : i32
    %sign3A_278 = arith.extui %sign3A_277 : i1 to i32
    %sign3A_279 = arith.subi %sign3A_275, %sign3A_278 : i32
    %sign3A_280 = arith.constant 0 : i32
    %sign3A_281 = arith.cmpi sgt, %jit3A_271, %sign3A_280 : i32
    %sign3A_282 = arith.extui %sign3A_281 : i1 to i32
    %sign3A_283 = arith.constant 0 : i32
    %sign3A_284 = arith.cmpi slt, %jit3A_271, %sign3A_283 : i32
    %sign3A_285 = arith.extui %sign3A_284 : i1 to i32
    %sign3A_286 = arith.subi %sign3A_282, %sign3A_285 : i32
    %ne3A_287 = arith.cmpi ne, %sign3A_279, %sign3A_286 : i32
    %rem3A_288 = arith.remsi %sub3A_270, %jit3A_271 : i32
    %ne3A_289 = arith.constant 0 : i32
    %ne3A_290 = arith.cmpi ne, %rem3A_288, %ne3A_289 : i32
    %and3A_291 = arith.andi %ne3A_287, %ne3A_290 : i1
    %sub3A_292 = arith.constant 1 : i32
    %sub3A_293 = arith.subi %div3A_272, %sub3A_292 : i32
    %select_n3A_294 = arith.select %and3A_291, %sub3A_293, %div3A_272 : i32
    %gt3A_295 = arith.constant 0 : i32
    %gt3A_296 = arith.cmpi sgt, %select_n3A_294, %gt3A_295 : i32
    %convert_element_type3A_297 = arith.extui %gt3A_296 : i1 to i32
    %cond3A_298 = arith.constant 0 : i32
    %cond3A_299 = arith.cmpi ne, %convert_element_type3A_297, %cond3A_298 : i32
    scf.if %cond3A_299 {
      %add3A_473 = arith.constant 0 : i32
      %add3A_474 = arith.addi %mul3A_265, %add3A_473 : i32
      %min3A_475 = arith.constant 99936 : i32
      %min3A_476 = arith.minsi %add3A_474, %min3A_475 : i32
      %dma_start3A_477 = arith.constant 0 : i32
      %dma_start3A_478 = tpu.memref_slice %arg2[%min3A_476, %dma_start3A_477] : memref<100000x512xf32, #tpu.memory_space<hbm>> -> memref<64x512xf32, #tpu.memory_space<hbm>>
      %dma_start3A_479 = arith.constant 0 : i32
      %dma_start3A_480 = tpu.memref_slice %arg2[%min3A_476, %dma_start3A_479] : memref<100000x512xf32, #tpu.memory_space<hbm>> -> memref<64x512xf32, #tpu.memory_space<hbm>>
      tpu.enqueue_dma source(%dma_start3A_480 : memref<64x512xf32, #tpu.memory_space<hbm>>) target(%arg6 : memref<64x512xf32, #tpu.memory_space<vmem>>) target_semaphore(%arg9 : memref<!tpu.dma_semaphore, #tpu.memory_space<semaphore_mem>>)
    } else {
    }
    %broadcast_in_dim3A_300 = arith.constant 0xFF800000 : f32
    %broadcast_in_dim3A_301 = vector.broadcast %broadcast_in_dim3A_300 : f32 to vector<16xf32>
    %add3A_302 = arith.constant 1 : i32
    %add3A_303 = arith.addi %select_n3A_294, %add3A_302 : i32
    %jit3A_304 = arith.constant 2 : i32
    %div3A_305 = arith.divsi %add3A_303, %jit3A_304 : i32
    %sign3A_306 = arith.constant 0 : i32
    %sign3A_307 = arith.cmpi sgt, %add3A_303, %sign3A_306 : i32
    %sign3A_308 = arith.extui %sign3A_307 : i1 to i32
    %sign3A_309 = arith.constant 0 : i32
    %sign3A_310 = arith.cmpi slt, %add3A_303, %sign3A_309 : i32
    %sign3A_311 = arith.extui %sign3A_310 : i1 to i32
    %sign3A_312 = arith.subi %sign3A_308, %sign3A_311 : i32
    %sign3A_313 = arith.constant 0 : i32
    %sign3A_314 = arith.cmpi sgt, %jit3A_304, %sign3A_313 : i32
    %sign3A_315 = arith.extui %sign3A_314 : i1 to i32
    %sign3A_316 = arith.constant 0 : i32
    %sign3A_317 = arith.cmpi slt, %jit3A_304, %sign3A_316 : i32
    %sign3A_318 = arith.extui %sign3A_317 : i1 to i32
    %sign3A_319 = arith.subi %sign3A_315, %sign3A_318 : i32
    %ne3A_320 = arith.cmpi ne, %sign3A_312, %sign3A_319 : i32
    %rem3A_321 = arith.remsi %add3A_303, %jit3A_304 : i32
    %ne3A_322 = arith.constant 0 : i32
    %ne3A_323 = arith.cmpi ne, %rem3A_321, %ne3A_322 : i32
    %and3A_324 = arith.andi %ne3A_320, %ne3A_323 : i1
    %sub3A_325 = arith.constant 1 : i32
    %sub3A_326 = arith.subi %div3A_305, %sub3A_325 : i32
    %select_n3A_327 = arith.select %and3A_324, %sub3A_326, %div3A_305 : i32
    %while3A_328 = arith.constant 0 : i32
    %while3A_329 = arith.subi %select_n3A_327, %while3A_328 : i32
    %while3A_330 = arith.addi %while3A_328, %while3A_329 : i32
    %while3A_331 = arith.constant 1 : i32
    %while3A_332 = arith.divsi %while3A_329, %while3A_331 : i32
    %while3A_333 = arith.muli %while3A_332, %while3A_331 : i32
    %while3A_334 = arith.addi %while3A_328, %while3A_333 : i32
    %while3A_335 = arith.constant 1 : i32
    %while3A_336:32 = scf.for %while3A_473 = %while3A_328 to %while3A_334 step %while3A_335 iter_args(%while3A_474 = %broadcast_in_dim3A_301, %while3A_475 = %broadcast_in_dim3A_301, %while3A_476 = %broadcast_in_dim3A_301, %while3A_477 = %broadcast_in_dim3A_301, %while3A_478 = %broadcast_in_dim3A_301, %while3A_479 = %broadcast_in_dim3A_301, %while3A_480 = %broadcast_in_dim3A_301, %while3A_481 = %broadcast_in_dim3A_301, %while3A_482 = %broadcast_in_dim3A_301, %while3A_483 = %broadcast_in_dim3A_301, %while3A_484 = %broadcast_in_dim3A_301, %while3A_485 = %broadcast_in_dim3A_301, %while3A_486 = %broadcast_in_dim3A_301, %while3A_487 = %broadcast_in_dim3A_301, %while3A_488 = %broadcast_in_dim3A_301, %while3A_489 = %broadcast_in_dim3A_301, %while3A_490 = %broadcast_in_dim3A_301, %while3A_491 = %broadcast_in_dim3A_301, %while3A_492 = %broadcast_in_dim3A_301, %while3A_493 = %broadcast_in_dim3A_301, %while3A_494 = %broadcast_in_dim3A_301, %while3A_495 = %broadcast_in_dim3A_301, %while3A_496 = %broadcast_in_dim3A_301, %while3A_497 = %broadcast_in_dim3A_301, %while3A_498 = %broadcast_in_dim3A_301, %while3A_499 = %broadcast_in_dim3A_301, %while3A_500 = %broadcast_in_dim3A_301, %while3A_501 = %broadcast_in_dim3A_301, %while3A_502 = %broadcast_in_dim3A_301, %while3A_503 = %broadcast_in_dim3A_301, %while3A_504 = %broadcast_in_dim3A_301, %while3A_505 = %broadcast_in_dim3A_301) -> (vector<16xf32>, vector<16xf32>, vector<16xf32>, vector<16xf32>, vector<16xf32>, vector<16xf32>, vector<16xf32>, vector<16xf32>, vector<16xf32>, vector<16xf32>, vector<16xf32>, vector<16xf32>, vector<16xf32>, vector<16xf32>, vector<16xf32>, vector<16xf32>, vector<16xf32>, vector<16xf32>, vector<16xf32>, vector<16xf32>, vector<16xf32>, vector<16xf32>, vector<16xf32>, vector<16xf32>, vector<16xf32>, vector<16xf32>, vector<16xf32>, vector<16xf32>, vector<16xf32>, vector<16xf32>, vector<16xf32>, vector<16xf32>)  : i32 {
      %mul3A_506 = arith.constant 2 : i32
      %mul3A_507 = arith.muli %mul3A_506, %while3A_473 : i32
      %add3A_508 = arith.constant 1 : i32
      %add3A_509 = arith.addi %mul3A_507, %add3A_508 : i32
      %lt3A = arith.cmpi slt, %add3A_509, %select_n3A_294 : i32
      %convert_element_type3A_510 = arith.extui %lt3A : i1 to i32
      %cond3A_511 = arith.constant 0 : i32
      %cond3A_512 = arith.cmpi ne, %convert_element_type3A_510, %cond3A_511 : i32
      scf.if %cond3A_512 {
        %mul3A_553 = arith.constant 64 : i32
        %mul3A_554 = arith.muli %add3A_509, %mul3A_553 : i32
        %add3A_555 = arith.addi %mul3A_265, %mul3A_554 : i32
        %min3A_556 = arith.constant 99936 : i32
        %min3A_557 = arith.minsi %add3A_555, %min3A_556 : i32
        %dma_start3A_558 = arith.constant 0 : i32
        %dma_start3A_559 = tpu.memref_slice %arg2[%min3A_557, %dma_start3A_558] : memref<100000x512xf32, #tpu.memory_space<hbm>> -> memref<64x512xf32, #tpu.memory_space<hbm>>
        %dma_start3A_560 = arith.constant 0 : i32
        %dma_start3A_561 = tpu.memref_slice %arg2[%min3A_557, %dma_start3A_560] : memref<100000x512xf32, #tpu.memory_space<hbm>> -> memref<64x512xf32, #tpu.memory_space<hbm>>
        tpu.enqueue_dma source(%dma_start3A_561 : memref<64x512xf32, #tpu.memory_space<hbm>>) target(%arg7 : memref<64x512xf32, #tpu.memory_space<vmem>>) target_semaphore(%arg10 : memref<!tpu.dma_semaphore, #tpu.memory_space<semaphore_mem>>)
      } else {
      }
      %dma_wait3A_513 = arith.constant 0 : i32
      %dma_wait3A_514 = arith.constant 0 : i32
      %dma_wait3A_515 = tpu.memref_slice %arg2[%dma_wait3A_513, %dma_wait3A_514] : memref<100000x512xf32, #tpu.memory_space<hbm>> -> memref<64x512xf32, #tpu.memory_space<hbm>>
      %dma_wait3A_516 = arith.constant 0 : i32
      %dma_wait3A_517 = arith.constant 0 : i32
      %dma_wait3A_518 = tpu.memref_slice %arg2[%dma_wait3A_516, %dma_wait3A_517] : memref<100000x512xf32, #tpu.memory_space<hbm>> -> memref<64x512xf32, #tpu.memory_space<hbm>>
      tpu.wait_dma2 semaphore(%arg9 : memref<!tpu.dma_semaphore, #tpu.memory_space<semaphore_mem>>) src(%dma_wait3A_518 : memref<64x512xf32, #tpu.memory_space<hbm>>) dst(%arg6 : memref<64x512xf32, #tpu.memory_space<vmem>>)
      %mul3A_519 = arith.constant 64 : i32
      %mul3A_520 = arith.muli %mul3A_507, %mul3A_519 : i32
      %add3A_521 = arith.addi %mul3A_265, %mul3A_520 : i32
      %min3A_522 = arith.constant 99936 : i32
      %min3A_523 = arith.minsi %add3A_521, %min3A_522 : i32
      %sub3A_524 = arith.subi %min3A_235, %min3A_523 : i32
      %max3A = arith.constant 0 : i32
      %max3A_525 = arith.maxsi %sub3A_524, %max3A : i32
      %sub3A_526 = arith.subi %min3A_239, %min3A_523 : i32
      %min3A_527 = arith.constant 64 : i32
      %min3A_528 = arith.minsi %sub3A_526, %min3A_527 : i32
      %parallel_loop3A = arith.constant 1 : i32
      %parallel_loop3A_529:32 = scf.for %parallel_loop3A_553 = %max3A_525 to %min3A_528 step %parallel_loop3A iter_args(%parallel_loop3A_554 = %while3A_474, %parallel_loop3A_555 = %while3A_475, %parallel_loop3A_556 = %while3A_476, %parallel_loop3A_557 = %while3A_477, %parallel_loop3A_558 = %while3A_478, %parallel_loop3A_559 = %while3A_479, %parallel_loop3A_560 = %while3A_480, %parallel_loop3A_561 = %while3A_481, %parallel_loop3A_562 = %while3A_482, %parallel_loop3A_563 = %while3A_483, %parallel_loop3A_564 = %while3A_484, %parallel_loop3A_565 = %while3A_485, %parallel_loop3A_566 = %while3A_486, %parallel_loop3A_567 = %while3A_487, %parallel_loop3A_568 = %while3A_488, %parallel_loop3A_569 = %while3A_489, %parallel_loop3A_570 = %while3A_490, %parallel_loop3A_571 = %while3A_491, %parallel_loop3A_572 = %while3A_492, %parallel_loop3A_573 = %while3A_493, %parallel_loop3A_574 = %while3A_494, %parallel_loop3A_575 = %while3A_495, %parallel_loop3A_576 = %while3A_496, %parallel_loop3A_577 = %while3A_497, %parallel_loop3A_578 = %while3A_498, %parallel_loop3A_579 = %while3A_499, %parallel_loop3A_580 = %while3A_500, %parallel_loop3A_581 = %while3A_501, %parallel_loop3A_582 = %while3A_502, %parallel_loop3A_583 = %while3A_503, %parallel_loop3A_584 = %while3A_504, %parallel_loop3A_585 = %while3A_505) -> (vector<16xf32>, vector<16xf32>, vector<16xf32>, vector<16xf32>, vector<16xf32>, vector<16xf32>, vector<16xf32>, vector<16xf32>, vector<16xf32>, vector<16xf32>, vector<16xf32>, vector<16xf32>, vector<16xf32>, vector<16xf32>, vector<16xf32>, vector<16xf32>, vector<16xf32>, vector<16xf32>, vector<16xf32>, vector<16xf32>, vector<16xf32>, vector<16xf32>, vector<16xf32>, vector<16xf32>, vector<16xf32>, vector<16xf32>, vector<16xf32>, vector<16xf32>, vector<16xf32>, vector<16xf32>, vector<16xf32>, vector<16xf32>)  : i32 {
        %parallel_loop3A_586 = arith.index_cast %parallel_loop3A_553 : i32 to index
        %parallel_loop3A_587 = arith.constant 0 : index
        %parallel_loop3A_588 = tpu.vector_load %arg6[%parallel_loop3A_586, %parallel_loop3A_587] {strides = array<i32>} : memref<64x512xf32, #tpu.memory_space<vmem>>, vector<1x16xf32>,
        %parallel_loop3A_589 = vector.shape_cast %parallel_loop3A_588 : vector<1x16xf32> to vector<16xf32>
        %parallel_loop3A_590 = arith.maximumf %parallel_loop3A_554, %parallel_loop3A_589 : vector<16xf32>
        %parallel_loop3A_591 = arith.index_cast %parallel_loop3A_553 : i32 to index
        %parallel_loop3A_592 = arith.constant 16 : index
        %parallel_loop3A_593 = tpu.vector_load %arg6[%parallel_loop3A_591, %parallel_loop3A_592] {strides = array<i32>} : memref<64x512xf32, #tpu.memory_space<vmem>>, vector<1x16xf32>,
        %parallel_loop3A_594 = vector.shape_cast %parallel_loop3A_593 : vector<1x16xf32> to vector<16xf32>
        %parallel_loop3A_595 = arith.maximumf %parallel_loop3A_555, %parallel_loop3A_594 : vector<16xf32>
        %parallel_loop3A_596 = arith.index_cast %parallel_loop3A_553 : i32 to index
        %parallel_loop3A_597 = arith.constant 32 : index
        %parallel_loop3A_598 = tpu.vector_load %arg6[%parallel_loop3A_596, %parallel_loop3A_597] {strides = array<i32>} : memref<64x512xf32, #tpu.memory_space<vmem>>, vector<1x16xf32>,
        %parallel_loop3A_599 = vector.shape_cast %parallel_loop3A_598 : vector<1x16xf32> to vector<16xf32>
        %parallel_loop3A_600 = arith.maximumf %parallel_loop3A_556, %parallel_loop3A_599 : vector<16xf32>
        %parallel_loop3A_601 = arith.index_cast %parallel_loop3A_553 : i32 to index
        %parallel_loop3A_602 = arith.constant 48 : index
        %parallel_loop3A_603 = tpu.vector_load %arg6[%parallel_loop3A_601, %parallel_loop3A_602] {strides = array<i32>} : memref<64x512xf32, #tpu.memory_space<vmem>>, vector<1x16xf32>,
        %parallel_loop3A_604 = vector.shape_cast %parallel_loop3A_603 : vector<1x16xf32> to vector<16xf32>
        %parallel_loop3A_605 = arith.maximumf %parallel_loop3A_557, %parallel_loop3A_604 : vector<16xf32>
        %parallel_loop3A_606 = arith.index_cast %parallel_loop3A_553 : i32 to index
        %parallel_loop3A_607 = arith.constant 64 : index
        %parallel_loop3A_608 = tpu.vector_load %arg6[%parallel_loop3A_606, %parallel_loop3A_607] {strides = array<i32>} : memref<64x512xf32, #tpu.memory_space<vmem>>, vector<1x16xf32>,
        %parallel_loop3A_609 = vector.shape_cast %parallel_loop3A_608 : vector<1x16xf32> to vector<16xf32>
        %parallel_loop3A_610 = arith.maximumf %parallel_loop3A_558, %parallel_loop3A_609 : vector<16xf32>
        %parallel_loop3A_611 = arith.index_cast %parallel_loop3A_553 : i32 to index
        %parallel_loop3A_612 = arith.constant 80 : index
        %parallel_loop3A_613 = tpu.vector_load %arg6[%parallel_loop3A_611, %parallel_loop3A_612] {strides = array<i32>} : memref<64x512xf32, #tpu.memory_space<vmem>>, vector<1x16xf32>,
        %parallel_loop3A_614 = vector.shape_cast %parallel_loop3A_613 : vector<1x16xf32> to vector<16xf32>
        %parallel_loop3A_615 = arith.maximumf %parallel_loop3A_559, %parallel_loop3A_614 : vector<16xf32>
        %parallel_loop3A_616 = arith.index_cast %parallel_loop3A_553 : i32 to index
        %parallel_loop3A_617 = arith.constant 96 : index
        %parallel_loop3A_618 = tpu.vector_load %arg6[%parallel_loop3A_616, %parallel_loop3A_617] {strides = array<i32>} : memref<64x512xf32, #tpu.memory_space<vmem>>, vector<1x16xf32>,
        %parallel_loop3A_619 = vector.shape_cast %parallel_loop3A_618 : vector<1x16xf32> to vector<16xf32>
        %parallel_loop3A_620 = arith.maximumf %parallel_loop3A_560, %parallel_loop3A_619 : vector<16xf32>
        %parallel_loop3A_621 = arith.index_cast %parallel_loop3A_553 : i32 to index
        %parallel_loop3A_622 = arith.constant 112 : index
        %parallel_loop3A_623 = tpu.vector_load %arg6[%parallel_loop3A_621, %parallel_loop3A_622] {strides = array<i32>} : memref<64x512xf32, #tpu.memory_space<vmem>>, vector<1x16xf32>,
        %parallel_loop3A_624 = vector.shape_cast %parallel_loop3A_623 : vector<1x16xf32> to vector<16xf32>
        %parallel_loop3A_625 = arith.maximumf %parallel_loop3A_561, %parallel_loop3A_624 : vector<16xf32>
        %parallel_loop3A_626 = arith.index_cast %parallel_loop3A_553 : i32 to index
        %parallel_loop3A_627 = arith.constant 128 : index
        %parallel_loop3A_628 = tpu.vector_load %arg6[%parallel_loop3A_626, %parallel_loop3A_627] {strides = array<i32>} : memref<64x512xf32, #tpu.memory_space<vmem>>, vector<1x16xf32>,
        %parallel_loop3A_629 = vector.shape_cast %parallel_loop3A_628 : vector<1x16xf32> to vector<16xf32>
        %parallel_loop3A_630 = arith.maximumf %parallel_loop3A_562, %parallel_loop3A_629 : vector<16xf32>
        %parallel_loop3A_631 = arith.index_cast %parallel_loop3A_553 : i32 to index
        %parallel_loop3A_632 = arith.constant 144 : index
        %parallel_loop3A_633 = tpu.vector_load %arg6[%parallel_loop3A_631, %parallel_loop3A_632] {strides = array<i32>} : memref<64x512xf32, #tpu.memory_space<vmem>>, vector<1x16xf32>,
        %parallel_loop3A_634 = vector.shape_cast %parallel_loop3A_633 : vector<1x16xf32> to vector<16xf32>
        %parallel_loop3A_635 = arith.maximumf %parallel_loop3A_563, %parallel_loop3A_634 : vector<16xf32>
        %parallel_loop3A_636 = arith.index_cast %parallel_loop3A_553 : i32 to index
        %parallel_loop3A_637 = arith.constant 160 : index
        %parallel_loop3A_638 = tpu.vector_load %arg6[%parallel_loop3A_636, %parallel_loop3A_637] {strides = array<i32>} : memref<64x512xf32, #tpu.memory_space<vmem>>, vector<1x16xf32>,
        %parallel_loop3A_639 = vector.shape_cast %parallel_loop3A_638 : vector<1x16xf32> to vector<16xf32>
        %parallel_loop3A_640 = arith.maximumf %parallel_loop3A_564, %parallel_loop3A_639 : vector<16xf32>
        %parallel_loop3A_641 = arith.index_cast %parallel_loop3A_553 : i32 to index
        %parallel_loop3A_642 = arith.constant 176 : index
        %parallel_loop3A_643 = tpu.vector_load %arg6[%parallel_loop3A_641, %parallel_loop3A_642] {strides = array<i32>} : memref<64x512xf32, #tpu.memory_space<vmem>>, vector<1x16xf32>,
        %parallel_loop3A_644 = vector.shape_cast %parallel_loop3A_643 : vector<1x16xf32> to vector<16xf32>
        %parallel_loop3A_645 = arith.maximumf %parallel_loop3A_565, %parallel_loop3A_644 : vector<16xf32>
        %parallel_loop3A_646 = arith.index_cast %parallel_loop3A_553 : i32 to index
        %parallel_loop3A_647 = arith.constant 192 : index
        %parallel_loop3A_648 = tpu.vector_load %arg6[%parallel_loop3A_646, %parallel_loop3A_647] {strides = array<i32>} : memref<64x512xf32, #tpu.memory_space<vmem>>, vector<1x16xf32>,
        %parallel_loop3A_649 = vector.shape_cast %parallel_loop3A_648 : vector<1x16xf32> to vector<16xf32>
        %parallel_loop3A_650 = arith.maximumf %parallel_loop3A_566, %parallel_loop3A_649 : vector<16xf32>
        %parallel_loop3A_651 = arith.index_cast %parallel_loop3A_553 : i32 to index
        %parallel_loop3A_652 = arith.constant 208 : index
        %parallel_loop3A_653 = tpu.vector_load %arg6[%parallel_loop3A_651, %parallel_loop3A_652] {strides = array<i32>} : memref<64x512xf32, #tpu.memory_space<vmem>>, vector<1x16xf32>,
        %parallel_loop3A_654 = vector.shape_cast %parallel_loop3A_653 : vector<1x16xf32> to vector<16xf32>
        %parallel_loop3A_655 = arith.maximumf %parallel_loop3A_567, %parallel_loop3A_654 : vector<16xf32>
        %parallel_loop3A_656 = arith.index_cast %parallel_loop3A_553 : i32 to index
        %parallel_loop3A_657 = arith.constant 224 : index
        %parallel_loop3A_658 = tpu.vector_load %arg6[%parallel_loop3A_656, %parallel_loop3A_657] {strides = array<i32>} : memref<64x512xf32, #tpu.memory_space<vmem>>, vector<1x16xf32>,
        %parallel_loop3A_659 = vector.shape_cast %parallel_loop3A_658 : vector<1x16xf32> to vector<16xf32>
        %parallel_loop3A_660 = arith.maximumf %parallel_loop3A_568, %parallel_loop3A_659 : vector<16xf32>
        %parallel_loop3A_661 = arith.index_cast %parallel_loop3A_553 : i32 to index
        %parallel_loop3A_662 = arith.constant 240 : index
        %parallel_loop3A_663 = tpu.vector_load %arg6[%parallel_loop3A_661, %parallel_loop3A_662] {strides = array<i32>} : memref<64x512xf32, #tpu.memory_space<vmem>>, vector<1x16xf32>,
        %parallel_loop3A_664 = vector.shape_cast %parallel_loop3A_663 : vector<1x16xf32> to vector<16xf32>
        %parallel_loop3A_665 = arith.maximumf %parallel_loop3A_569, %parallel_loop3A_664 : vector<16xf32>
        %parallel_loop3A_666 = arith.index_cast %parallel_loop3A_553 : i32 to index
        %parallel_loop3A_667 = arith.constant 256 : index
        %parallel_loop3A_668 = tpu.vector_load %arg6[%parallel_loop3A_666, %parallel_loop3A_667] {strides = array<i32>} : memref<64x512xf32, #tpu.memory_space<vmem>>, vector<1x16xf32>,
        %parallel_loop3A_669 = vector.shape_cast %parallel_loop3A_668 : vector<1x16xf32> to vector<16xf32>
        %parallel_loop3A_670 = arith.maximumf %parallel_loop3A_570, %parallel_loop3A_669 : vector<16xf32>
        %parallel_loop3A_671 = arith.index_cast %parallel_loop3A_553 : i32 to index
        %parallel_loop3A_672 = arith.constant 272 : index
        %parallel_loop3A_673 = tpu.vector_load %arg6[%parallel_loop3A_671, %parallel_loop3A_672] {strides = array<i32>} : memref<64x512xf32, #tpu.memory_space<vmem>>, vector<1x16xf32>,
        %parallel_loop3A_674 = vector.shape_cast %parallel_loop3A_673 : vector<1x16xf32> to vector<16xf32>
        %parallel_loop3A_675 = arith.maximumf %parallel_loop3A_571, %parallel_loop3A_674 : vector<16xf32>
        %parallel_loop3A_676 = arith.index_cast %parallel_loop3A_553 : i32 to index
        %parallel_loop3A_677 = arith.constant 288 : index
        %parallel_loop3A_678 = tpu.vector_load %arg6[%parallel_loop3A_676, %parallel_loop3A_677] {strides = array<i32>} : memref<64x512xf32, #tpu.memory_space<vmem>>, vector<1x16xf32>,
        %parallel_loop3A_679 = vector.shape_cast %parallel_loop3A_678 : vector<1x16xf32> to vector<16xf32>
        %parallel_loop3A_680 = arith.maximumf %parallel_loop3A_572, %parallel_loop3A_679 : vector<16xf32>
        %parallel_loop3A_681 = arith.index_cast %parallel_loop3A_553 : i32 to index
        %parallel_loop3A_682 = arith.constant 304 : index
        %parallel_loop3A_683 = tpu.vector_load %arg6[%parallel_loop3A_681, %parallel_loop3A_682] {strides = array<i32>} : memref<64x512xf32, #tpu.memory_space<vmem>>, vector<1x16xf32>,
        %parallel_loop3A_684 = vector.shape_cast %parallel_loop3A_683 : vector<1x16xf32> to vector<16xf32>
        %parallel_loop3A_685 = arith.maximumf %parallel_loop3A_573, %parallel_loop3A_684 : vector<16xf32>
        %parallel_loop3A_686 = arith.index_cast %parallel_loop3A_553 : i32 to index
        %parallel_loop3A_687 = arith.constant 320 : index
        %parallel_loop3A_688 = tpu.vector_load %arg6[%parallel_loop3A_686, %parallel_loop3A_687] {strides = array<i32>} : memref<64x512xf32, #tpu.memory_space<vmem>>, vector<1x16xf32>,
        %parallel_loop3A_689 = vector.shape_cast %parallel_loop3A_688 : vector<1x16xf32> to vector<16xf32>
        %parallel_loop3A_690 = arith.maximumf %parallel_loop3A_574, %parallel_loop3A_689 : vector<16xf32>
        %parallel_loop3A_691 = arith.index_cast %parallel_loop3A_553 : i32 to index
        %parallel_loop3A_692 = arith.constant 336 : index
        %parallel_loop3A_693 = tpu.vector_load %arg6[%parallel_loop3A_691, %parallel_loop3A_692] {strides = array<i32>} : memref<64x512xf32, #tpu.memory_space<vmem>>, vector<1x16xf32>,
        %parallel_loop3A_694 = vector.shape_cast %parallel_loop3A_693 : vector<1x16xf32> to vector<16xf32>
        %parallel_loop3A_695 = arith.maximumf %parallel_loop3A_575, %parallel_loop3A_694 : vector<16xf32>
        %parallel_loop3A_696 = arith.index_cast %parallel_loop3A_553 : i32 to index
        %parallel_loop3A_697 = arith.constant 352 : index
        %parallel_loop3A_698 = tpu.vector_load %arg6[%parallel_loop3A_696, %parallel_loop3A_697] {strides = array<i32>} : memref<64x512xf32, #tpu.memory_space<vmem>>, vector<1x16xf32>,
        %parallel_loop3A_699 = vector.shape_cast %parallel_loop3A_698 : vector<1x16xf32> to vector<16xf32>
        %parallel_loop3A_700 = arith.maximumf %parallel_loop3A_576, %parallel_loop3A_699 : vector<16xf32>
        %parallel_loop3A_701 = arith.index_cast %parallel_loop3A_553 : i32 to index
        %parallel_loop3A_702 = arith.constant 368 : index
        %parallel_loop3A_703 = tpu.vector_load %arg6[%parallel_loop3A_701, %parallel_loop3A_702] {strides = array<i32>} : memref<64x512xf32, #tpu.memory_space<vmem>>, vector<1x16xf32>,
        %parallel_loop3A_704 = vector.shape_cast %parallel_loop3A_703 : vector<1x16xf32> to vector<16xf32>
        %parallel_loop3A_705 = arith.maximumf %parallel_loop3A_577, %parallel_loop3A_704 : vector<16xf32>
        %parallel_loop3A_706 = arith.index_cast %parallel_loop3A_553 : i32 to index
        %parallel_loop3A_707 = arith.constant 384 : index
        %parallel_loop3A_708 = tpu.vector_load %arg6[%parallel_loop3A_706, %parallel_loop3A_707] {strides = array<i32>} : memref<64x512xf32, #tpu.memory_space<vmem>>, vector<1x16xf32>,
        %parallel_loop3A_709 = vector.shape_cast %parallel_loop3A_708 : vector<1x16xf32> to vector<16xf32>
        %parallel_loop3A_710 = arith.maximumf %parallel_loop3A_578, %parallel_loop3A_709 : vector<16xf32>
        %parallel_loop3A_711 = arith.index_cast %parallel_loop3A_553 : i32 to index
        %parallel_loop3A_712 = arith.constant 400 : index
        %parallel_loop3A_713 = tpu.vector_load %arg6[%parallel_loop3A_711, %parallel_loop3A_712] {strides = array<i32>} : memref<64x512xf32, #tpu.memory_space<vmem>>, vector<1x16xf32>,
        %parallel_loop3A_714 = vector.shape_cast %parallel_loop3A_713 : vector<1x16xf32> to vector<16xf32>
        %parallel_loop3A_715 = arith.maximumf %parallel_loop3A_579, %parallel_loop3A_714 : vector<16xf32>
        %parallel_loop3A_716 = arith.index_cast %parallel_loop3A_553 : i32 to index
        %parallel_loop3A_717 = arith.constant 416 : index
        %parallel_loop3A_718 = tpu.vector_load %arg6[%parallel_loop3A_716, %parallel_loop3A_717] {strides = array<i32>} : memref<64x512xf32, #tpu.memory_space<vmem>>, vector<1x16xf32>,
        %parallel_loop3A_719 = vector.shape_cast %parallel_loop3A_718 : vector<1x16xf32> to vector<16xf32>
        %parallel_loop3A_720 = arith.maximumf %parallel_loop3A_580, %parallel_loop3A_719 : vector<16xf32>
        %parallel_loop3A_721 = arith.index_cast %parallel_loop3A_553 : i32 to index
        %parallel_loop3A_722 = arith.constant 432 : index
        %parallel_loop3A_723 = tpu.vector_load %arg6[%parallel_loop3A_721, %parallel_loop3A_722] {strides = array<i32>} : memref<64x512xf32, #tpu.memory_space<vmem>>, vector<1x16xf32>,
        %parallel_loop3A_724 = vector.shape_cast %parallel_loop3A_723 : vector<1x16xf32> to vector<16xf32>
        %parallel_loop3A_725 = arith.maximumf %parallel_loop3A_581, %parallel_loop3A_724 : vector<16xf32>
        %parallel_loop3A_726 = arith.index_cast %parallel_loop3A_553 : i32 to index
        %parallel_loop3A_727 = arith.constant 448 : index
        %parallel_loop3A_728 = tpu.vector_load %arg6[%parallel_loop3A_726, %parallel_loop3A_727] {strides = array<i32>} : memref<64x512xf32, #tpu.memory_space<vmem>>, vector<1x16xf32>,
        %parallel_loop3A_729 = vector.shape_cast %parallel_loop3A_728 : vector<1x16xf32> to vector<16xf32>
        %parallel_loop3A_730 = arith.maximumf %parallel_loop3A_582, %parallel_loop3A_729 : vector<16xf32>
        %parallel_loop3A_731 = arith.index_cast %parallel_loop3A_553 : i32 to index
        %parallel_loop3A_732 = arith.constant 464 : index
        %parallel_loop3A_733 = tpu.vector_load %arg6[%parallel_loop3A_731, %parallel_loop3A_732] {strides = array<i32>} : memref<64x512xf32, #tpu.memory_space<vmem>>, vector<1x16xf32>,
        %parallel_loop3A_734 = vector.shape_cast %parallel_loop3A_733 : vector<1x16xf32> to vector<16xf32>
        %parallel_loop3A_735 = arith.maximumf %parallel_loop3A_583, %parallel_loop3A_734 : vector<16xf32>
        %parallel_loop3A_736 = arith.index_cast %parallel_loop3A_553 : i32 to index
        %parallel_loop3A_737 = arith.constant 480 : index
        %parallel_loop3A_738 = tpu.vector_load %arg6[%parallel_loop3A_736, %parallel_loop3A_737] {strides = array<i32>} : memref<64x512xf32, #tpu.memory_space<vmem>>, vector<1x16xf32>,
        %parallel_loop3A_739 = vector.shape_cast %parallel_loop3A_738 : vector<1x16xf32> to vector<16xf32>
        %parallel_loop3A_740 = arith.maximumf %parallel_loop3A_584, %parallel_loop3A_739 : vector<16xf32>
        %parallel_loop3A_741 = arith.index_cast %parallel_loop3A_553 : i32 to index
        %parallel_loop3A_742 = arith.constant 496 : index
        %parallel_loop3A_743 = tpu.vector_load %arg6[%parallel_loop3A_741, %parallel_loop3A_742] {strides = array<i32>} : memref<64x512xf32, #tpu.memory_space<vmem>>, vector<1x16xf32>,
        %parallel_loop3A_744 = vector.shape_cast %parallel_loop3A_743 : vector<1x16xf32> to vector<16xf32>
        %parallel_loop3A_745 = arith.maximumf %parallel_loop3A_585, %parallel_loop3A_744 : vector<16xf32>
        scf.yield %parallel_loop3A_590, %parallel_loop3A_595, %parallel_loop3A_600, %parallel_loop3A_605, %parallel_loop3A_610, %parallel_loop3A_615, %parallel_loop3A_620, %parallel_loop3A_625, %parallel_loop3A_630, %parallel_loop3A_635, %parallel_loop3A_640, %parallel_loop3A_645, %parallel_loop3A_650, %parallel_loop3A_655, %parallel_loop3A_660, %parallel_loop3A_665, %parallel_loop3A_670, %parallel_loop3A_675, %parallel_loop3A_680, %parallel_loop3A_685, %parallel_loop3A_690, %parallel_loop3A_695, %parallel_loop3A_700, %parallel_loop3A_705, %parallel_loop3A_710, %parallel_loop3A_715, %parallel_loop3A_720, %parallel_loop3A_725, %parallel_loop3A_730, %parallel_loop3A_735, %parallel_loop3A_740, %parallel_loop3A_745 : vector<16xf32>, vector<16xf32>, vector<16xf32>, vector<16xf32>, vector<16xf32>, vector<16xf32>, vector<16xf32>, vector<16xf32>, vector<16xf32>, vector<16xf32>, vector<16xf32>, vector<16xf32>, vector<16xf32>, vector<16xf32>, vector<16xf32>, vector<16xf32>, vector<16xf32>, vector<16xf32>, vector<16xf32>, vector<16xf32>, vector<16xf32>, vector<16xf32>, vector<16xf32>, vector<16xf32>, vector<16xf32>, vector<16xf32>, vector<16xf32>, vector<16xf32>, vector<16xf32>, vector<16xf32>, vector<16xf32>, vector<16xf32>
      } {sc.loop_unroll_factor = 2 : i64, sc.parallel_access}
      %add3A_530 = arith.constant 1 : i32
      %add3A_531 = arith.addi %add3A_509, %add3A_530 : i32
      %lt3A_532 = arith.cmpi slt, %add3A_531, %select_n3A_294 : i32
      %convert_element_type3A_533 = arith.extui %lt3A_532 : i1 to i32
      %cond3A_534 = arith.constant 0 : i32
      %cond3A_535 = arith.cmpi ne, %convert_element_type3A_533, %cond3A_534 : i32
      scf.if %cond3A_535 {
        %add3A_553 = arith.constant 1 : i32
        %add3A_554 = arith.addi %add3A_509, %add3A_553 : i32
        %mul3A_555 = arith.constant 64 : i32
        %mul3A_556 = arith.muli %add3A_554, %mul3A_555 : i32
        %add3A_557 = arith.addi %mul3A_265, %mul3A_556 : i32
        %min3A_558 = arith.constant 99936 : i32
        %min3A_559 = arith.minsi %add3A_557, %min3A_558 : i32
        %dma_start3A_560 = arith.constant 0 : i32
        %dma_start3A_561 = tpu.memref_slice %arg2[%min3A_559, %dma_start3A_560] : memref<100000x512xf32, #tpu.memory_space<hbm>> -> memref<64x512xf32, #tpu.memory_space<hbm>>
        %dma_start3A_562 = arith.constant 0 : i32
        %dma_start3A_563 = tpu.memref_slice %arg2[%min3A_559, %dma_start3A_562] : memref<100000x512xf32, #tpu.memory_space<hbm>> -> memref<64x512xf32, #tpu.memory_space<hbm>>
        tpu.enqueue_dma source(%dma_start3A_563 : memref<64x512xf32, #tpu.memory_space<hbm>>) target(%arg6 : memref<64x512xf32, #tpu.memory_space<vmem>>) target_semaphore(%arg9 : memref<!tpu.dma_semaphore, #tpu.memory_space<semaphore_mem>>)
      } else {
      }
      %lt3A_536 = arith.cmpi slt, %add3A_509, %select_n3A_294 : i32
      %convert_element_type3A_537 = arith.extui %lt3A_536 : i1 to i32
      %cond3A_538 = arith.constant 0 : i32
      %cond3A_539 = arith.cmpi ne, %convert_element_type3A_537, %cond3A_538 : i32
      scf.if %cond3A_539 {
        %dma_wait3A_553 = arith.constant 0 : i32
        %dma_wait3A_554 = arith.constant 0 : i32
        %dma_wait3A_555 = tpu.memref_slice %arg2[%dma_wait3A_553, %dma_wait3A_554] : memref<100000x512xf32, #tpu.memory_space<hbm>> -> memref<64x512xf32, #tpu.memory_space<hbm>>
        %dma_wait3A_556 = arith.constant 0 : i32
        %dma_wait3A_557 = arith.constant 0 : i32
        %dma_wait3A_558 = tpu.memref_slice %arg2[%dma_wait3A_556, %dma_wait3A_557] : memref<100000x512xf32, #tpu.memory_space<hbm>> -> memref<64x512xf32, #tpu.memory_space<hbm>>
        tpu.wait_dma2 semaphore(%arg10 : memref<!tpu.dma_semaphore, #tpu.memory_space<semaphore_mem>>) src(%dma_wait3A_558 : memref<64x512xf32, #tpu.memory_space<hbm>>) dst(%arg7 : memref<64x512xf32, #tpu.memory_space<vmem>>)
      } else {
      }
      %mul3A_540 = arith.constant 64 : i32
      %mul3A_541 = arith.muli %add3A_509, %mul3A_540 : i32
      %add3A_542 = arith.addi %mul3A_265, %mul3A_541 : i32
      %min3A_543 = arith.constant 99936 : i32
      %min3A_544 = arith.minsi %add3A_542, %min3A_543 : i32
      %sub3A_545 = arith.subi %min3A_235, %min3A_544 : i32
      %max3A_546 = arith.constant 0 : i32
      %max3A_547 = arith.maxsi %sub3A_545, %max3A_546 : i32
      %sub3A_548 = arith.subi %min3A_239, %min3A_544 : i32
      %min3A_549 = arith.constant 64 : i32
      %min3A_550 = arith.minsi %sub3A_548, %min3A_549 : i32
      %parallel_loop3A_551 = arith.constant 1 : i32
      %parallel_loop3A_552:32 = scf.for %parallel_loop3A_553 = %max3A_547 to %min3A_550 step %parallel_loop3A_551 iter_args(%parallel_loop3A_554 = %parallel_loop3A_529#0, %parallel_loop3A_555 = %parallel_loop3A_529#1, %parallel_loop3A_556 = %parallel_loop3A_529#2, %parallel_loop3A_557 = %parallel_loop3A_529#3, %parallel_loop3A_558 = %parallel_loop3A_529#4, %parallel_loop3A_559 = %parallel_loop3A_529#5, %parallel_loop3A_560 = %parallel_loop3A_529#6, %parallel_loop3A_561 = %parallel_loop3A_529#7, %parallel_loop3A_562 = %parallel_loop3A_529#8, %parallel_loop3A_563 = %parallel_loop3A_529#9, %parallel_loop3A_564 = %parallel_loop3A_529#10, %parallel_loop3A_565 = %parallel_loop3A_529#11, %parallel_loop3A_566 = %parallel_loop3A_529#12, %parallel_loop3A_567 = %parallel_loop3A_529#13, %parallel_loop3A_568 = %parallel_loop3A_529#14, %parallel_loop3A_569 = %parallel_loop3A_529#15, %parallel_loop3A_570 = %parallel_loop3A_529#16, %parallel_loop3A_571 = %parallel_loop3A_529#17, %parallel_loop3A_572 = %parallel_loop3A_529#18, %parallel_loop3A_573 = %parallel_loop3A_529#19, %parallel_loop3A_574 = %parallel_loop3A_529#20, %parallel_loop3A_575 = %parallel_loop3A_529#21, %parallel_loop3A_576 = %parallel_loop3A_529#22, %parallel_loop3A_577 = %parallel_loop3A_529#23, %parallel_loop3A_578 = %parallel_loop3A_529#24, %parallel_loop3A_579 = %parallel_loop3A_529#25, %parallel_loop3A_580 = %parallel_loop3A_529#26, %parallel_loop3A_581 = %parallel_loop3A_529#27, %parallel_loop3A_582 = %parallel_loop3A_529#28, %parallel_loop3A_583 = %parallel_loop3A_529#29, %parallel_loop3A_584 = %parallel_loop3A_529#30, %parallel_loop3A_585 = %parallel_loop3A_529#31) -> (vector<16xf32>, vector<16xf32>, vector<16xf32>, vector<16xf32>, vector<16xf32>, vector<16xf32>, vector<16xf32>, vector<16xf32>, vector<16xf32>, vector<16xf32>, vector<16xf32>, vector<16xf32>, vector<16xf32>, vector<16xf32>, vector<16xf32>, vector<16xf32>, vector<16xf32>, vector<16xf32>, vector<16xf32>, vector<16xf32>, vector<16xf32>, vector<16xf32>, vector<16xf32>, vector<16xf32>, vector<16xf32>, vector<16xf32>, vector<16xf32>, vector<16xf32>, vector<16xf32>, vector<16xf32>, vector<16xf32>, vector<16xf32>)  : i32 {
        %parallel_loop3A_586 = arith.index_cast %parallel_loop3A_553 : i32 to index
        %parallel_loop3A_587 = arith.constant 0 : index
        %parallel_loop3A_588 = tpu.vector_load %arg7[%parallel_loop3A_586, %parallel_loop3A_587] {strides = array<i32>} : memref<64x512xf32, #tpu.memory_space<vmem>>, vector<1x16xf32>,
        %parallel_loop3A_589 = vector.shape_cast %parallel_loop3A_588 : vector<1x16xf32> to vector<16xf32>
        %parallel_loop3A_590 = arith.maximumf %parallel_loop3A_554, %parallel_loop3A_589 : vector<16xf32>
        %parallel_loop3A_591 = arith.index_cast %parallel_loop3A_553 : i32 to index
        %parallel_loop3A_592 = arith.constant 16 : index
        %parallel_loop3A_593 = tpu.vector_load %arg7[%parallel_loop3A_591, %parallel_loop3A_592] {strides = array<i32>} : memref<64x512xf32, #tpu.memory_space<vmem>>, vector<1x16xf32>,
        %parallel_loop3A_594 = vector.shape_cast %parallel_loop3A_593 : vector<1x16xf32> to vector<16xf32>
        %parallel_loop3A_595 = arith.maximumf %parallel_loop3A_555, %parallel_loop3A_594 : vector<16xf32>
        %parallel_loop3A_596 = arith.index_cast %parallel_loop3A_553 : i32 to index
        %parallel_loop3A_597 = arith.constant 32 : index
        %parallel_loop3A_598 = tpu.vector_load %arg7[%parallel_loop3A_596, %parallel_loop3A_597] {strides = array<i32>} : memref<64x512xf32, #tpu.memory_space<vmem>>, vector<1x16xf32>,
        %parallel_loop3A_599 = vector.shape_cast %parallel_loop3A_598 : vector<1x16xf32> to vector<16xf32>
        %parallel_loop3A_600 = arith.maximumf %parallel_loop3A_556, %parallel_loop3A_599 : vector<16xf32>
        %parallel_loop3A_601 = arith.index_cast %parallel_loop3A_553 : i32 to index
        %parallel_loop3A_602 = arith.constant 48 : index
        %parallel_loop3A_603 = tpu.vector_load %arg7[%parallel_loop3A_601, %parallel_loop3A_602] {strides = array<i32>} : memref<64x512xf32, #tpu.memory_space<vmem>>, vector<1x16xf32>,
        %parallel_loop3A_604 = vector.shape_cast %parallel_loop3A_603 : vector<1x16xf32> to vector<16xf32>
        %parallel_loop3A_605 = arith.maximumf %parallel_loop3A_557, %parallel_loop3A_604 : vector<16xf32>
        %parallel_loop3A_606 = arith.index_cast %parallel_loop3A_553 : i32 to index
        %parallel_loop3A_607 = arith.constant 64 : index
        %parallel_loop3A_608 = tpu.vector_load %arg7[%parallel_loop3A_606, %parallel_loop3A_607] {strides = array<i32>} : memref<64x512xf32, #tpu.memory_space<vmem>>, vector<1x16xf32>,
        %parallel_loop3A_609 = vector.shape_cast %parallel_loop3A_608 : vector<1x16xf32> to vector<16xf32>
        %parallel_loop3A_610 = arith.maximumf %parallel_loop3A_558, %parallel_loop3A_609 : vector<16xf32>
        %parallel_loop3A_611 = arith.index_cast %parallel_loop3A_553 : i32 to index
        %parallel_loop3A_612 = arith.constant 80 : index
        %parallel_loop3A_613 = tpu.vector_load %arg7[%parallel_loop3A_611, %parallel_loop3A_612] {strides = array<i32>} : memref<64x512xf32, #tpu.memory_space<vmem>>, vector<1x16xf32>,
        %parallel_loop3A_614 = vector.shape_cast %parallel_loop3A_613 : vector<1x16xf32> to vector<16xf32>
        %parallel_loop3A_615 = arith.maximumf %parallel_loop3A_559, %parallel_loop3A_614 : vector<16xf32>
        %parallel_loop3A_616 = arith.index_cast %parallel_loop3A_553 : i32 to index
        %parallel_loop3A_617 = arith.constant 96 : index
        %parallel_loop3A_618 = tpu.vector_load %arg7[%parallel_loop3A_616, %parallel_loop3A_617] {strides = array<i32>} : memref<64x512xf32, #tpu.memory_space<vmem>>, vector<1x16xf32>,
        %parallel_loop3A_619 = vector.shape_cast %parallel_loop3A_618 : vector<1x16xf32> to vector<16xf32>
        %parallel_loop3A_620 = arith.maximumf %parallel_loop3A_560, %parallel_loop3A_619 : vector<16xf32>
        %parallel_loop3A_621 = arith.index_cast %parallel_loop3A_553 : i32 to index
        %parallel_loop3A_622 = arith.constant 112 : index
        %parallel_loop3A_623 = tpu.vector_load %arg7[%parallel_loop3A_621, %parallel_loop3A_622] {strides = array<i32>} : memref<64x512xf32, #tpu.memory_space<vmem>>, vector<1x16xf32>,
        %parallel_loop3A_624 = vector.shape_cast %parallel_loop3A_623 : vector<1x16xf32> to vector<16xf32>
        %parallel_loop3A_625 = arith.maximumf %parallel_loop3A_561, %parallel_loop3A_624 : vector<16xf32>
        %parallel_loop3A_626 = arith.index_cast %parallel_loop3A_553 : i32 to index
        %parallel_loop3A_627 = arith.constant 128 : index
        %parallel_loop3A_628 = tpu.vector_load %arg7[%parallel_loop3A_626, %parallel_loop3A_627] {strides = array<i32>} : memref<64x512xf32, #tpu.memory_space<vmem>>, vector<1x16xf32>,
        %parallel_loop3A_629 = vector.shape_cast %parallel_loop3A_628 : vector<1x16xf32> to vector<16xf32>
        %parallel_loop3A_630 = arith.maximumf %parallel_loop3A_562, %parallel_loop3A_629 : vector<16xf32>
        %parallel_loop3A_631 = arith.index_cast %parallel_loop3A_553 : i32 to index
        %parallel_loop3A_632 = arith.constant 144 : index
        %parallel_loop3A_633 = tpu.vector_load %arg7[%parallel_loop3A_631, %parallel_loop3A_632] {strides = array<i32>} : memref<64x512xf32, #tpu.memory_space<vmem>>, vector<1x16xf32>,
        %parallel_loop3A_634 = vector.shape_cast %parallel_loop3A_633 : vector<1x16xf32> to vector<16xf32>
        %parallel_loop3A_635 = arith.maximumf %parallel_loop3A_563, %parallel_loop3A_634 : vector<16xf32>
        %parallel_loop3A_636 = arith.index_cast %parallel_loop3A_553 : i32 to index
        %parallel_loop3A_637 = arith.constant 160 : index
        %parallel_loop3A_638 = tpu.vector_load %arg7[%parallel_loop3A_636, %parallel_loop3A_637] {strides = array<i32>} : memref<64x512xf32, #tpu.memory_space<vmem>>, vector<1x16xf32>,
        %parallel_loop3A_639 = vector.shape_cast %parallel_loop3A_638 : vector<1x16xf32> to vector<16xf32>
        %parallel_loop3A_640 = arith.maximumf %parallel_loop3A_564, %parallel_loop3A_639 : vector<16xf32>
        %parallel_loop3A_641 = arith.index_cast %parallel_loop3A_553 : i32 to index
        %parallel_loop3A_642 = arith.constant 176 : index
        %parallel_loop3A_643 = tpu.vector_load %arg7[%parallel_loop3A_641, %parallel_loop3A_642] {strides = array<i32>} : memref<64x512xf32, #tpu.memory_space<vmem>>, vector<1x16xf32>,
        %parallel_loop3A_644 = vector.shape_cast %parallel_loop3A_643 : vector<1x16xf32> to vector<16xf32>
        %parallel_loop3A_645 = arith.maximumf %parallel_loop3A_565, %parallel_loop3A_644 : vector<16xf32>
        %parallel_loop3A_646 = arith.index_cast %parallel_loop3A_553 : i32 to index
        %parallel_loop3A_647 = arith.constant 192 : index
        %parallel_loop3A_648 = tpu.vector_load %arg7[%parallel_loop3A_646, %parallel_loop3A_647] {strides = array<i32>} : memref<64x512xf32, #tpu.memory_space<vmem>>, vector<1x16xf32>,
        %parallel_loop3A_649 = vector.shape_cast %parallel_loop3A_648 : vector<1x16xf32> to vector<16xf32>
        %parallel_loop3A_650 = arith.maximumf %parallel_loop3A_566, %parallel_loop3A_649 : vector<16xf32>
        %parallel_loop3A_651 = arith.index_cast %parallel_loop3A_553 : i32 to index
        %parallel_loop3A_652 = arith.constant 208 : index
        %parallel_loop3A_653 = tpu.vector_load %arg7[%parallel_loop3A_651, %parallel_loop3A_652] {strides = array<i32>} : memref<64x512xf32, #tpu.memory_space<vmem>>, vector<1x16xf32>,
        %parallel_loop3A_654 = vector.shape_cast %parallel_loop3A_653 : vector<1x16xf32> to vector<16xf32>
        %parallel_loop3A_655 = arith.maximumf %parallel_loop3A_567, %parallel_loop3A_654 : vector<16xf32>
        %parallel_loop3A_656 = arith.index_cast %parallel_loop3A_553 : i32 to index
        %parallel_loop3A_657 = arith.constant 224 : index
        %parallel_loop3A_658 = tpu.vector_load %arg7[%parallel_loop3A_656, %parallel_loop3A_657] {strides = array<i32>} : memref<64x512xf32, #tpu.memory_space<vmem>>, vector<1x16xf32>,
        %parallel_loop3A_659 = vector.shape_cast %parallel_loop3A_658 : vector<1x16xf32> to vector<16xf32>
        %parallel_loop3A_660 = arith.maximumf %parallel_loop3A_568, %parallel_loop3A_659 : vector<16xf32>
        %parallel_loop3A_661 = arith.index_cast %parallel_loop3A_553 : i32 to index
        %parallel_loop3A_662 = arith.constant 240 : index
        %parallel_loop3A_663 = tpu.vector_load %arg7[%parallel_loop3A_661, %parallel_loop3A_662] {strides = array<i32>} : memref<64x512xf32, #tpu.memory_space<vmem>>, vector<1x16xf32>,
        %parallel_loop3A_664 = vector.shape_cast %parallel_loop3A_663 : vector<1x16xf32> to vector<16xf32>
        %parallel_loop3A_665 = arith.maximumf %parallel_loop3A_569, %parallel_loop3A_664 : vector<16xf32>
        %parallel_loop3A_666 = arith.index_cast %parallel_loop3A_553 : i32 to index
        %parallel_loop3A_667 = arith.constant 256 : index
        %parallel_loop3A_668 = tpu.vector_load %arg7[%parallel_loop3A_666, %parallel_loop3A_667] {strides = array<i32>} : memref<64x512xf32, #tpu.memory_space<vmem>>, vector<1x16xf32>,
        %parallel_loop3A_669 = vector.shape_cast %parallel_loop3A_668 : vector<1x16xf32> to vector<16xf32>
        %parallel_loop3A_670 = arith.maximumf %parallel_loop3A_570, %parallel_loop3A_669 : vector<16xf32>
        %parallel_loop3A_671 = arith.index_cast %parallel_loop3A_553 : i32 to index
        %parallel_loop3A_672 = arith.constant 272 : index
        %parallel_loop3A_673 = tpu.vector_load %arg7[%parallel_loop3A_671, %parallel_loop3A_672] {strides = array<i32>} : memref<64x512xf32, #tpu.memory_space<vmem>>, vector<1x16xf32>,
        %parallel_loop3A_674 = vector.shape_cast %parallel_loop3A_673 : vector<1x16xf32> to vector<16xf32>
        %parallel_loop3A_675 = arith.maximumf %parallel_loop3A_571, %parallel_loop3A_674 : vector<16xf32>
        %parallel_loop3A_676 = arith.index_cast %parallel_loop3A_553 : i32 to index
        %parallel_loop3A_677 = arith.constant 288 : index
        %parallel_loop3A_678 = tpu.vector_load %arg7[%parallel_loop3A_676, %parallel_loop3A_677] {strides = array<i32>} : memref<64x512xf32, #tpu.memory_space<vmem>>, vector<1x16xf32>,
        %parallel_loop3A_679 = vector.shape_cast %parallel_loop3A_678 : vector<1x16xf32> to vector<16xf32>
        %parallel_loop3A_680 = arith.maximumf %parallel_loop3A_572, %parallel_loop3A_679 : vector<16xf32>
        %parallel_loop3A_681 = arith.index_cast %parallel_loop3A_553 : i32 to index
        %parallel_loop3A_682 = arith.constant 304 : index
        %parallel_loop3A_683 = tpu.vector_load %arg7[%parallel_loop3A_681, %parallel_loop3A_682] {strides = array<i32>} : memref<64x512xf32, #tpu.memory_space<vmem>>, vector<1x16xf32>,
        %parallel_loop3A_684 = vector.shape_cast %parallel_loop3A_683 : vector<1x16xf32> to vector<16xf32>
        %parallel_loop3A_685 = arith.maximumf %parallel_loop3A_573, %parallel_loop3A_684 : vector<16xf32>
        %parallel_loop3A_686 = arith.index_cast %parallel_loop3A_553 : i32 to index
        %parallel_loop3A_687 = arith.constant 320 : index
        %parallel_loop3A_688 = tpu.vector_load %arg7[%parallel_loop3A_686, %parallel_loop3A_687] {strides = array<i32>} : memref<64x512xf32, #tpu.memory_space<vmem>>, vector<1x16xf32>,
        %parallel_loop3A_689 = vector.shape_cast %parallel_loop3A_688 : vector<1x16xf32> to vector<16xf32>
        %parallel_loop3A_690 = arith.maximumf %parallel_loop3A_574, %parallel_loop3A_689 : vector<16xf32>
        %parallel_loop3A_691 = arith.index_cast %parallel_loop3A_553 : i32 to index
        %parallel_loop3A_692 = arith.constant 336 : index
        %parallel_loop3A_693 = tpu.vector_load %arg7[%parallel_loop3A_691, %parallel_loop3A_692] {strides = array<i32>} : memref<64x512xf32, #tpu.memory_space<vmem>>, vector<1x16xf32>,
        %parallel_loop3A_694 = vector.shape_cast %parallel_loop3A_693 : vector<1x16xf32> to vector<16xf32>
        %parallel_loop3A_695 = arith.maximumf %parallel_loop3A_575, %parallel_loop3A_694 : vector<16xf32>
        %parallel_loop3A_696 = arith.index_cast %parallel_loop3A_553 : i32 to index
        %parallel_loop3A_697 = arith.constant 352 : index
        %parallel_loop3A_698 = tpu.vector_load %arg7[%parallel_loop3A_696, %parallel_loop3A_697] {strides = array<i32>} : memref<64x512xf32, #tpu.memory_space<vmem>>, vector<1x16xf32>,
        %parallel_loop3A_699 = vector.shape_cast %parallel_loop3A_698 : vector<1x16xf32> to vector<16xf32>
        %parallel_loop3A_700 = arith.maximumf %parallel_loop3A_576, %parallel_loop3A_699 : vector<16xf32>
        %parallel_loop3A_701 = arith.index_cast %parallel_loop3A_553 : i32 to index
        %parallel_loop3A_702 = arith.constant 368 : index
        %parallel_loop3A_703 = tpu.vector_load %arg7[%parallel_loop3A_701, %parallel_loop3A_702] {strides = array<i32>} : memref<64x512xf32, #tpu.memory_space<vmem>>, vector<1x16xf32>,
        %parallel_loop3A_704 = vector.shape_cast %parallel_loop3A_703 : vector<1x16xf32> to vector<16xf32>
        %parallel_loop3A_705 = arith.maximumf %parallel_loop3A_577, %parallel_loop3A_704 : vector<16xf32>
        %parallel_loop3A_706 = arith.index_cast %parallel_loop3A_553 : i32 to index
        %parallel_loop3A_707 = arith.constant 384 : index
        %parallel_loop3A_708 = tpu.vector_load %arg7[%parallel_loop3A_706, %parallel_loop3A_707] {strides = array<i32>} : memref<64x512xf32, #tpu.memory_space<vmem>>, vector<1x16xf32>,
        %parallel_loop3A_709 = vector.shape_cast %parallel_loop3A_708 : vector<1x16xf32> to vector<16xf32>
        %parallel_loop3A_710 = arith.maximumf %parallel_loop3A_578, %parallel_loop3A_709 : vector<16xf32>
        %parallel_loop3A_711 = arith.index_cast %parallel_loop3A_553 : i32 to index
        %parallel_loop3A_712 = arith.constant 400 : index
        %parallel_loop3A_713 = tpu.vector_load %arg7[%parallel_loop3A_711, %parallel_loop3A_712] {strides = array<i32>} : memref<64x512xf32, #tpu.memory_space<vmem>>, vector<1x16xf32>,
        %parallel_loop3A_714 = vector.shape_cast %parallel_loop3A_713 : vector<1x16xf32> to vector<16xf32>
        %parallel_loop3A_715 = arith.maximumf %parallel_loop3A_579, %parallel_loop3A_714 : vector<16xf32>
        %parallel_loop3A_716 = arith.index_cast %parallel_loop3A_553 : i32 to index
        %parallel_loop3A_717 = arith.constant 416 : index
        %parallel_loop3A_718 = tpu.vector_load %arg7[%parallel_loop3A_716, %parallel_loop3A_717] {strides = array<i32>} : memref<64x512xf32, #tpu.memory_space<vmem>>, vector<1x16xf32>,
        %parallel_loop3A_719 = vector.shape_cast %parallel_loop3A_718 : vector<1x16xf32> to vector<16xf32>
        %parallel_loop3A_720 = arith.maximumf %parallel_loop3A_580, %parallel_loop3A_719 : vector<16xf32>
        %parallel_loop3A_721 = arith.index_cast %parallel_loop3A_553 : i32 to index
        %parallel_loop3A_722 = arith.constant 432 : index
        %parallel_loop3A_723 = tpu.vector_load %arg7[%parallel_loop3A_721, %parallel_loop3A_722] {strides = array<i32>} : memref<64x512xf32, #tpu.memory_space<vmem>>, vector<1x16xf32>,
        %parallel_loop3A_724 = vector.shape_cast %parallel_loop3A_723 : vector<1x16xf32> to vector<16xf32>
        %parallel_loop3A_725 = arith.maximumf %parallel_loop3A_581, %parallel_loop3A_724 : vector<16xf32>
        %parallel_loop3A_726 = arith.index_cast %parallel_loop3A_553 : i32 to index
        %parallel_loop3A_727 = arith.constant 448 : index
        %parallel_loop3A_728 = tpu.vector_load %arg7[%parallel_loop3A_726, %parallel_loop3A_727] {strides = array<i32>} : memref<64x512xf32, #tpu.memory_space<vmem>>, vector<1x16xf32>,
        %parallel_loop3A_729 = vector.shape_cast %parallel_loop3A_728 : vector<1x16xf32> to vector<16xf32>
        %parallel_loop3A_730 = arith.maximumf %parallel_loop3A_582, %parallel_loop3A_729 : vector<16xf32>
        %parallel_loop3A_731 = arith.index_cast %parallel_loop3A_553 : i32 to index
        %parallel_loop3A_732 = arith.constant 464 : index
        %parallel_loop3A_733 = tpu.vector_load %arg7[%parallel_loop3A_731, %parallel_loop3A_732] {strides = array<i32>} : memref<64x512xf32, #tpu.memory_space<vmem>>, vector<1x16xf32>,
        %parallel_loop3A_734 = vector.shape_cast %parallel_loop3A_733 : vector<1x16xf32> to vector<16xf32>
        %parallel_loop3A_735 = arith.maximumf %parallel_loop3A_583, %parallel_loop3A_734 : vector<16xf32>
        %parallel_loop3A_736 = arith.index_cast %parallel_loop3A_553 : i32 to index
        %parallel_loop3A_737 = arith.constant 480 : index
        %parallel_loop3A_738 = tpu.vector_load %arg7[%parallel_loop3A_736, %parallel_loop3A_737] {strides = array<i32>} : memref<64x512xf32, #tpu.memory_space<vmem>>, vector<1x16xf32>,
        %parallel_loop3A_739 = vector.shape_cast %parallel_loop3A_738 : vector<1x16xf32> to vector<16xf32>
        %parallel_loop3A_740 = arith.maximumf %parallel_loop3A_584, %parallel_loop3A_739 : vector<16xf32>
        %parallel_loop3A_741 = arith.index_cast %parallel_loop3A_553 : i32 to index
        %parallel_loop3A_742 = arith.constant 496 : index
        %parallel_loop3A_743 = tpu.vector_load %arg7[%parallel_loop3A_741, %parallel_loop3A_742] {strides = array<i32>} : memref<64x512xf32, #tpu.memory_space<vmem>>, vector<1x16xf32>,
        %parallel_loop3A_744 = vector.shape_cast %parallel_loop3A_743 : vector<1x16xf32> to vector<16xf32>
        %parallel_loop3A_745 = arith.maximumf %parallel_loop3A_585, %parallel_loop3A_744 : vector<16xf32>
        scf.yield %parallel_loop3A_590, %parallel_loop3A_595, %parallel_loop3A_600, %parallel_loop3A_605, %parallel_loop3A_610, %parallel_loop3A_615, %parallel_loop3A_620, %parallel_loop3A_625, %parallel_loop3A_630, %parallel_loop3A_635, %parallel_loop3A_640, %parallel_loop3A_645, %parallel_loop3A_650, %parallel_loop3A_655, %parallel_loop3A_660, %parallel_loop3A_665, %parallel_loop3A_670, %parallel_loop3A_675, %parallel_loop3A_680, %parallel_loop3A_685, %parallel_loop3A_690, %parallel_loop3A_695, %parallel_loop3A_700, %parallel_loop3A_705, %parallel_loop3A_710, %parallel_loop3A_715, %parallel_loop3A_720, %parallel_loop3A_725, %parallel_loop3A_730, %parallel_loop3A_735, %parallel_loop3A_740, %parallel_loop3A_745 : vector<16xf32>, vector<16xf32>, vector<16xf32>, vector<16xf32>, vector<16xf32>, vector<16xf32>, vector<16xf32>, vector<16xf32>, vector<16xf32>, vector<16xf32>, vector<16xf32>, vector<16xf32>, vector<16xf32>, vector<16xf32>, vector<16xf32>, vector<16xf32>, vector<16xf32>, vector<16xf32>, vector<16xf32>, vector<16xf32>, vector<16xf32>, vector<16xf32>, vector<16xf32>, vector<16xf32>, vector<16xf32>, vector<16xf32>, vector<16xf32>, vector<16xf32>, vector<16xf32>, vector<16xf32>, vector<16xf32>, vector<16xf32>
      } {sc.loop_unroll_factor = 2 : i64, sc.parallel_access}
      scf.yield %parallel_loop3A_552#0, %parallel_loop3A_552#1, %parallel_loop3A_552#2, %parallel_loop3A_552#3, %parallel_loop3A_552#4, %parallel_loop3A_552#5, %parallel_loop3A_552#6, %parallel_loop3A_552#7, %parallel_loop3A_552#8, %parallel_loop3A_552#9, %parallel_loop3A_552#10, %parallel_loop3A_552#11, %parallel_loop3A_552#12, %parallel_loop3A_552#13, %parallel_loop3A_552#14, %parallel_loop3A_552#15, %parallel_loop3A_552#16, %parallel_loop3A_552#17, %parallel_loop3A_552#18, %parallel_loop3A_552#19, %parallel_loop3A_552#20, %parallel_loop3A_552#21, %parallel_loop3A_552#22, %parallel_loop3A_552#23, %parallel_loop3A_552#24, %parallel_loop3A_552#25, %parallel_loop3A_552#26, %parallel_loop3A_552#27, %parallel_loop3A_552#28, %parallel_loop3A_552#29, %parallel_loop3A_552#30, %parallel_loop3A_552#31 : vector<16xf32>, vector<16xf32>, vector<16xf32>, vector<16xf32>, vector<16xf32>, vector<16xf32>, vector<16xf32>, vector<16xf32>, vector<16xf32>, vector<16xf32>, vector<16xf32>, vector<16xf32>, vector<16xf32>, vector<16xf32>, vector<16xf32>, vector<16xf32>, vector<16xf32>, vector<16xf32>, vector<16xf32>, vector<16xf32>, vector<16xf32>, vector<16xf32>, vector<16xf32>, vector<16xf32>, vector<16xf32>, vector<16xf32>, vector<16xf32>, vector<16xf32>, vector<16xf32>, vector<16xf32>, vector<16xf32>, vector<16xf32>
    }
    %while3A_337 = arith.constant 1 : i32
    %while3A_338:32 = scf.for %while3A_473 = %while3A_334 to %while3A_330 step %while3A_337 iter_args(%while3A_474 = %while3A_336#0, %while3A_475 = %while3A_336#1, %while3A_476 = %while3A_336#2, %while3A_477 = %while3A_336#3, %while3A_478 = %while3A_336#4, %while3A_479 = %while3A_336#5, %while3A_480 = %while3A_336#6, %while3A_481 = %while3A_336#7, %while3A_482 = %while3A_336#8, %while3A_483 = %while3A_336#9, %while3A_484 = %while3A_336#10, %while3A_485 = %while3A_336#11, %while3A_486 = %while3A_336#12, %while3A_487 = %while3A_336#13, %while3A_488 = %while3A_336#14, %while3A_489 = %while3A_336#15, %while3A_490 = %while3A_336#16, %while3A_491 = %while3A_336#17, %while3A_492 = %while3A_336#18, %while3A_493 = %while3A_336#19, %while3A_494 = %while3A_336#20, %while3A_495 = %while3A_336#21, %while3A_496 = %while3A_336#22, %while3A_497 = %while3A_336#23, %while3A_498 = %while3A_336#24, %while3A_499 = %while3A_336#25, %while3A_500 = %while3A_336#26, %while3A_501 = %while3A_336#27, %while3A_502 = %while3A_336#28, %while3A_503 = %while3A_336#29, %while3A_504 = %while3A_336#30, %while3A_505 = %while3A_336#31) -> (vector<16xf32>, vector<16xf32>, vector<16xf32>, vector<16xf32>, vector<16xf32>, vector<16xf32>, vector<16xf32>, vector<16xf32>, vector<16xf32>, vector<16xf32>, vector<16xf32>, vector<16xf32>, vector<16xf32>, vector<16xf32>, vector<16xf32>, vector<16xf32>, vector<16xf32>, vector<16xf32>, vector<16xf32>, vector<16xf32>, vector<16xf32>, vector<16xf32>, vector<16xf32>, vector<16xf32>, vector<16xf32>, vector<16xf32>, vector<16xf32>, vector<16xf32>, vector<16xf32>, vector<16xf32>, vector<16xf32>, vector<16xf32>)  : i32 {
      %mul3A_506 = arith.constant 2 : i32
      %mul3A_507 = arith.muli %mul3A_506, %while3A_473 : i32
      %add3A_508 = arith.constant 1 : i32
      %add3A_509 = arith.addi %mul3A_507, %add3A_508 : i32
      %lt3A = arith.cmpi slt, %add3A_509, %select_n3A_294 : i32
      %convert_element_type3A_510 = arith.extui %lt3A : i1 to i32
      %cond3A_511 = arith.constant 0 : i32
      %cond3A_512 = arith.cmpi ne, %convert_element_type3A_510, %cond3A_511 : i32
      scf.if %cond3A_512 {
        %mul3A_553 = arith.constant 64 : i32
        %mul3A_554 = arith.muli %add3A_509, %mul3A_553 : i32
        %add3A_555 = arith.addi %mul3A_265, %mul3A_554 : i32
        %min3A_556 = arith.constant 99936 : i32
        %min3A_557 = arith.minsi %add3A_555, %min3A_556 : i32
        %dma_start3A_558 = arith.constant 0 : i32
        %dma_start3A_559 = tpu.memref_slice %arg2[%min3A_557, %dma_start3A_558] : memref<100000x512xf32, #tpu.memory_space<hbm>> -> memref<64x512xf32, #tpu.memory_space<hbm>>
        %dma_start3A_560 = arith.constant 0 : i32
        %dma_start3A_561 = tpu.memref_slice %arg2[%min3A_557, %dma_start3A_560] : memref<100000x512xf32, #tpu.memory_space<hbm>> -> memref<64x512xf32, #tpu.memory_space<hbm>>
        tpu.enqueue_dma source(%dma_start3A_561 : memref<64x512xf32, #tpu.memory_space<hbm>>) target(%arg7 : memref<64x512xf32, #tpu.memory_space<vmem>>) target_semaphore(%arg10 : memref<!tpu.dma_semaphore, #tpu.memory_space<semaphore_mem>>)
      } else {
      }
      %dma_wait3A_513 = arith.constant 0 : i32
      %dma_wait3A_514 = arith.constant 0 : i32
      %dma_wait3A_515 = tpu.memref_slice %arg2[%dma_wait3A_513, %dma_wait3A_514] : memref<100000x512xf32, #tpu.memory_space<hbm>> -> memref<64x512xf32, #tpu.memory_space<hbm>>
      %dma_wait3A_516 = arith.constant 0 : i32
      %dma_wait3A_517 = arith.constant 0 : i32
      %dma_wait3A_518 = tpu.memref_slice %arg2[%dma_wait3A_516, %dma_wait3A_517] : memref<100000x512xf32, #tpu.memory_space<hbm>> -> memref<64x512xf32, #tpu.memory_space<hbm>>
      tpu.wait_dma2 semaphore(%arg9 : memref<!tpu.dma_semaphore, #tpu.memory_space<semaphore_mem>>) src(%dma_wait3A_518 : memref<64x512xf32, #tpu.memory_space<hbm>>) dst(%arg6 : memref<64x512xf32, #tpu.memory_space<vmem>>)
      %mul3A_519 = arith.constant 64 : i32
      %mul3A_520 = arith.muli %mul3A_507, %mul3A_519 : i32
      %add3A_521 = arith.addi %mul3A_265, %mul3A_520 : i32
      %min3A_522 = arith.constant 99936 : i32
      %min3A_523 = arith.minsi %add3A_521, %min3A_522 : i32
      %sub3A_524 = arith.subi %min3A_235, %min3A_523 : i32
      %max3A = arith.constant 0 : i32
      %max3A_525 = arith.maxsi %sub3A_524, %max3A : i32
      %sub3A_526 = arith.subi %min3A_239, %min3A_523 : i32
      %min3A_527 = arith.constant 64 : i32
      %min3A_528 = arith.minsi %sub3A_526, %min3A_527 : i32
      %parallel_loop3A = arith.constant 1 : i32
      %parallel_loop3A_529:32 = scf.for %parallel_loop3A_553 = %max3A_525 to %min3A_528 step %parallel_loop3A iter_args(%parallel_loop3A_554 = %while3A_474, %parallel_loop3A_555 = %while3A_475, %parallel_loop3A_556 = %while3A_476, %parallel_loop3A_557 = %while3A_477, %parallel_loop3A_558 = %while3A_478, %parallel_loop3A_559 = %while3A_479, %parallel_loop3A_560 = %while3A_480, %parallel_loop3A_561 = %while3A_481, %parallel_loop3A_562 = %while3A_482, %parallel_loop3A_563 = %while3A_483, %parallel_loop3A_564 = %while3A_484, %parallel_loop3A_565 = %while3A_485, %parallel_loop3A_566 = %while3A_486, %parallel_loop3A_567 = %while3A_487, %parallel_loop3A_568 = %while3A_488, %parallel_loop3A_569 = %while3A_489, %parallel_loop3A_570 = %while3A_490, %parallel_loop3A_571 = %while3A_491, %parallel_loop3A_572 = %while3A_492, %parallel_loop3A_573 = %while3A_493, %parallel_loop3A_574 = %while3A_494, %parallel_loop3A_575 = %while3A_495, %parallel_loop3A_576 = %while3A_496, %parallel_loop3A_577 = %while3A_497, %parallel_loop3A_578 = %while3A_498, %parallel_loop3A_579 = %while3A_499, %parallel_loop3A_580 = %while3A_500, %parallel_loop3A_581 = %while3A_501, %parallel_loop3A_582 = %while3A_502, %parallel_loop3A_583 = %while3A_503, %parallel_loop3A_584 = %while3A_504, %parallel_loop3A_585 = %while3A_505) -> (vector<16xf32>, vector<16xf32>, vector<16xf32>, vector<16xf32>, vector<16xf32>, vector<16xf32>, vector<16xf32>, vector<16xf32>, vector<16xf32>, vector<16xf32>, vector<16xf32>, vector<16xf32>, vector<16xf32>, vector<16xf32>, vector<16xf32>, vector<16xf32>, vector<16xf32>, vector<16xf32>, vector<16xf32>, vector<16xf32>, vector<16xf32>, vector<16xf32>, vector<16xf32>, vector<16xf32>, vector<16xf32>, vector<16xf32>, vector<16xf32>, vector<16xf32>, vector<16xf32>, vector<16xf32>, vector<16xf32>, vector<16xf32>)  : i32 {
        %parallel_loop3A_586 = arith.index_cast %parallel_loop3A_553 : i32 to index
        %parallel_loop3A_587 = arith.constant 0 : index
        %parallel_loop3A_588 = tpu.vector_load %arg6[%parallel_loop3A_586, %parallel_loop3A_587] {strides = array<i32>} : memref<64x512xf32, #tpu.memory_space<vmem>>, vector<1x16xf32>,
        %parallel_loop3A_589 = vector.shape_cast %parallel_loop3A_588 : vector<1x16xf32> to vector<16xf32>
        %parallel_loop3A_590 = arith.maximumf %parallel_loop3A_554, %parallel_loop3A_589 : vector<16xf32>
        %parallel_loop3A_591 = arith.index_cast %parallel_loop3A_553 : i32 to index
        %parallel_loop3A_592 = arith.constant 16 : index
        %parallel_loop3A_593 = tpu.vector_load %arg6[%parallel_loop3A_591, %parallel_loop3A_592] {strides = array<i32>} : memref<64x512xf32, #tpu.memory_space<vmem>>, vector<1x16xf32>,
        %parallel_loop3A_594 = vector.shape_cast %parallel_loop3A_593 : vector<1x16xf32> to vector<16xf32>
        %parallel_loop3A_595 = arith.maximumf %parallel_loop3A_555, %parallel_loop3A_594 : vector<16xf32>
        %parallel_loop3A_596 = arith.index_cast %parallel_loop3A_553 : i32 to index
        %parallel_loop3A_597 = arith.constant 32 : index
        %parallel_loop3A_598 = tpu.vector_load %arg6[%parallel_loop3A_596, %parallel_loop3A_597] {strides = array<i32>} : memref<64x512xf32, #tpu.memory_space<vmem>>, vector<1x16xf32>,
        %parallel_loop3A_599 = vector.shape_cast %parallel_loop3A_598 : vector<1x16xf32> to vector<16xf32>
        %parallel_loop3A_600 = arith.maximumf %parallel_loop3A_556, %parallel_loop3A_599 : vector<16xf32>
        %parallel_loop3A_601 = arith.index_cast %parallel_loop3A_553 : i32 to index
        %parallel_loop3A_602 = arith.constant 48 : index
        %parallel_loop3A_603 = tpu.vector_load %arg6[%parallel_loop3A_601, %parallel_loop3A_602] {strides = array<i32>} : memref<64x512xf32, #tpu.memory_space<vmem>>, vector<1x16xf32>,
        %parallel_loop3A_604 = vector.shape_cast %parallel_loop3A_603 : vector<1x16xf32> to vector<16xf32>
        %parallel_loop3A_605 = arith.maximumf %parallel_loop3A_557, %parallel_loop3A_604 : vector<16xf32>
        %parallel_loop3A_606 = arith.index_cast %parallel_loop3A_553 : i32 to index
        %parallel_loop3A_607 = arith.constant 64 : index
        %parallel_loop3A_608 = tpu.vector_load %arg6[%parallel_loop3A_606, %parallel_loop3A_607] {strides = array<i32>} : memref<64x512xf32, #tpu.memory_space<vmem>>, vector<1x16xf32>,
        %parallel_loop3A_609 = vector.shape_cast %parallel_loop3A_608 : vector<1x16xf32> to vector<16xf32>
        %parallel_loop3A_610 = arith.maximumf %parallel_loop3A_558, %parallel_loop3A_609 : vector<16xf32>
        %parallel_loop3A_611 = arith.index_cast %parallel_loop3A_553 : i32 to index
        %parallel_loop3A_612 = arith.constant 80 : index
        %parallel_loop3A_613 = tpu.vector_load %arg6[%parallel_loop3A_611, %parallel_loop3A_612] {strides = array<i32>} : memref<64x512xf32, #tpu.memory_space<vmem>>, vector<1x16xf32>,
        %parallel_loop3A_614 = vector.shape_cast %parallel_loop3A_613 : vector<1x16xf32> to vector<16xf32>
        %parallel_loop3A_615 = arith.maximumf %parallel_loop3A_559, %parallel_loop3A_614 : vector<16xf32>
        %parallel_loop3A_616 = arith.index_cast %parallel_loop3A_553 : i32 to index
        %parallel_loop3A_617 = arith.constant 96 : index
        %parallel_loop3A_618 = tpu.vector_load %arg6[%parallel_loop3A_616, %parallel_loop3A_617] {strides = array<i32>} : memref<64x512xf32, #tpu.memory_space<vmem>>, vector<1x16xf32>,
        %parallel_loop3A_619 = vector.shape_cast %parallel_loop3A_618 : vector<1x16xf32> to vector<16xf32>
        %parallel_loop3A_620 = arith.maximumf %parallel_loop3A_560, %parallel_loop3A_619 : vector<16xf32>
        %parallel_loop3A_621 = arith.index_cast %parallel_loop3A_553 : i32 to index
        %parallel_loop3A_622 = arith.constant 112 : index
        %parallel_loop3A_623 = tpu.vector_load %arg6[%parallel_loop3A_621, %parallel_loop3A_622] {strides = array<i32>} : memref<64x512xf32, #tpu.memory_space<vmem>>, vector<1x16xf32>,
        %parallel_loop3A_624 = vector.shape_cast %parallel_loop3A_623 : vector<1x16xf32> to vector<16xf32>
        %parallel_loop3A_625 = arith.maximumf %parallel_loop3A_561, %parallel_loop3A_624 : vector<16xf32>
        %parallel_loop3A_626 = arith.index_cast %parallel_loop3A_553 : i32 to index
        %parallel_loop3A_627 = arith.constant 128 : index
        %parallel_loop3A_628 = tpu.vector_load %arg6[%parallel_loop3A_626, %parallel_loop3A_627] {strides = array<i32>} : memref<64x512xf32, #tpu.memory_space<vmem>>, vector<1x16xf32>,
        %parallel_loop3A_629 = vector.shape_cast %parallel_loop3A_628 : vector<1x16xf32> to vector<16xf32>
        %parallel_loop3A_630 = arith.maximumf %parallel_loop3A_562, %parallel_loop3A_629 : vector<16xf32>
        %parallel_loop3A_631 = arith.index_cast %parallel_loop3A_553 : i32 to index
        %parallel_loop3A_632 = arith.constant 144 : index
        %parallel_loop3A_633 = tpu.vector_load %arg6[%parallel_loop3A_631, %parallel_loop3A_632] {strides = array<i32>} : memref<64x512xf32, #tpu.memory_space<vmem>>, vector<1x16xf32>,
        %parallel_loop3A_634 = vector.shape_cast %parallel_loop3A_633 : vector<1x16xf32> to vector<16xf32>
        %parallel_loop3A_635 = arith.maximumf %parallel_loop3A_563, %parallel_loop3A_634 : vector<16xf32>
        %parallel_loop3A_636 = arith.index_cast %parallel_loop3A_553 : i32 to index
        %parallel_loop3A_637 = arith.constant 160 : index
        %parallel_loop3A_638 = tpu.vector_load %arg6[%parallel_loop3A_636, %parallel_loop3A_637] {strides = array<i32>} : memref<64x512xf32, #tpu.memory_space<vmem>>, vector<1x16xf32>,
        %parallel_loop3A_639 = vector.shape_cast %parallel_loop3A_638 : vector<1x16xf32> to vector<16xf32>
        %parallel_loop3A_640 = arith.maximumf %parallel_loop3A_564, %parallel_loop3A_639 : vector<16xf32>
        %parallel_loop3A_641 = arith.index_cast %parallel_loop3A_553 : i32 to index
        %parallel_loop3A_642 = arith.constant 176 : index
        %parallel_loop3A_643 = tpu.vector_load %arg6[%parallel_loop3A_641, %parallel_loop3A_642] {strides = array<i32>} : memref<64x512xf32, #tpu.memory_space<vmem>>, vector<1x16xf32>,
        %parallel_loop3A_644 = vector.shape_cast %parallel_loop3A_643 : vector<1x16xf32> to vector<16xf32>
        %parallel_loop3A_645 = arith.maximumf %parallel_loop3A_565, %parallel_loop3A_644 : vector<16xf32>
        %parallel_loop3A_646 = arith.index_cast %parallel_loop3A_553 : i32 to index
        %parallel_loop3A_647 = arith.constant 192 : index
        %parallel_loop3A_648 = tpu.vector_load %arg6[%parallel_loop3A_646, %parallel_loop3A_647] {strides = array<i32>} : memref<64x512xf32, #tpu.memory_space<vmem>>, vector<1x16xf32>,
        %parallel_loop3A_649 = vector.shape_cast %parallel_loop3A_648 : vector<1x16xf32> to vector<16xf32>
        %parallel_loop3A_650 = arith.maximumf %parallel_loop3A_566, %parallel_loop3A_649 : vector<16xf32>
        %parallel_loop3A_651 = arith.index_cast %parallel_loop3A_553 : i32 to index
        %parallel_loop3A_652 = arith.constant 208 : index
        %parallel_loop3A_653 = tpu.vector_load %arg6[%parallel_loop3A_651, %parallel_loop3A_652] {strides = array<i32>} : memref<64x512xf32, #tpu.memory_space<vmem>>, vector<1x16xf32>,
        %parallel_loop3A_654 = vector.shape_cast %parallel_loop3A_653 : vector<1x16xf32> to vector<16xf32>
        %parallel_loop3A_655 = arith.maximumf %parallel_loop3A_567, %parallel_loop3A_654 : vector<16xf32>
        %parallel_loop3A_656 = arith.index_cast %parallel_loop3A_553 : i32 to index
        %parallel_loop3A_657 = arith.constant 224 : index
        %parallel_loop3A_658 = tpu.vector_load %arg6[%parallel_loop3A_656, %parallel_loop3A_657] {strides = array<i32>} : memref<64x512xf32, #tpu.memory_space<vmem>>, vector<1x16xf32>,
        %parallel_loop3A_659 = vector.shape_cast %parallel_loop3A_658 : vector<1x16xf32> to vector<16xf32>
        %parallel_loop3A_660 = arith.maximumf %parallel_loop3A_568, %parallel_loop3A_659 : vector<16xf32>
        %parallel_loop3A_661 = arith.index_cast %parallel_loop3A_553 : i32 to index
        %parallel_loop3A_662 = arith.constant 240 : index
        %parallel_loop3A_663 = tpu.vector_load %arg6[%parallel_loop3A_661, %parallel_loop3A_662] {strides = array<i32>} : memref<64x512xf32, #tpu.memory_space<vmem>>, vector<1x16xf32>,
        %parallel_loop3A_664 = vector.shape_cast %parallel_loop3A_663 : vector<1x16xf32> to vector<16xf32>
        %parallel_loop3A_665 = arith.maximumf %parallel_loop3A_569, %parallel_loop3A_664 : vector<16xf32>
        %parallel_loop3A_666 = arith.index_cast %parallel_loop3A_553 : i32 to index
        %parallel_loop3A_667 = arith.constant 256 : index
        %parallel_loop3A_668 = tpu.vector_load %arg6[%parallel_loop3A_666, %parallel_loop3A_667] {strides = array<i32>} : memref<64x512xf32, #tpu.memory_space<vmem>>, vector<1x16xf32>,
        %parallel_loop3A_669 = vector.shape_cast %parallel_loop3A_668 : vector<1x16xf32> to vector<16xf32>
        %parallel_loop3A_670 = arith.maximumf %parallel_loop3A_570, %parallel_loop3A_669 : vector<16xf32>
        %parallel_loop3A_671 = arith.index_cast %parallel_loop3A_553 : i32 to index
        %parallel_loop3A_672 = arith.constant 272 : index
        %parallel_loop3A_673 = tpu.vector_load %arg6[%parallel_loop3A_671, %parallel_loop3A_672] {strides = array<i32>} : memref<64x512xf32, #tpu.memory_space<vmem>>, vector<1x16xf32>,
        %parallel_loop3A_674 = vector.shape_cast %parallel_loop3A_673 : vector<1x16xf32> to vector<16xf32>
        %parallel_loop3A_675 = arith.maximumf %parallel_loop3A_571, %parallel_loop3A_674 : vector<16xf32>
        %parallel_loop3A_676 = arith.index_cast %parallel_loop3A_553 : i32 to index
        %parallel_loop3A_677 = arith.constant 288 : index
        %parallel_loop3A_678 = tpu.vector_load %arg6[%parallel_loop3A_676, %parallel_loop3A_677] {strides = array<i32>} : memref<64x512xf32, #tpu.memory_space<vmem>>, vector<1x16xf32>,
        %parallel_loop3A_679 = vector.shape_cast %parallel_loop3A_678 : vector<1x16xf32> to vector<16xf32>
        %parallel_loop3A_680 = arith.maximumf %parallel_loop3A_572, %parallel_loop3A_679 : vector<16xf32>
        %parallel_loop3A_681 = arith.index_cast %parallel_loop3A_553 : i32 to index
        %parallel_loop3A_682 = arith.constant 304 : index
        %parallel_loop3A_683 = tpu.vector_load %arg6[%parallel_loop3A_681, %parallel_loop3A_682] {strides = array<i32>} : memref<64x512xf32, #tpu.memory_space<vmem>>, vector<1x16xf32>,
        %parallel_loop3A_684 = vector.shape_cast %parallel_loop3A_683 : vector<1x16xf32> to vector<16xf32>
        %parallel_loop3A_685 = arith.maximumf %parallel_loop3A_573, %parallel_loop3A_684 : vector<16xf32>
        %parallel_loop3A_686 = arith.index_cast %parallel_loop3A_553 : i32 to index
        %parallel_loop3A_687 = arith.constant 320 : index
        %parallel_loop3A_688 = tpu.vector_load %arg6[%parallel_loop3A_686, %parallel_loop3A_687] {strides = array<i32>} : memref<64x512xf32, #tpu.memory_space<vmem>>, vector<1x16xf32>,
        %parallel_loop3A_689 = vector.shape_cast %parallel_loop3A_688 : vector<1x16xf32> to vector<16xf32>
        %parallel_loop3A_690 = arith.maximumf %parallel_loop3A_574, %parallel_loop3A_689 : vector<16xf32>
        %parallel_loop3A_691 = arith.index_cast %parallel_loop3A_553 : i32 to index
        %parallel_loop3A_692 = arith.constant 336 : index
        %parallel_loop3A_693 = tpu.vector_load %arg6[%parallel_loop3A_691, %parallel_loop3A_692] {strides = array<i32>} : memref<64x512xf32, #tpu.memory_space<vmem>>, vector<1x16xf32>,
        %parallel_loop3A_694 = vector.shape_cast %parallel_loop3A_693 : vector<1x16xf32> to vector<16xf32>
        %parallel_loop3A_695 = arith.maximumf %parallel_loop3A_575, %parallel_loop3A_694 : vector<16xf32>
        %parallel_loop3A_696 = arith.index_cast %parallel_loop3A_553 : i32 to index
        %parallel_loop3A_697 = arith.constant 352 : index
        %parallel_loop3A_698 = tpu.vector_load %arg6[%parallel_loop3A_696, %parallel_loop3A_697] {strides = array<i32>} : memref<64x512xf32, #tpu.memory_space<vmem>>, vector<1x16xf32>,
        %parallel_loop3A_699 = vector.shape_cast %parallel_loop3A_698 : vector<1x16xf32> to vector<16xf32>
        %parallel_loop3A_700 = arith.maximumf %parallel_loop3A_576, %parallel_loop3A_699 : vector<16xf32>
        %parallel_loop3A_701 = arith.index_cast %parallel_loop3A_553 : i32 to index
        %parallel_loop3A_702 = arith.constant 368 : index
        %parallel_loop3A_703 = tpu.vector_load %arg6[%parallel_loop3A_701, %parallel_loop3A_702] {strides = array<i32>} : memref<64x512xf32, #tpu.memory_space<vmem>>, vector<1x16xf32>,
        %parallel_loop3A_704 = vector.shape_cast %parallel_loop3A_703 : vector<1x16xf32> to vector<16xf32>
        %parallel_loop3A_705 = arith.maximumf %parallel_loop3A_577, %parallel_loop3A_704 : vector<16xf32>
        %parallel_loop3A_706 = arith.index_cast %parallel_loop3A_553 : i32 to index
        %parallel_loop3A_707 = arith.constant 384 : index
        %parallel_loop3A_708 = tpu.vector_load %arg6[%parallel_loop3A_706, %parallel_loop3A_707] {strides = array<i32>} : memref<64x512xf32, #tpu.memory_space<vmem>>, vector<1x16xf32>,
        %parallel_loop3A_709 = vector.shape_cast %parallel_loop3A_708 : vector<1x16xf32> to vector<16xf32>
        %parallel_loop3A_710 = arith.maximumf %parallel_loop3A_578, %parallel_loop3A_709 : vector<16xf32>
        %parallel_loop3A_711 = arith.index_cast %parallel_loop3A_553 : i32 to index
        %parallel_loop3A_712 = arith.constant 400 : index
        %parallel_loop3A_713 = tpu.vector_load %arg6[%parallel_loop3A_711, %parallel_loop3A_712] {strides = array<i32>} : memref<64x512xf32, #tpu.memory_space<vmem>>, vector<1x16xf32>,
        %parallel_loop3A_714 = vector.shape_cast %parallel_loop3A_713 : vector<1x16xf32> to vector<16xf32>
        %parallel_loop3A_715 = arith.maximumf %parallel_loop3A_579, %parallel_loop3A_714 : vector<16xf32>
        %parallel_loop3A_716 = arith.index_cast %parallel_loop3A_553 : i32 to index
        %parallel_loop3A_717 = arith.constant 416 : index
        %parallel_loop3A_718 = tpu.vector_load %arg6[%parallel_loop3A_716, %parallel_loop3A_717] {strides = array<i32>} : memref<64x512xf32, #tpu.memory_space<vmem>>, vector<1x16xf32>,
        %parallel_loop3A_719 = vector.shape_cast %parallel_loop3A_718 : vector<1x16xf32> to vector<16xf32>
        %parallel_loop3A_720 = arith.maximumf %parallel_loop3A_580, %parallel_loop3A_719 : vector<16xf32>
        %parallel_loop3A_721 = arith.index_cast %parallel_loop3A_553 : i32 to index
        %parallel_loop3A_722 = arith.constant 432 : index
        %parallel_loop3A_723 = tpu.vector_load %arg6[%parallel_loop3A_721, %parallel_loop3A_722] {strides = array<i32>} : memref<64x512xf32, #tpu.memory_space<vmem>>, vector<1x16xf32>,
        %parallel_loop3A_724 = vector.shape_cast %parallel_loop3A_723 : vector<1x16xf32> to vector<16xf32>
        %parallel_loop3A_725 = arith.maximumf %parallel_loop3A_581, %parallel_loop3A_724 : vector<16xf32>
        %parallel_loop3A_726 = arith.index_cast %parallel_loop3A_553 : i32 to index
        %parallel_loop3A_727 = arith.constant 448 : index
        %parallel_loop3A_728 = tpu.vector_load %arg6[%parallel_loop3A_726, %parallel_loop3A_727] {strides = array<i32>} : memref<64x512xf32, #tpu.memory_space<vmem>>, vector<1x16xf32>,
        %parallel_loop3A_729 = vector.shape_cast %parallel_loop3A_728 : vector<1x16xf32> to vector<16xf32>
        %parallel_loop3A_730 = arith.maximumf %parallel_loop3A_582, %parallel_loop3A_729 : vector<16xf32>
        %parallel_loop3A_731 = arith.index_cast %parallel_loop3A_553 : i32 to index
        %parallel_loop3A_732 = arith.constant 464 : index
        %parallel_loop3A_733 = tpu.vector_load %arg6[%parallel_loop3A_731, %parallel_loop3A_732] {strides = array<i32>} : memref<64x512xf32, #tpu.memory_space<vmem>>, vector<1x16xf32>,
        %parallel_loop3A_734 = vector.shape_cast %parallel_loop3A_733 : vector<1x16xf32> to vector<16xf32>
        %parallel_loop3A_735 = arith.maximumf %parallel_loop3A_583, %parallel_loop3A_734 : vector<16xf32>
        %parallel_loop3A_736 = arith.index_cast %parallel_loop3A_553 : i32 to index
        %parallel_loop3A_737 = arith.constant 480 : index
        %parallel_loop3A_738 = tpu.vector_load %arg6[%parallel_loop3A_736, %parallel_loop3A_737] {strides = array<i32>} : memref<64x512xf32, #tpu.memory_space<vmem>>, vector<1x16xf32>,
        %parallel_loop3A_739 = vector.shape_cast %parallel_loop3A_738 : vector<1x16xf32> to vector<16xf32>
        %parallel_loop3A_740 = arith.maximumf %parallel_loop3A_584, %parallel_loop3A_739 : vector<16xf32>
        %parallel_loop3A_741 = arith.index_cast %parallel_loop3A_553 : i32 to index
        %parallel_loop3A_742 = arith.constant 496 : index
        %parallel_loop3A_743 = tpu.vector_load %arg6[%parallel_loop3A_741, %parallel_loop3A_742] {strides = array<i32>} : memref<64x512xf32, #tpu.memory_space<vmem>>, vector<1x16xf32>,
        %parallel_loop3A_744 = vector.shape_cast %parallel_loop3A_743 : vector<1x16xf32> to vector<16xf32>
        %parallel_loop3A_745 = arith.maximumf %parallel_loop3A_585, %parallel_loop3A_744 : vector<16xf32>
        scf.yield %parallel_loop3A_590, %parallel_loop3A_595, %parallel_loop3A_600, %parallel_loop3A_605, %parallel_loop3A_610, %parallel_loop3A_615, %parallel_loop3A_620, %parallel_loop3A_625, %parallel_loop3A_630, %parallel_loop3A_635, %parallel_loop3A_640, %parallel_loop3A_645, %parallel_loop3A_650, %parallel_loop3A_655, %parallel_loop3A_660, %parallel_loop3A_665, %parallel_loop3A_670, %parallel_loop3A_675, %parallel_loop3A_680, %parallel_loop3A_685, %parallel_loop3A_690, %parallel_loop3A_695, %parallel_loop3A_700, %parallel_loop3A_705, %parallel_loop3A_710, %parallel_loop3A_715, %parallel_loop3A_720, %parallel_loop3A_725, %parallel_loop3A_730, %parallel_loop3A_735, %parallel_loop3A_740, %parallel_loop3A_745 : vector<16xf32>, vector<16xf32>, vector<16xf32>, vector<16xf32>, vector<16xf32>, vector<16xf32>, vector<16xf32>, vector<16xf32>, vector<16xf32>, vector<16xf32>, vector<16xf32>, vector<16xf32>, vector<16xf32>, vector<16xf32>, vector<16xf32>, vector<16xf32>, vector<16xf32>, vector<16xf32>, vector<16xf32>, vector<16xf32>, vector<16xf32>, vector<16xf32>, vector<16xf32>, vector<16xf32>, vector<16xf32>, vector<16xf32>, vector<16xf32>, vector<16xf32>, vector<16xf32>, vector<16xf32>, vector<16xf32>, vector<16xf32>
      } {sc.loop_unroll_factor = 2 : i64, sc.parallel_access}
      %add3A_530 = arith.constant 1 : i32
      %add3A_531 = arith.addi %add3A_509, %add3A_530 : i32
      %lt3A_532 = arith.cmpi slt, %add3A_531, %select_n3A_294 : i32
      %convert_element_type3A_533 = arith.extui %lt3A_532 : i1 to i32
      %cond3A_534 = arith.constant 0 : i32
      %cond3A_535 = arith.cmpi ne, %convert_element_type3A_533, %cond3A_534 : i32
      scf.if %cond3A_535 {
        %add3A_553 = arith.constant 1 : i32
        %add3A_554 = arith.addi %add3A_509, %add3A_553 : i32
        %mul3A_555 = arith.constant 64 : i32
        %mul3A_556 = arith.muli %add3A_554, %mul3A_555 : i32
        %add3A_557 = arith.addi %mul3A_265, %mul3A_556 : i32
        %min3A_558 = arith.constant 99936 : i32
        %min3A_559 = arith.minsi %add3A_557, %min3A_558 : i32
        %dma_start3A_560 = arith.constant 0 : i32
        %dma_start3A_561 = tpu.memref_slice %arg2[%min3A_559, %dma_start3A_560] : memref<100000x512xf32, #tpu.memory_space<hbm>> -> memref<64x512xf32, #tpu.memory_space<hbm>>
        %dma_start3A_562 = arith.constant 0 : i32
        %dma_start3A_563 = tpu.memref_slice %arg2[%min3A_559, %dma_start3A_562] : memref<100000x512xf32, #tpu.memory_space<hbm>> -> memref<64x512xf32, #tpu.memory_space<hbm>>
        tpu.enqueue_dma source(%dma_start3A_563 : memref<64x512xf32, #tpu.memory_space<hbm>>) target(%arg6 : memref<64x512xf32, #tpu.memory_space<vmem>>) target_semaphore(%arg9 : memref<!tpu.dma_semaphore, #tpu.memory_space<semaphore_mem>>)
      } else {
      }
      %lt3A_536 = arith.cmpi slt, %add3A_509, %select_n3A_294 : i32
      %convert_element_type3A_537 = arith.extui %lt3A_536 : i1 to i32
      %cond3A_538 = arith.constant 0 : i32
      %cond3A_539 = arith.cmpi ne, %convert_element_type3A_537, %cond3A_538 : i32
      scf.if %cond3A_539 {
        %dma_wait3A_553 = arith.constant 0 : i32
        %dma_wait3A_554 = arith.constant 0 : i32
        %dma_wait3A_555 = tpu.memref_slice %arg2[%dma_wait3A_553, %dma_wait3A_554] : memref<100000x512xf32, #tpu.memory_space<hbm>> -> memref<64x512xf32, #tpu.memory_space<hbm>>
        %dma_wait3A_556 = arith.constant 0 : i32
        %dma_wait3A_557 = arith.constant 0 : i32
        %dma_wait3A_558 = tpu.memref_slice %arg2[%dma_wait3A_556, %dma_wait3A_557] : memref<100000x512xf32, #tpu.memory_space<hbm>> -> memref<64x512xf32, #tpu.memory_space<hbm>>
        tpu.wait_dma2 semaphore(%arg10 : memref<!tpu.dma_semaphore, #tpu.memory_space<semaphore_mem>>) src(%dma_wait3A_558 : memref<64x512xf32, #tpu.memory_space<hbm>>) dst(%arg7 : memref<64x512xf32, #tpu.memory_space<vmem>>)
      } else {
      }
      %mul3A_540 = arith.constant 64 : i32
      %mul3A_541 = arith.muli %add3A_509, %mul3A_540 : i32
      %add3A_542 = arith.addi %mul3A_265, %mul3A_541 : i32
      %min3A_543 = arith.constant 99936 : i32
      %min3A_544 = arith.minsi %add3A_542, %min3A_543 : i32
      %sub3A_545 = arith.subi %min3A_235, %min3A_544 : i32
      %max3A_546 = arith.constant 0 : i32
      %max3A_547 = arith.maxsi %sub3A_545, %max3A_546 : i32
      %sub3A_548 = arith.subi %min3A_239, %min3A_544 : i32
      %min3A_549 = arith.constant 64 : i32
      %min3A_550 = arith.minsi %sub3A_548, %min3A_549 : i32
      %parallel_loop3A_551 = arith.constant 1 : i32
      %parallel_loop3A_552:32 = scf.for %parallel_loop3A_553 = %max3A_547 to %min3A_550 step %parallel_loop3A_551 iter_args(%parallel_loop3A_554 = %parallel_loop3A_529#0, %parallel_loop3A_555 = %parallel_loop3A_529#1, %parallel_loop3A_556 = %parallel_loop3A_529#2, %parallel_loop3A_557 = %parallel_loop3A_529#3, %parallel_loop3A_558 = %parallel_loop3A_529#4, %parallel_loop3A_559 = %parallel_loop3A_529#5, %parallel_loop3A_560 = %parallel_loop3A_529#6, %parallel_loop3A_561 = %parallel_loop3A_529#7, %parallel_loop3A_562 = %parallel_loop3A_529#8, %parallel_loop3A_563 = %parallel_loop3A_529#9, %parallel_loop3A_564 = %parallel_loop3A_529#10, %parallel_loop3A_565 = %parallel_loop3A_529#11, %parallel_loop3A_566 = %parallel_loop3A_529#12, %parallel_loop3A_567 = %parallel_loop3A_529#13, %parallel_loop3A_568 = %parallel_loop3A_529#14, %parallel_loop3A_569 = %parallel_loop3A_529#15, %parallel_loop3A_570 = %parallel_loop3A_529#16, %parallel_loop3A_571 = %parallel_loop3A_529#17, %parallel_loop3A_572 = %parallel_loop3A_529#18, %parallel_loop3A_573 = %parallel_loop3A_529#19, %parallel_loop3A_574 = %parallel_loop3A_529#20, %parallel_loop3A_575 = %parallel_loop3A_529#21, %parallel_loop3A_576 = %parallel_loop3A_529#22, %parallel_loop3A_577 = %parallel_loop3A_529#23, %parallel_loop3A_578 = %parallel_loop3A_529#24, %parallel_loop3A_579 = %parallel_loop3A_529#25, %parallel_loop3A_580 = %parallel_loop3A_529#26, %parallel_loop3A_581 = %parallel_loop3A_529#27, %parallel_loop3A_582 = %parallel_loop3A_529#28, %parallel_loop3A_583 = %parallel_loop3A_529#29, %parallel_loop3A_584 = %parallel_loop3A_529#30, %parallel_loop3A_585 = %parallel_loop3A_529#31) -> (vector<16xf32>, vector<16xf32>, vector<16xf32>, vector<16xf32>, vector<16xf32>, vector<16xf32>, vector<16xf32>, vector<16xf32>, vector<16xf32>, vector<16xf32>, vector<16xf32>, vector<16xf32>, vector<16xf32>, vector<16xf32>, vector<16xf32>, vector<16xf32>, vector<16xf32>, vector<16xf32>, vector<16xf32>, vector<16xf32>, vector<16xf32>, vector<16xf32>, vector<16xf32>, vector<16xf32>, vector<16xf32>, vector<16xf32>, vector<16xf32>, vector<16xf32>, vector<16xf32>, vector<16xf32>, vector<16xf32>, vector<16xf32>)  : i32 {
        %parallel_loop3A_586 = arith.index_cast %parallel_loop3A_553 : i32 to index
        %parallel_loop3A_587 = arith.constant 0 : index
        %parallel_loop3A_588 = tpu.vector_load %arg7[%parallel_loop3A_586, %parallel_loop3A_587] {strides = array<i32>} : memref<64x512xf32, #tpu.memory_space<vmem>>, vector<1x16xf32>,
        %parallel_loop3A_589 = vector.shape_cast %parallel_loop3A_588 : vector<1x16xf32> to vector<16xf32>
        %parallel_loop3A_590 = arith.maximumf %parallel_loop3A_554, %parallel_loop3A_589 : vector<16xf32>
        %parallel_loop3A_591 = arith.index_cast %parallel_loop3A_553 : i32 to index
        %parallel_loop3A_592 = arith.constant 16 : index
        %parallel_loop3A_593 = tpu.vector_load %arg7[%parallel_loop3A_591, %parallel_loop3A_592] {strides = array<i32>} : memref<64x512xf32, #tpu.memory_space<vmem>>, vector<1x16xf32>,
        %parallel_loop3A_594 = vector.shape_cast %parallel_loop3A_593 : vector<1x16xf32> to vector<16xf32>
        %parallel_loop3A_595 = arith.maximumf %parallel_loop3A_555, %parallel_loop3A_594 : vector<16xf32>
        %parallel_loop3A_596 = arith.index_cast %parallel_loop3A_553 : i32 to index
        %parallel_loop3A_597 = arith.constant 32 : index
        %parallel_loop3A_598 = tpu.vector_load %arg7[%parallel_loop3A_596, %parallel_loop3A_597] {strides = array<i32>} : memref<64x512xf32, #tpu.memory_space<vmem>>, vector<1x16xf32>,
        %parallel_loop3A_599 = vector.shape_cast %parallel_loop3A_598 : vector<1x16xf32> to vector<16xf32>
        %parallel_loop3A_600 = arith.maximumf %parallel_loop3A_556, %parallel_loop3A_599 : vector<16xf32>
        %parallel_loop3A_601 = arith.index_cast %parallel_loop3A_553 : i32 to index
        %parallel_loop3A_602 = arith.constant 48 : index
        %parallel_loop3A_603 = tpu.vector_load %arg7[%parallel_loop3A_601, %parallel_loop3A_602] {strides = array<i32>} : memref<64x512xf32, #tpu.memory_space<vmem>>, vector<1x16xf32>,
        %parallel_loop3A_604 = vector.shape_cast %parallel_loop3A_603 : vector<1x16xf32> to vector<16xf32>
        %parallel_loop3A_605 = arith.maximumf %parallel_loop3A_557, %parallel_loop3A_604 : vector<16xf32>
        %parallel_loop3A_606 = arith.index_cast %parallel_loop3A_553 : i32 to index
        %parallel_loop3A_607 = arith.constant 64 : index
        %parallel_loop3A_608 = tpu.vector_load %arg7[%parallel_loop3A_606, %parallel_loop3A_607] {strides = array<i32>} : memref<64x512xf32, #tpu.memory_space<vmem>>, vector<1x16xf32>,
        %parallel_loop3A_609 = vector.shape_cast %parallel_loop3A_608 : vector<1x16xf32> to vector<16xf32>
        %parallel_loop3A_610 = arith.maximumf %parallel_loop3A_558, %parallel_loop3A_609 : vector<16xf32>
        %parallel_loop3A_611 = arith.index_cast %parallel_loop3A_553 : i32 to index
        %parallel_loop3A_612 = arith.constant 80 : index
        %parallel_loop3A_613 = tpu.vector_load %arg7[%parallel_loop3A_611, %parallel_loop3A_612] {strides = array<i32>} : memref<64x512xf32, #tpu.memory_space<vmem>>, vector<1x16xf32>,
        %parallel_loop3A_614 = vector.shape_cast %parallel_loop3A_613 : vector<1x16xf32> to vector<16xf32>
        %parallel_loop3A_615 = arith.maximumf %parallel_loop3A_559, %parallel_loop3A_614 : vector<16xf32>
        %parallel_loop3A_616 = arith.index_cast %parallel_loop3A_553 : i32 to index
        %parallel_loop3A_617 = arith.constant 96 : index
        %parallel_loop3A_618 = tpu.vector_load %arg7[%parallel_loop3A_616, %parallel_loop3A_617] {strides = array<i32>} : memref<64x512xf32, #tpu.memory_space<vmem>>, vector<1x16xf32>,
        %parallel_loop3A_619 = vector.shape_cast %parallel_loop3A_618 : vector<1x16xf32> to vector<16xf32>
        %parallel_loop3A_620 = arith.maximumf %parallel_loop3A_560, %parallel_loop3A_619 : vector<16xf32>
        %parallel_loop3A_621 = arith.index_cast %parallel_loop3A_553 : i32 to index
        %parallel_loop3A_622 = arith.constant 112 : index
        %parallel_loop3A_623 = tpu.vector_load %arg7[%parallel_loop3A_621, %parallel_loop3A_622] {strides = array<i32>} : memref<64x512xf32, #tpu.memory_space<vmem>>, vector<1x16xf32>,
        %parallel_loop3A_624 = vector.shape_cast %parallel_loop3A_623 : vector<1x16xf32> to vector<16xf32>
        %parallel_loop3A_625 = arith.maximumf %parallel_loop3A_561, %parallel_loop3A_624 : vector<16xf32>
        %parallel_loop3A_626 = arith.index_cast %parallel_loop3A_553 : i32 to index
        %parallel_loop3A_627 = arith.constant 128 : index
        %parallel_loop3A_628 = tpu.vector_load %arg7[%parallel_loop3A_626, %parallel_loop3A_627] {strides = array<i32>} : memref<64x512xf32, #tpu.memory_space<vmem>>, vector<1x16xf32>,
        %parallel_loop3A_629 = vector.shape_cast %parallel_loop3A_628 : vector<1x16xf32> to vector<16xf32>
        %parallel_loop3A_630 = arith.maximumf %parallel_loop3A_562, %parallel_loop3A_629 : vector<16xf32>
        %parallel_loop3A_631 = arith.index_cast %parallel_loop3A_553 : i32 to index
        %parallel_loop3A_632 = arith.constant 144 : index
        %parallel_loop3A_633 = tpu.vector_load %arg7[%parallel_loop3A_631, %parallel_loop3A_632] {strides = array<i32>} : memref<64x512xf32, #tpu.memory_space<vmem>>, vector<1x16xf32>,
        %parallel_loop3A_634 = vector.shape_cast %parallel_loop3A_633 : vector<1x16xf32> to vector<16xf32>
        %parallel_loop3A_635 = arith.maximumf %parallel_loop3A_563, %parallel_loop3A_634 : vector<16xf32>
        %parallel_loop3A_636 = arith.index_cast %parallel_loop3A_553 : i32 to index
        %parallel_loop3A_637 = arith.constant 160 : index
        %parallel_loop3A_638 = tpu.vector_load %arg7[%parallel_loop3A_636, %parallel_loop3A_637] {strides = array<i32>} : memref<64x512xf32, #tpu.memory_space<vmem>>, vector<1x16xf32>,
        %parallel_loop3A_639 = vector.shape_cast %parallel_loop3A_638 : vector<1x16xf32> to vector<16xf32>
        %parallel_loop3A_640 = arith.maximumf %parallel_loop3A_564, %parallel_loop3A_639 : vector<16xf32>
        %parallel_loop3A_641 = arith.index_cast %parallel_loop3A_553 : i32 to index
        %parallel_loop3A_642 = arith.constant 176 : index
        %parallel_loop3A_643 = tpu.vector_load %arg7[%parallel_loop3A_641, %parallel_loop3A_642] {strides = array<i32>} : memref<64x512xf32, #tpu.memory_space<vmem>>, vector<1x16xf32>,
        %parallel_loop3A_644 = vector.shape_cast %parallel_loop3A_643 : vector<1x16xf32> to vector<16xf32>
        %parallel_loop3A_645 = arith.maximumf %parallel_loop3A_565, %parallel_loop3A_644 : vector<16xf32>
        %parallel_loop3A_646 = arith.index_cast %parallel_loop3A_553 : i32 to index
        %parallel_loop3A_647 = arith.constant 192 : index
        %parallel_loop3A_648 = tpu.vector_load %arg7[%parallel_loop3A_646, %parallel_loop3A_647] {strides = array<i32>} : memref<64x512xf32, #tpu.memory_space<vmem>>, vector<1x16xf32>,
        %parallel_loop3A_649 = vector.shape_cast %parallel_loop3A_648 : vector<1x16xf32> to vector<16xf32>
        %parallel_loop3A_650 = arith.maximumf %parallel_loop3A_566, %parallel_loop3A_649 : vector<16xf32>
        %parallel_loop3A_651 = arith.index_cast %parallel_loop3A_553 : i32 to index
        %parallel_loop3A_652 = arith.constant 208 : index
        %parallel_loop3A_653 = tpu.vector_load %arg7[%parallel_loop3A_651, %parallel_loop3A_652] {strides = array<i32>} : memref<64x512xf32, #tpu.memory_space<vmem>>, vector<1x16xf32>,
        %parallel_loop3A_654 = vector.shape_cast %parallel_loop3A_653 : vector<1x16xf32> to vector<16xf32>
        %parallel_loop3A_655 = arith.maximumf %parallel_loop3A_567, %parallel_loop3A_654 : vector<16xf32>
        %parallel_loop3A_656 = arith.index_cast %parallel_loop3A_553 : i32 to index
        %parallel_loop3A_657 = arith.constant 224 : index
        %parallel_loop3A_658 = tpu.vector_load %arg7[%parallel_loop3A_656, %parallel_loop3A_657] {strides = array<i32>} : memref<64x512xf32, #tpu.memory_space<vmem>>, vector<1x16xf32>,
        %parallel_loop3A_659 = vector.shape_cast %parallel_loop3A_658 : vector<1x16xf32> to vector<16xf32>
        %parallel_loop3A_660 = arith.maximumf %parallel_loop3A_568, %parallel_loop3A_659 : vector<16xf32>
        %parallel_loop3A_661 = arith.index_cast %parallel_loop3A_553 : i32 to index
        %parallel_loop3A_662 = arith.constant 240 : index
        %parallel_loop3A_663 = tpu.vector_load %arg7[%parallel_loop3A_661, %parallel_loop3A_662] {strides = array<i32>} : memref<64x512xf32, #tpu.memory_space<vmem>>, vector<1x16xf32>,
        %parallel_loop3A_664 = vector.shape_cast %parallel_loop3A_663 : vector<1x16xf32> to vector<16xf32>
        %parallel_loop3A_665 = arith.maximumf %parallel_loop3A_569, %parallel_loop3A_664 : vector<16xf32>
        %parallel_loop3A_666 = arith.index_cast %parallel_loop3A_553 : i32 to index
        %parallel_loop3A_667 = arith.constant 256 : index
        %parallel_loop3A_668 = tpu.vector_load %arg7[%parallel_loop3A_666, %parallel_loop3A_667] {strides = array<i32>} : memref<64x512xf32, #tpu.memory_space<vmem>>, vector<1x16xf32>,
        %parallel_loop3A_669 = vector.shape_cast %parallel_loop3A_668 : vector<1x16xf32> to vector<16xf32>
        %parallel_loop3A_670 = arith.maximumf %parallel_loop3A_570, %parallel_loop3A_669 : vector<16xf32>
        %parallel_loop3A_671 = arith.index_cast %parallel_loop3A_553 : i32 to index
        %parallel_loop3A_672 = arith.constant 272 : index
        %parallel_loop3A_673 = tpu.vector_load %arg7[%parallel_loop3A_671, %parallel_loop3A_672] {strides = array<i32>} : memref<64x512xf32, #tpu.memory_space<vmem>>, vector<1x16xf32>,
        %parallel_loop3A_674 = vector.shape_cast %parallel_loop3A_673 : vector<1x16xf32> to vector<16xf32>
        %parallel_loop3A_675 = arith.maximumf %parallel_loop3A_571, %parallel_loop3A_674 : vector<16xf32>
        %parallel_loop3A_676 = arith.index_cast %parallel_loop3A_553 : i32 to index
        %parallel_loop3A_677 = arith.constant 288 : index
        %parallel_loop3A_678 = tpu.vector_load %arg7[%parallel_loop3A_676, %parallel_loop3A_677] {strides = array<i32>} : memref<64x512xf32, #tpu.memory_space<vmem>>, vector<1x16xf32>,
        %parallel_loop3A_679 = vector.shape_cast %parallel_loop3A_678 : vector<1x16xf32> to vector<16xf32>
        %parallel_loop3A_680 = arith.maximumf %parallel_loop3A_572, %parallel_loop3A_679 : vector<16xf32>
        %parallel_loop3A_681 = arith.index_cast %parallel_loop3A_553 : i32 to index
        %parallel_loop3A_682 = arith.constant 304 : index
        %parallel_loop3A_683 = tpu.vector_load %arg7[%parallel_loop3A_681, %parallel_loop3A_682] {strides = array<i32>} : memref<64x512xf32, #tpu.memory_space<vmem>>, vector<1x16xf32>,
        %parallel_loop3A_684 = vector.shape_cast %parallel_loop3A_683 : vector<1x16xf32> to vector<16xf32>
        %parallel_loop3A_685 = arith.maximumf %parallel_loop3A_573, %parallel_loop3A_684 : vector<16xf32>
        %parallel_loop3A_686 = arith.index_cast %parallel_loop3A_553 : i32 to index
        %parallel_loop3A_687 = arith.constant 320 : index
        %parallel_loop3A_688 = tpu.vector_load %arg7[%parallel_loop3A_686, %parallel_loop3A_687] {strides = array<i32>} : memref<64x512xf32, #tpu.memory_space<vmem>>, vector<1x16xf32>,
        %parallel_loop3A_689 = vector.shape_cast %parallel_loop3A_688 : vector<1x16xf32> to vector<16xf32>
        %parallel_loop3A_690 = arith.maximumf %parallel_loop3A_574, %parallel_loop3A_689 : vector<16xf32>
        %parallel_loop3A_691 = arith.index_cast %parallel_loop3A_553 : i32 to index
        %parallel_loop3A_692 = arith.constant 336 : index
        %parallel_loop3A_693 = tpu.vector_load %arg7[%parallel_loop3A_691, %parallel_loop3A_692] {strides = array<i32>} : memref<64x512xf32, #tpu.memory_space<vmem>>, vector<1x16xf32>,
        %parallel_loop3A_694 = vector.shape_cast %parallel_loop3A_693 : vector<1x16xf32> to vector<16xf32>
        %parallel_loop3A_695 = arith.maximumf %parallel_loop3A_575, %parallel_loop3A_694 : vector<16xf32>
        %parallel_loop3A_696 = arith.index_cast %parallel_loop3A_553 : i32 to index
        %parallel_loop3A_697 = arith.constant 352 : index
        %parallel_loop3A_698 = tpu.vector_load %arg7[%parallel_loop3A_696, %parallel_loop3A_697] {strides = array<i32>} : memref<64x512xf32, #tpu.memory_space<vmem>>, vector<1x16xf32>,
        %parallel_loop3A_699 = vector.shape_cast %parallel_loop3A_698 : vector<1x16xf32> to vector<16xf32>
        %parallel_loop3A_700 = arith.maximumf %parallel_loop3A_576, %parallel_loop3A_699 : vector<16xf32>
        %parallel_loop3A_701 = arith.index_cast %parallel_loop3A_553 : i32 to index
        %parallel_loop3A_702 = arith.constant 368 : index
        %parallel_loop3A_703 = tpu.vector_load %arg7[%parallel_loop3A_701, %parallel_loop3A_702] {strides = array<i32>} : memref<64x512xf32, #tpu.memory_space<vmem>>, vector<1x16xf32>,
        %parallel_loop3A_704 = vector.shape_cast %parallel_loop3A_703 : vector<1x16xf32> to vector<16xf32>
        %parallel_loop3A_705 = arith.maximumf %parallel_loop3A_577, %parallel_loop3A_704 : vector<16xf32>
        %parallel_loop3A_706 = arith.index_cast %parallel_loop3A_553 : i32 to index
        %parallel_loop3A_707 = arith.constant 384 : index
        %parallel_loop3A_708 = tpu.vector_load %arg7[%parallel_loop3A_706, %parallel_loop3A_707] {strides = array<i32>} : memref<64x512xf32, #tpu.memory_space<vmem>>, vector<1x16xf32>,
        %parallel_loop3A_709 = vector.shape_cast %parallel_loop3A_708 : vector<1x16xf32> to vector<16xf32>
        %parallel_loop3A_710 = arith.maximumf %parallel_loop3A_578, %parallel_loop3A_709 : vector<16xf32>
        %parallel_loop3A_711 = arith.index_cast %parallel_loop3A_553 : i32 to index
        %parallel_loop3A_712 = arith.constant 400 : index
        %parallel_loop3A_713 = tpu.vector_load %arg7[%parallel_loop3A_711, %parallel_loop3A_712] {strides = array<i32>} : memref<64x512xf32, #tpu.memory_space<vmem>>, vector<1x16xf32>,
        %parallel_loop3A_714 = vector.shape_cast %parallel_loop3A_713 : vector<1x16xf32> to vector<16xf32>
        %parallel_loop3A_715 = arith.maximumf %parallel_loop3A_579, %parallel_loop3A_714 : vector<16xf32>
        %parallel_loop3A_716 = arith.index_cast %parallel_loop3A_553 : i32 to index
        %parallel_loop3A_717 = arith.constant 416 : index
        %parallel_loop3A_718 = tpu.vector_load %arg7[%parallel_loop3A_716, %parallel_loop3A_717] {strides = array<i32>} : memref<64x512xf32, #tpu.memory_space<vmem>>, vector<1x16xf32>,
        %parallel_loop3A_719 = vector.shape_cast %parallel_loop3A_718 : vector<1x16xf32> to vector<16xf32>
        %parallel_loop3A_720 = arith.maximumf %parallel_loop3A_580, %parallel_loop3A_719 : vector<16xf32>
        %parallel_loop3A_721 = arith.index_cast %parallel_loop3A_553 : i32 to index
        %parallel_loop3A_722 = arith.constant 432 : index
        %parallel_loop3A_723 = tpu.vector_load %arg7[%parallel_loop3A_721, %parallel_loop3A_722] {strides = array<i32>} : memref<64x512xf32, #tpu.memory_space<vmem>>, vector<1x16xf32>,
        %parallel_loop3A_724 = vector.shape_cast %parallel_loop3A_723 : vector<1x16xf32> to vector<16xf32>
        %parallel_loop3A_725 = arith.maximumf %parallel_loop3A_581, %parallel_loop3A_724 : vector<16xf32>
        %parallel_loop3A_726 = arith.index_cast %parallel_loop3A_553 : i32 to index
        %parallel_loop3A_727 = arith.constant 448 : index
        %parallel_loop3A_728 = tpu.vector_load %arg7[%parallel_loop3A_726, %parallel_loop3A_727] {strides = array<i32>} : memref<64x512xf32, #tpu.memory_space<vmem>>, vector<1x16xf32>,
        %parallel_loop3A_729 = vector.shape_cast %parallel_loop3A_728 : vector<1x16xf32> to vector<16xf32>
        %parallel_loop3A_730 = arith.maximumf %parallel_loop3A_582, %parallel_loop3A_729 : vector<16xf32>
        %parallel_loop3A_731 = arith.index_cast %parallel_loop3A_553 : i32 to index
        %parallel_loop3A_732 = arith.constant 464 : index
        %parallel_loop3A_733 = tpu.vector_load %arg7[%parallel_loop3A_731, %parallel_loop3A_732] {strides = array<i32>} : memref<64x512xf32, #tpu.memory_space<vmem>>, vector<1x16xf32>,
        %parallel_loop3A_734 = vector.shape_cast %parallel_loop3A_733 : vector<1x16xf32> to vector<16xf32>
        %parallel_loop3A_735 = arith.maximumf %parallel_loop3A_583, %parallel_loop3A_734 : vector<16xf32>
        %parallel_loop3A_736 = arith.index_cast %parallel_loop3A_553 : i32 to index
        %parallel_loop3A_737 = arith.constant 480 : index
        %parallel_loop3A_738 = tpu.vector_load %arg7[%parallel_loop3A_736, %parallel_loop3A_737] {strides = array<i32>} : memref<64x512xf32, #tpu.memory_space<vmem>>, vector<1x16xf32>,
        %parallel_loop3A_739 = vector.shape_cast %parallel_loop3A_738 : vector<1x16xf32> to vector<16xf32>
        %parallel_loop3A_740 = arith.maximumf %parallel_loop3A_584, %parallel_loop3A_739 : vector<16xf32>
        %parallel_loop3A_741 = arith.index_cast %parallel_loop3A_553 : i32 to index
        %parallel_loop3A_742 = arith.constant 496 : index
        %parallel_loop3A_743 = tpu.vector_load %arg7[%parallel_loop3A_741, %parallel_loop3A_742] {strides = array<i32>} : memref<64x512xf32, #tpu.memory_space<vmem>>, vector<1x16xf32>,
        %parallel_loop3A_744 = vector.shape_cast %parallel_loop3A_743 : vector<1x16xf32> to vector<16xf32>
        %parallel_loop3A_745 = arith.maximumf %parallel_loop3A_585, %parallel_loop3A_744 : vector<16xf32>
        scf.yield %parallel_loop3A_590, %parallel_loop3A_595, %parallel_loop3A_600, %parallel_loop3A_605, %parallel_loop3A_610, %parallel_loop3A_615, %parallel_loop3A_620, %parallel_loop3A_625, %parallel_loop3A_630, %parallel_loop3A_635, %parallel_loop3A_640, %parallel_loop3A_645, %parallel_loop3A_650, %parallel_loop3A_655, %parallel_loop3A_660, %parallel_loop3A_665, %parallel_loop3A_670, %parallel_loop3A_675, %parallel_loop3A_680, %parallel_loop3A_685, %parallel_loop3A_690, %parallel_loop3A_695, %parallel_loop3A_700, %parallel_loop3A_705, %parallel_loop3A_710, %parallel_loop3A_715, %parallel_loop3A_720, %parallel_loop3A_725, %parallel_loop3A_730, %parallel_loop3A_735, %parallel_loop3A_740, %parallel_loop3A_745 : vector<16xf32>, vector<16xf32>, vector<16xf32>, vector<16xf32>, vector<16xf32>, vector<16xf32>, vector<16xf32>, vector<16xf32>, vector<16xf32>, vector<16xf32>, vector<16xf32>, vector<16xf32>, vector<16xf32>, vector<16xf32>, vector<16xf32>, vector<16xf32>, vector<16xf32>, vector<16xf32>, vector<16xf32>, vector<16xf32>, vector<16xf32>, vector<16xf32>, vector<16xf32>, vector<16xf32>, vector<16xf32>, vector<16xf32>, vector<16xf32>, vector<16xf32>, vector<16xf32>, vector<16xf32>, vector<16xf32>, vector<16xf32>
      } {sc.loop_unroll_factor = 2 : i64, sc.parallel_access}
      scf.yield %parallel_loop3A_552#0, %parallel_loop3A_552#1, %parallel_loop3A_552#2, %parallel_loop3A_552#3, %parallel_loop3A_552#4, %parallel_loop3A_552#5, %parallel_loop3A_552#6, %parallel_loop3A_552#7, %parallel_loop3A_552#8, %parallel_loop3A_552#9, %parallel_loop3A_552#10, %parallel_loop3A_552#11, %parallel_loop3A_552#12, %parallel_loop3A_552#13, %parallel_loop3A_552#14, %parallel_loop3A_552#15, %parallel_loop3A_552#16, %parallel_loop3A_552#17, %parallel_loop3A_552#18, %parallel_loop3A_552#19, %parallel_loop3A_552#20, %parallel_loop3A_552#21, %parallel_loop3A_552#22, %parallel_loop3A_552#23, %parallel_loop3A_552#24, %parallel_loop3A_552#25, %parallel_loop3A_552#26, %parallel_loop3A_552#27, %parallel_loop3A_552#28, %parallel_loop3A_552#29, %parallel_loop3A_552#30, %parallel_loop3A_552#31 : vector<16xf32>, vector<16xf32>, vector<16xf32>, vector<16xf32>, vector<16xf32>, vector<16xf32>, vector<16xf32>, vector<16xf32>, vector<16xf32>, vector<16xf32>, vector<16xf32>, vector<16xf32>, vector<16xf32>, vector<16xf32>, vector<16xf32>, vector<16xf32>, vector<16xf32>, vector<16xf32>, vector<16xf32>, vector<16xf32>, vector<16xf32>, vector<16xf32>, vector<16xf32>, vector<16xf32>, vector<16xf32>, vector<16xf32>, vector<16xf32>, vector<16xf32>, vector<16xf32>, vector<16xf32>, vector<16xf32>, vector<16xf32>
    }
    %swap3A_339 = arith.constant 0 : index
    %swap3A_340 = tpu.vector_load %arg8[%swap3A_339] {strides = array<i32>} : memref<512xf32, #tpu.memory_space<vmem>>, vector<16xf32>,
    %swap3A_341 = vector.shape_cast %swap3A_340 : vector<16xf32> to vector<16xf32>
    %swap3A_342 = vector.shape_cast %while3A_338#0 : vector<16xf32> to vector<16xf32>
    tpu.vector_store %arg8[%swap3A_339], %swap3A_342 {strides = array<i32>} : memref<512xf32, #tpu.memory_space<vmem>>, vector<16xf32>,
    %swap3A_343 = arith.constant 16 : index
    %swap3A_344 = tpu.vector_load %arg8[%swap3A_343] {strides = array<i32>} : memref<512xf32, #tpu.memory_space<vmem>>, vector<16xf32>,
    %swap3A_345 = vector.shape_cast %swap3A_344 : vector<16xf32> to vector<16xf32>
    %swap3A_346 = vector.shape_cast %while3A_338#1 : vector<16xf32> to vector<16xf32>
    tpu.vector_store %arg8[%swap3A_343], %swap3A_346 {strides = array<i32>} : memref<512xf32, #tpu.memory_space<vmem>>, vector<16xf32>,
    %swap3A_347 = arith.constant 32 : index
    %swap3A_348 = tpu.vector_load %arg8[%swap3A_347] {strides = array<i32>} : memref<512xf32, #tpu.memory_space<vmem>>, vector<16xf32>,
    %swap3A_349 = vector.shape_cast %swap3A_348 : vector<16xf32> to vector<16xf32>
    %swap3A_350 = vector.shape_cast %while3A_338#2 : vector<16xf32> to vector<16xf32>
    tpu.vector_store %arg8[%swap3A_347], %swap3A_350 {strides = array<i32>} : memref<512xf32, #tpu.memory_space<vmem>>, vector<16xf32>,
    %swap3A_351 = arith.constant 48 : index
    %swap3A_352 = tpu.vector_load %arg8[%swap3A_351] {strides = array<i32>} : memref<512xf32, #tpu.memory_space<vmem>>, vector<16xf32>,
    %swap3A_353 = vector.shape_cast %swap3A_352 : vector<16xf32> to vector<16xf32>
    %swap3A_354 = vector.shape_cast %while3A_338#3 : vector<16xf32> to vector<16xf32>
    tpu.vector_store %arg8[%swap3A_351], %swap3A_354 {strides = array<i32>} : memref<512xf32, #tpu.memory_space<vmem>>, vector<16xf32>,
    %swap3A_355 = arith.constant 64 : index
    %swap3A_356 = tpu.vector_load %arg8[%swap3A_355] {strides = array<i32>} : memref<512xf32, #tpu.memory_space<vmem>>, vector<16xf32>,
    %swap3A_357 = vector.shape_cast %swap3A_356 : vector<16xf32> to vector<16xf32>
    %swap3A_358 = vector.shape_cast %while3A_338#4 : vector<16xf32> to vector<16xf32>
    tpu.vector_store %arg8[%swap3A_355], %swap3A_358 {strides = array<i32>} : memref<512xf32, #tpu.memory_space<vmem>>, vector<16xf32>,
    %swap3A_359 = arith.constant 80 : index
    %swap3A_360 = tpu.vector_load %arg8[%swap3A_359] {strides = array<i32>} : memref<512xf32, #tpu.memory_space<vmem>>, vector<16xf32>,
    %swap3A_361 = vector.shape_cast %swap3A_360 : vector<16xf32> to vector<16xf32>
    %swap3A_362 = vector.shape_cast %while3A_338#5 : vector<16xf32> to vector<16xf32>
    tpu.vector_store %arg8[%swap3A_359], %swap3A_362 {strides = array<i32>} : memref<512xf32, #tpu.memory_space<vmem>>, vector<16xf32>,
    %swap3A_363 = arith.constant 96 : index
    %swap3A_364 = tpu.vector_load %arg8[%swap3A_363] {strides = array<i32>} : memref<512xf32, #tpu.memory_space<vmem>>, vector<16xf32>,
    %swap3A_365 = vector.shape_cast %swap3A_364 : vector<16xf32> to vector<16xf32>
    %swap3A_366 = vector.shape_cast %while3A_338#6 : vector<16xf32> to vector<16xf32>
    tpu.vector_store %arg8[%swap3A_363], %swap3A_366 {strides = array<i32>} : memref<512xf32, #tpu.memory_space<vmem>>, vector<16xf32>,
    %swap3A_367 = arith.constant 112 : index
    %swap3A_368 = tpu.vector_load %arg8[%swap3A_367] {strides = array<i32>} : memref<512xf32, #tpu.memory_space<vmem>>, vector<16xf32>,
    %swap3A_369 = vector.shape_cast %swap3A_368 : vector<16xf32> to vector<16xf32>
    %swap3A_370 = vector.shape_cast %while3A_338#7 : vector<16xf32> to vector<16xf32>
    tpu.vector_store %arg8[%swap3A_367], %swap3A_370 {strides = array<i32>} : memref<512xf32, #tpu.memory_space<vmem>>, vector<16xf32>,
    %swap3A_371 = arith.constant 128 : index
    %swap3A_372 = tpu.vector_load %arg8[%swap3A_371] {strides = array<i32>} : memref<512xf32, #tpu.memory_space<vmem>>, vector<16xf32>,
    %swap3A_373 = vector.shape_cast %swap3A_372 : vector<16xf32> to vector<16xf32>
    %swap3A_374 = vector.shape_cast %while3A_338#8 : vector<16xf32> to vector<16xf32>
    tpu.vector_store %arg8[%swap3A_371], %swap3A_374 {strides = array<i32>} : memref<512xf32, #tpu.memory_space<vmem>>, vector<16xf32>,
    %swap3A_375 = arith.constant 144 : index
    %swap3A_376 = tpu.vector_load %arg8[%swap3A_375] {strides = array<i32>} : memref<512xf32, #tpu.memory_space<vmem>>, vector<16xf32>,
    %swap3A_377 = vector.shape_cast %swap3A_376 : vector<16xf32> to vector<16xf32>
    %swap3A_378 = vector.shape_cast %while3A_338#9 : vector<16xf32> to vector<16xf32>
    tpu.vector_store %arg8[%swap3A_375], %swap3A_378 {strides = array<i32>} : memref<512xf32, #tpu.memory_space<vmem>>, vector<16xf32>,
    %swap3A_379 = arith.constant 160 : index
    %swap3A_380 = tpu.vector_load %arg8[%swap3A_379] {strides = array<i32>} : memref<512xf32, #tpu.memory_space<vmem>>, vector<16xf32>,
    %swap3A_381 = vector.shape_cast %swap3A_380 : vector<16xf32> to vector<16xf32>
    %swap3A_382 = vector.shape_cast %while3A_338#10 : vector<16xf32> to vector<16xf32>
    tpu.vector_store %arg8[%swap3A_379], %swap3A_382 {strides = array<i32>} : memref<512xf32, #tpu.memory_space<vmem>>, vector<16xf32>,
    %swap3A_383 = arith.constant 176 : index
    %swap3A_384 = tpu.vector_load %arg8[%swap3A_383] {strides = array<i32>} : memref<512xf32, #tpu.memory_space<vmem>>, vector<16xf32>,
    %swap3A_385 = vector.shape_cast %swap3A_384 : vector<16xf32> to vector<16xf32>
    %swap3A_386 = vector.shape_cast %while3A_338#11 : vector<16xf32> to vector<16xf32>
    tpu.vector_store %arg8[%swap3A_383], %swap3A_386 {strides = array<i32>} : memref<512xf32, #tpu.memory_space<vmem>>, vector<16xf32>,
    %swap3A_387 = arith.constant 192 : index
    %swap3A_388 = tpu.vector_load %arg8[%swap3A_387] {strides = array<i32>} : memref<512xf32, #tpu.memory_space<vmem>>, vector<16xf32>,
    %swap3A_389 = vector.shape_cast %swap3A_388 : vector<16xf32> to vector<16xf32>
    %swap3A_390 = vector.shape_cast %while3A_338#12 : vector<16xf32> to vector<16xf32>
    tpu.vector_store %arg8[%swap3A_387], %swap3A_390 {strides = array<i32>} : memref<512xf32, #tpu.memory_space<vmem>>, vector<16xf32>,
    %swap3A_391 = arith.constant 208 : index
    %swap3A_392 = tpu.vector_load %arg8[%swap3A_391] {strides = array<i32>} : memref<512xf32, #tpu.memory_space<vmem>>, vector<16xf32>,
    %swap3A_393 = vector.shape_cast %swap3A_392 : vector<16xf32> to vector<16xf32>
    %swap3A_394 = vector.shape_cast %while3A_338#13 : vector<16xf32> to vector<16xf32>
    tpu.vector_store %arg8[%swap3A_391], %swap3A_394 {strides = array<i32>} : memref<512xf32, #tpu.memory_space<vmem>>, vector<16xf32>,
    %swap3A_395 = arith.constant 224 : index
    %swap3A_396 = tpu.vector_load %arg8[%swap3A_395] {strides = array<i32>} : memref<512xf32, #tpu.memory_space<vmem>>, vector<16xf32>,
    %swap3A_397 = vector.shape_cast %swap3A_396 : vector<16xf32> to vector<16xf32>
    %swap3A_398 = vector.shape_cast %while3A_338#14 : vector<16xf32> to vector<16xf32>
    tpu.vector_store %arg8[%swap3A_395], %swap3A_398 {strides = array<i32>} : memref<512xf32, #tpu.memory_space<vmem>>, vector<16xf32>,
    %swap3A_399 = arith.constant 240 : index
    %swap3A_400 = tpu.vector_load %arg8[%swap3A_399] {strides = array<i32>} : memref<512xf32, #tpu.memory_space<vmem>>, vector<16xf32>,
    %swap3A_401 = vector.shape_cast %swap3A_400 : vector<16xf32> to vector<16xf32>
    %swap3A_402 = vector.shape_cast %while3A_338#15 : vector<16xf32> to vector<16xf32>
    tpu.vector_store %arg8[%swap3A_399], %swap3A_402 {strides = array<i32>} : memref<512xf32, #tpu.memory_space<vmem>>, vector<16xf32>,
    %swap3A_403 = arith.constant 256 : index
    %swap3A_404 = tpu.vector_load %arg8[%swap3A_403] {strides = array<i32>} : memref<512xf32, #tpu.memory_space<vmem>>, vector<16xf32>,
    %swap3A_405 = vector.shape_cast %swap3A_404 : vector<16xf32> to vector<16xf32>
    %swap3A_406 = vector.shape_cast %while3A_338#16 : vector<16xf32> to vector<16xf32>
    tpu.vector_store %arg8[%swap3A_403], %swap3A_406 {strides = array<i32>} : memref<512xf32, #tpu.memory_space<vmem>>, vector<16xf32>,
    %swap3A_407 = arith.constant 272 : index
    %swap3A_408 = tpu.vector_load %arg8[%swap3A_407] {strides = array<i32>} : memref<512xf32, #tpu.memory_space<vmem>>, vector<16xf32>,
    %swap3A_409 = vector.shape_cast %swap3A_408 : vector<16xf32> to vector<16xf32>
    %swap3A_410 = vector.shape_cast %while3A_338#17 : vector<16xf32> to vector<16xf32>
    tpu.vector_store %arg8[%swap3A_407], %swap3A_410 {strides = array<i32>} : memref<512xf32, #tpu.memory_space<vmem>>, vector<16xf32>,
    %swap3A_411 = arith.constant 288 : index
    %swap3A_412 = tpu.vector_load %arg8[%swap3A_411] {strides = array<i32>} : memref<512xf32, #tpu.memory_space<vmem>>, vector<16xf32>,
    %swap3A_413 = vector.shape_cast %swap3A_412 : vector<16xf32> to vector<16xf32>
    %swap3A_414 = vector.shape_cast %while3A_338#18 : vector<16xf32> to vector<16xf32>
    tpu.vector_store %arg8[%swap3A_411], %swap3A_414 {strides = array<i32>} : memref<512xf32, #tpu.memory_space<vmem>>, vector<16xf32>,
    %swap3A_415 = arith.constant 304 : index
    %swap3A_416 = tpu.vector_load %arg8[%swap3A_415] {strides = array<i32>} : memref<512xf32, #tpu.memory_space<vmem>>, vector<16xf32>,
    %swap3A_417 = vector.shape_cast %swap3A_416 : vector<16xf32> to vector<16xf32>
    %swap3A_418 = vector.shape_cast %while3A_338#19 : vector<16xf32> to vector<16xf32>
    tpu.vector_store %arg8[%swap3A_415], %swap3A_418 {strides = array<i32>} : memref<512xf32, #tpu.memory_space<vmem>>, vector<16xf32>,
    %swap3A_419 = arith.constant 320 : index
    %swap3A_420 = tpu.vector_load %arg8[%swap3A_419] {strides = array<i32>} : memref<512xf32, #tpu.memory_space<vmem>>, vector<16xf32>,
    %swap3A_421 = vector.shape_cast %swap3A_420 : vector<16xf32> to vector<16xf32>
    %swap3A_422 = vector.shape_cast %while3A_338#20 : vector<16xf32> to vector<16xf32>
    tpu.vector_store %arg8[%swap3A_419], %swap3A_422 {strides = array<i32>} : memref<512xf32, #tpu.memory_space<vmem>>, vector<16xf32>,
    %swap3A_423 = arith.constant 336 : index
    %swap3A_424 = tpu.vector_load %arg8[%swap3A_423] {strides = array<i32>} : memref<512xf32, #tpu.memory_space<vmem>>, vector<16xf32>,
    %swap3A_425 = vector.shape_cast %swap3A_424 : vector<16xf32> to vector<16xf32>
    %swap3A_426 = vector.shape_cast %while3A_338#21 : vector<16xf32> to vector<16xf32>
    tpu.vector_store %arg8[%swap3A_423], %swap3A_426 {strides = array<i32>} : memref<512xf32, #tpu.memory_space<vmem>>, vector<16xf32>,
    %swap3A_427 = arith.constant 352 : index
    %swap3A_428 = tpu.vector_load %arg8[%swap3A_427] {strides = array<i32>} : memref<512xf32, #tpu.memory_space<vmem>>, vector<16xf32>,
    %swap3A_429 = vector.shape_cast %swap3A_428 : vector<16xf32> to vector<16xf32>
    %swap3A_430 = vector.shape_cast %while3A_338#22 : vector<16xf32> to vector<16xf32>
    tpu.vector_store %arg8[%swap3A_427], %swap3A_430 {strides = array<i32>} : memref<512xf32, #tpu.memory_space<vmem>>, vector<16xf32>,
    %swap3A_431 = arith.constant 368 : index
    %swap3A_432 = tpu.vector_load %arg8[%swap3A_431] {strides = array<i32>} : memref<512xf32, #tpu.memory_space<vmem>>, vector<16xf32>,
    %swap3A_433 = vector.shape_cast %swap3A_432 : vector<16xf32> to vector<16xf32>
    %swap3A_434 = vector.shape_cast %while3A_338#23 : vector<16xf32> to vector<16xf32>
    tpu.vector_store %arg8[%swap3A_431], %swap3A_434 {strides = array<i32>} : memref<512xf32, #tpu.memory_space<vmem>>, vector<16xf32>,
    %swap3A_435 = arith.constant 384 : index
    %swap3A_436 = tpu.vector_load %arg8[%swap3A_435] {strides = array<i32>} : memref<512xf32, #tpu.memory_space<vmem>>, vector<16xf32>,
    %swap3A_437 = vector.shape_cast %swap3A_436 : vector<16xf32> to vector<16xf32>
    %swap3A_438 = vector.shape_cast %while3A_338#24 : vector<16xf32> to vector<16xf32>
    tpu.vector_store %arg8[%swap3A_435], %swap3A_438 {strides = array<i32>} : memref<512xf32, #tpu.memory_space<vmem>>, vector<16xf32>,
    %swap3A_439 = arith.constant 400 : index
    %swap3A_440 = tpu.vector_load %arg8[%swap3A_439] {strides = array<i32>} : memref<512xf32, #tpu.memory_space<vmem>>, vector<16xf32>,
    %swap3A_441 = vector.shape_cast %swap3A_440 : vector<16xf32> to vector<16xf32>
    %swap3A_442 = vector.shape_cast %while3A_338#25 : vector<16xf32> to vector<16xf32>
    tpu.vector_store %arg8[%swap3A_439], %swap3A_442 {strides = array<i32>} : memref<512xf32, #tpu.memory_space<vmem>>, vector<16xf32>,
    %swap3A_443 = arith.constant 416 : index
    %swap3A_444 = tpu.vector_load %arg8[%swap3A_443] {strides = array<i32>} : memref<512xf32, #tpu.memory_space<vmem>>, vector<16xf32>,
    %swap3A_445 = vector.shape_cast %swap3A_444 : vector<16xf32> to vector<16xf32>
    %swap3A_446 = vector.shape_cast %while3A_338#26 : vector<16xf32> to vector<16xf32>
    tpu.vector_store %arg8[%swap3A_443], %swap3A_446 {strides = array<i32>} : memref<512xf32, #tpu.memory_space<vmem>>, vector<16xf32>,
    %swap3A_447 = arith.constant 432 : index
    %swap3A_448 = tpu.vector_load %arg8[%swap3A_447] {strides = array<i32>} : memref<512xf32, #tpu.memory_space<vmem>>, vector<16xf32>,
    %swap3A_449 = vector.shape_cast %swap3A_448 : vector<16xf32> to vector<16xf32>
    %swap3A_450 = vector.shape_cast %while3A_338#27 : vector<16xf32> to vector<16xf32>
    tpu.vector_store %arg8[%swap3A_447], %swap3A_450 {strides = array<i32>} : memref<512xf32, #tpu.memory_space<vmem>>, vector<16xf32>,
    %swap3A_451 = arith.constant 448 : index
    %swap3A_452 = tpu.vector_load %arg8[%swap3A_451] {strides = array<i32>} : memref<512xf32, #tpu.memory_space<vmem>>, vector<16xf32>,
    %swap3A_453 = vector.shape_cast %swap3A_452 : vector<16xf32> to vector<16xf32>
    %swap3A_454 = vector.shape_cast %while3A_338#28 : vector<16xf32> to vector<16xf32>
    tpu.vector_store %arg8[%swap3A_451], %swap3A_454 {strides = array<i32>} : memref<512xf32, #tpu.memory_space<vmem>>, vector<16xf32>,
    %swap3A_455 = arith.constant 464 : index
    %swap3A_456 = tpu.vector_load %arg8[%swap3A_455] {strides = array<i32>} : memref<512xf32, #tpu.memory_space<vmem>>, vector<16xf32>,
    %swap3A_457 = vector.shape_cast %swap3A_456 : vector<16xf32> to vector<16xf32>
    %swap3A_458 = vector.shape_cast %while3A_338#29 : vector<16xf32> to vector<16xf32>
    tpu.vector_store %arg8[%swap3A_455], %swap3A_458 {strides = array<i32>} : memref<512xf32, #tpu.memory_space<vmem>>, vector<16xf32>,
    %swap3A_459 = arith.constant 480 : index
    %swap3A_460 = tpu.vector_load %arg8[%swap3A_459] {strides = array<i32>} : memref<512xf32, #tpu.memory_space<vmem>>, vector<16xf32>,
    %swap3A_461 = vector.shape_cast %swap3A_460 : vector<16xf32> to vector<16xf32>
    %swap3A_462 = vector.shape_cast %while3A_338#30 : vector<16xf32> to vector<16xf32>
    tpu.vector_store %arg8[%swap3A_459], %swap3A_462 {strides = array<i32>} : memref<512xf32, #tpu.memory_space<vmem>>, vector<16xf32>,
    %swap3A_463 = arith.constant 496 : index
    %swap3A_464 = tpu.vector_load %arg8[%swap3A_463] {strides = array<i32>} : memref<512xf32, #tpu.memory_space<vmem>>, vector<16xf32>,
    %swap3A_465 = vector.shape_cast %swap3A_464 : vector<16xf32> to vector<16xf32>
    %swap3A_466 = vector.shape_cast %while3A_338#31 : vector<16xf32> to vector<16xf32>
    tpu.vector_store %arg8[%swap3A_463], %swap3A_466 {strides = array<i32>} : memref<512xf32, #tpu.memory_space<vmem>>, vector<16xf32>,
    %mul3A_467 = arith.constant 512 : i32
    %mul3A_468 = arith.muli %add3A_228, %mul3A_467 : i32
    %dma_start3A_469 = tpu.memref_slice %arg4[%mul3A_468] : memref<32768xf32, #tpu.memory_space<hbm>> -> memref<512xf32, #tpu.memory_space<hbm>>
    %dma_start3A_470 = tpu.memref_slice %arg4[%mul3A_468] : memref<32768xf32, #tpu.memory_space<hbm>> -> memref<512xf32, #tpu.memory_space<hbm>>
    tpu.enqueue_dma source(%arg8 : memref<512xf32, #tpu.memory_space<vmem>>) target(%dma_start3A_470 : memref<512xf32, #tpu.memory_space<hbm>>) target_semaphore(%arg11 : memref<!tpu.dma_semaphore, #tpu.memory_space<semaphore_mem>>)
    %dma_wait3A_471 = tpu.memref_slice %arg4[%mul3A_468] : memref<32768xf32, #tpu.memory_space<hbm>> -> memref<512xf32, #tpu.memory_space<hbm>>
    %dma_wait3A_472 = tpu.memref_slice %arg4[%mul3A_468] : memref<32768xf32, #tpu.memory_space<hbm>> -> memref<512xf32, #tpu.memory_space<hbm>>
    tpu.wait_dma2 semaphore(%arg11 : memref<!tpu.dma_semaphore, #tpu.memory_space<semaphore_mem>>) src(%arg8 : memref<512xf32, #tpu.memory_space<vmem>>) dst(%dma_wait3A_472 : memref<512xf32, #tpu.memory_space<hbm>>)
    return
  }
}

module attributes {stable_mosaic.version = 14 : i64} {
  func.func @body(%arg0: i32, %arg1: memref<65xi32, #tpu.memory_space<smem>>, %arg2: memref<125xi32, #tpu.memory_space<smem>>, %arg3: memref<125xi32, #tpu.memory_space<smem>>, %arg4: memref<800x512xf32, #tpu.memory_space<vmem>>, %arg5: memref<64x512xf32, #tpu.memory_space<vmem>>) attributes {dimension_semantics = [#tpu.dimension_semantics<arbitrary>], iteration_bounds = array<i64: 65>, scalar_prefetch = 3 : i64, scratch_operands = 0 : i64, tpu.core_type = #tpu.core_type<tc>, window_params = [{transform_indices = @transform_0, window_bounds = array<i64: 800, 512>}, {pipeline_mode = #tpu.pipeline_mode<synchronous>, transform_indices = @transform_1, window_bounds = array<i64: 64, 512>}]} {
    %add3A = arith.constant 60 : i32
    %add3A_0 = arith.addi %arg0, %add3A : i32
    %eq3A = arith.constant 0 : i32
    %eq3A_1 = arith.cmpi eq, %arg0, %eq3A : i32
    %convert_element_type3A = arith.extui %eq3A_1 : i1 to i32
    %cond3A = arith.constant 0 : i32
    %cond3A_2 = arith.cmpi ne, %convert_element_type3A, %cond3A : i32
    scf.if %cond3A_2 {
      %broadcast_in_dim3A = arith.constant 0xFF800000 : f32
      %broadcast_in_dim3A_19 = vector.broadcast %broadcast_in_dim3A : f32 to vector<64x512xf32>
      %swap3A = arith.constant 0 : index
      %swap3A_20 = arith.constant 0 : index
      %swap3A_21 = vector.load %arg5[%swap3A, %swap3A_20] : memref<64x512xf32, #tpu.memory_space<vmem>>, vector<64x512xf32>
      tpu.vector_store %arg5[%swap3A, %swap3A_20], %broadcast_in_dim3A_19 {strides = array<i32>} : memref<64x512xf32, #tpu.memory_space<vmem>>, vector<64x512xf32>,
    } else {
    }
    %mul3A = arith.constant 800 : i32
    %mul3A_3 = arith.muli %add3A_0, %mul3A : i32
    %get3A = arith.index_cast %add3A_0 : i32 to index
    %get3A_4 = memref.load %arg2[%get3A] : memref<125xi32, #tpu.memory_space<smem>>
    %get3A_5 = arith.index_cast %add3A_0 : i32 to index
    %get3A_6 = memref.load %arg3[%get3A_5] : memref<125xi32, #tpu.memory_space<smem>>
    %get3A_7 = arith.constant 0 : index
    %get3A_8 = arith.constant 0 : index
    %get3A_9 = vector.load %arg4[%get3A_7, %get3A_8] : memref<800x512xf32, #tpu.memory_space<vmem>>, vector<800x512xf32>
    %iota3A = tpu.iota {dimensions = array<i32: 0>} : vector<64x512xi32>
    %eq3A_10 = arith.cmpi eq, %get3A_4, %get3A_6 : i32
    %convert_element_type3A_11 = arith.extui %eq3A_10 : i1 to i32
    %cond3A_12 = arith.constant 0xFF800000 : f32
    %cond3A_13 = arith.constant 0 : i32
    %cond3A_14 = arith.cmpi ne, %convert_element_type3A_11, %cond3A_13 : i32
    scf.if %cond3A_14 {
      %reshape3A = vector.shape_cast %get3A_9 : vector<800x512xf32> to vector<100x8x512xf32>
      %reduce_max3A = arith.constant dense<0xFF800000> : vector<8x512xf32>
      %reduce_max3A_19 = vector.multi_reduction <maximumf>, %reshape3A, %reduce_max3A [0] : vector<100x8x512xf32> to vector<8x512xf32>
      %reduce_max3A_20 = arith.constant dense<0xFF800000> : vector<512xf32>
      %reduce_max3A_21 = vector.multi_reduction <maximumf>, %reduce_max3A_19, %reduce_max3A_20 [0] : vector<8x512xf32> to vector<512xf32>
      %broadcast_in_dim3A = vector.shape_cast %reduce_max3A_21 : vector<512xf32> to vector<1x512xf32>
      %get3A_22 = arith.constant 0 : index
      %get3A_23 = arith.constant 0 : index
      %get3A_24 = vector.load %arg5[%get3A_22, %get3A_23] : memref<64x512xf32, #tpu.memory_space<vmem>>, vector<64x512xf32>
      %eq3A_25 = vector.broadcast %get3A_6 : i32 to vector<64x512xi32>
      %eq3A_26 = arith.cmpi eq, %iota3A, %eq3A_25 : vector<64x512xi32>
      %broadcast_in_dim3A_27 = vector.shape_cast %broadcast_in_dim3A : vector<1x512xf32> to vector<1x512xf32>
      %broadcast_in_dim3A_28 = vector.broadcast %broadcast_in_dim3A_27 : vector<1x512xf32> to vector<64x512xf32>
      %broadcast_in_dim3A_29 = vector.broadcast %cond3A_12 : f32 to vector<64x512xf32>
      %select_n3A = arith.select %eq3A_26, %broadcast_in_dim3A_28, %broadcast_in_dim3A_29 : vector<64x512xi1>, vector<64x512xf32>
      %max3A = arith.maximumf %get3A_24, %select_n3A : vector<64x512xf32>
      %swap3A = arith.constant 0 : index
      %swap3A_30 = arith.constant 0 : index
      %swap3A_31 = vector.load %arg5[%swap3A, %swap3A_30] : memref<64x512xf32, #tpu.memory_space<vmem>>, vector<64x512xf32>
      tpu.vector_store %arg5[%swap3A, %swap3A_30], %max3A {strides = array<i32>} : memref<64x512xf32, #tpu.memory_space<vmem>>, vector<64x512xf32>,
    } else {
    }
    %ne3A = arith.cmpi ne, %get3A_4, %get3A_6 : i32
    %convert_element_type3A_15 = arith.extui %ne3A : i1 to i32
    %cond3A_16 = arith.constant 0xFF800000 : f32
    %cond3A_17 = arith.constant 0 : i32
    %cond3A_18 = arith.cmpi ne, %convert_element_type3A_15, %cond3A_17 : i32
    scf.if %cond3A_18 {
      %iota3A_19 = tpu.iota {dimensions = array<i32: 0>} : vector<800x512xi32>
      %add3A_20 = arith.constant 1 : i32
      %add3A_21 = arith.addi %get3A_6, %add3A_20 : i32
      %while3A = arith.constant 0 : i32
      %while3A_22 = arith.subi %add3A_21, %get3A_4 : i32
      %while3A_23 = arith.addi %get3A_4, %while3A_22 : i32
      %while3A_24 = arith.constant 1 : i32
      %while3A_25 = arith.divsi %while3A_22, %while3A_24 : i32
      %while3A_26 = arith.muli %while3A_25, %while3A_24 : i32
      %while3A_27 = arith.addi %get3A_4, %while3A_26 : i32
      %while3A_28 = arith.constant 1 : i32
      scf.for %while3A_30 = %get3A_4 to %while3A_27 step %while3A_28  : i32 {
        %get3A_31 = arith.index_cast %while3A_30 : i32 to index
        %get3A_32 = memref.load %arg1[%get3A_31] : memref<65xi32, #tpu.memory_space<smem>>
        %sub3A = arith.subi %get3A_32, %mul3A_3 : i32
        %add3A_33 = arith.constant 1 : i32
        %add3A_34 = arith.addi %while3A_30, %add3A_33 : i32
        %get3A_35 = arith.index_cast %add3A_34 : i32 to index
        %get3A_36 = memref.load %arg1[%get3A_35] : memref<65xi32, #tpu.memory_space<smem>>
        %sub3A_37 = arith.subi %get3A_36, %mul3A_3 : i32
        %ge3A = vector.broadcast %sub3A : i32 to vector<800x512xi32>
        %ge3A_38 = arith.cmpi sge, %iota3A_19, %ge3A : vector<800x512xi32>
        %lt3A = vector.broadcast %sub3A_37 : i32 to vector<800x512xi32>
        %lt3A_39 = arith.cmpi slt, %iota3A_19, %lt3A : vector<800x512xi32>
        %and3A = arith.andi %ge3A_38, %lt3A_39 : vector<800x512xi1>
        %broadcast_in_dim3A = vector.broadcast %cond3A_16 : f32 to vector<800x512xf32>
        %select_n3A = arith.select %and3A, %get3A_9, %broadcast_in_dim3A : vector<800x512xi1>, vector<800x512xf32>
        %reshape3A = vector.shape_cast %select_n3A : vector<800x512xf32> to vector<100x8x512xf32>
        %reduce_max3A = arith.constant dense<0xFF800000> : vector<8x512xf32>
        %reduce_max3A_40 = vector.multi_reduction <maximumf>, %reshape3A, %reduce_max3A [0] : vector<100x8x512xf32> to vector<8x512xf32>
        %reduce_max3A_41 = arith.constant dense<0xFF800000> : vector<512xf32>
        %reduce_max3A_42 = vector.multi_reduction <maximumf>, %reduce_max3A_40, %reduce_max3A_41 [0] : vector<8x512xf32> to vector<512xf32>
        %broadcast_in_dim3A_43 = vector.shape_cast %reduce_max3A_42 : vector<512xf32> to vector<1x512xf32>
        %get3A_44 = arith.constant 0 : index
        %get3A_45 = arith.constant 0 : index
        %get3A_46 = vector.load %arg5[%get3A_44, %get3A_45] : memref<64x512xf32, #tpu.memory_space<vmem>>, vector<64x512xf32>
        %eq3A_47 = vector.broadcast %while3A_30 : i32 to vector<64x512xi32>
        %eq3A_48 = arith.cmpi eq, %iota3A, %eq3A_47 : vector<64x512xi32>
        %broadcast_in_dim3A_49 = vector.shape_cast %broadcast_in_dim3A_43 : vector<1x512xf32> to vector<1x512xf32>
        %broadcast_in_dim3A_50 = vector.broadcast %broadcast_in_dim3A_49 : vector<1x512xf32> to vector<64x512xf32>
        %broadcast_in_dim3A_51 = vector.broadcast %cond3A_16 : f32 to vector<64x512xf32>
        %select_n3A_52 = arith.select %eq3A_48, %broadcast_in_dim3A_50, %broadcast_in_dim3A_51 : vector<64x512xi1>, vector<64x512xf32>
        %max3A = arith.maximumf %get3A_46, %select_n3A_52 : vector<64x512xf32>
        %swap3A = arith.constant 0 : index
        %swap3A_53 = arith.constant 0 : index
        %swap3A_54 = vector.load %arg5[%swap3A, %swap3A_53] : memref<64x512xf32, #tpu.memory_space<vmem>>, vector<64x512xf32>
        tpu.vector_store %arg5[%swap3A, %swap3A_53], %max3A {strides = array<i32>} : memref<64x512xf32, #tpu.memory_space<vmem>>, vector<64x512xf32>,
      }
      %while3A_29 = arith.constant 1 : i32
      scf.for %while3A_30 = %while3A_27 to %while3A_23 step %while3A_29  : i32 {
        %get3A_31 = arith.index_cast %while3A_30 : i32 to index
        %get3A_32 = memref.load %arg1[%get3A_31] : memref<65xi32, #tpu.memory_space<smem>>
        %sub3A = arith.subi %get3A_32, %mul3A_3 : i32
        %add3A_33 = arith.constant 1 : i32
        %add3A_34 = arith.addi %while3A_30, %add3A_33 : i32
        %get3A_35 = arith.index_cast %add3A_34 : i32 to index
        %get3A_36 = memref.load %arg1[%get3A_35] : memref<65xi32, #tpu.memory_space<smem>>
        %sub3A_37 = arith.subi %get3A_36, %mul3A_3 : i32
        %ge3A = vector.broadcast %sub3A : i32 to vector<800x512xi32>
        %ge3A_38 = arith.cmpi sge, %iota3A_19, %ge3A : vector<800x512xi32>
        %lt3A = vector.broadcast %sub3A_37 : i32 to vector<800x512xi32>
        %lt3A_39 = arith.cmpi slt, %iota3A_19, %lt3A : vector<800x512xi32>
        %and3A = arith.andi %ge3A_38, %lt3A_39 : vector<800x512xi1>
        %broadcast_in_dim3A = vector.broadcast %cond3A_16 : f32 to vector<800x512xf32>
        %select_n3A = arith.select %and3A, %get3A_9, %broadcast_in_dim3A : vector<800x512xi1>, vector<800x512xf32>
        %reshape3A = vector.shape_cast %select_n3A : vector<800x512xf32> to vector<100x8x512xf32>
        %reduce_max3A = arith.constant dense<0xFF800000> : vector<8x512xf32>
        %reduce_max3A_40 = vector.multi_reduction <maximumf>, %reshape3A, %reduce_max3A [0] : vector<100x8x512xf32> to vector<8x512xf32>
        %reduce_max3A_41 = arith.constant dense<0xFF800000> : vector<512xf32>
        %reduce_max3A_42 = vector.multi_reduction <maximumf>, %reduce_max3A_40, %reduce_max3A_41 [0] : vector<8x512xf32> to vector<512xf32>
        %broadcast_in_dim3A_43 = vector.shape_cast %reduce_max3A_42 : vector<512xf32> to vector<1x512xf32>
        %get3A_44 = arith.constant 0 : index
        %get3A_45 = arith.constant 0 : index
        %get3A_46 = vector.load %arg5[%get3A_44, %get3A_45] : memref<64x512xf32, #tpu.memory_space<vmem>>, vector<64x512xf32>
        %eq3A_47 = vector.broadcast %while3A_30 : i32 to vector<64x512xi32>
        %eq3A_48 = arith.cmpi eq, %iota3A, %eq3A_47 : vector<64x512xi32>
        %broadcast_in_dim3A_49 = vector.shape_cast %broadcast_in_dim3A_43 : vector<1x512xf32> to vector<1x512xf32>
        %broadcast_in_dim3A_50 = vector.broadcast %broadcast_in_dim3A_49 : vector<1x512xf32> to vector<64x512xf32>
        %broadcast_in_dim3A_51 = vector.broadcast %cond3A_16 : f32 to vector<64x512xf32>
        %select_n3A_52 = arith.select %eq3A_48, %broadcast_in_dim3A_50, %broadcast_in_dim3A_51 : vector<64x512xi1>, vector<64x512xf32>
        %max3A = arith.maximumf %get3A_46, %select_n3A_52 : vector<64x512xf32>
        %swap3A = arith.constant 0 : index
        %swap3A_53 = arith.constant 0 : index
        %swap3A_54 = vector.load %arg5[%swap3A, %swap3A_53] : memref<64x512xf32, #tpu.memory_space<vmem>>, vector<64x512xf32>
        tpu.vector_store %arg5[%swap3A, %swap3A_53], %max3A {strides = array<i32>} : memref<64x512xf32, #tpu.memory_space<vmem>>, vector<64x512xf32>,
      }
    } else {
    }
    return
  }
  func.func @transform_0(%arg0: i32, %arg1: memref<65xi32, #tpu.memory_space<smem>>, %arg2: memref<125xi32, #tpu.memory_space<smem>>, %arg3: memref<125xi32, #tpu.memory_space<smem>>) -> (i32, i32) {
    %add3A = arith.constant 60 : i32
    %add3A_0 = arith.addi %arg0, %add3A : i32
    %c0_i32 = arith.constant 0 : i32
    %c0_i32_1 = arith.constant 0 : i32
    return %add3A_0, %c0_i32 : i32, i32
  }
  func.func @transform_1(%arg0: i32, %arg1: memref<65xi32, #tpu.memory_space<smem>>, %arg2: memref<125xi32, #tpu.memory_space<smem>>, %arg3: memref<125xi32, #tpu.memory_space<smem>>) -> (i32, i32) {
    %c0_i32 = arith.constant 0 : i32
    %c0_i32_0 = arith.constant 0 : i32
    %c0_i32_1 = arith.constant 0 : i32
    return %c0_i32, %c0_i32_0 : i32, i32
  }
}

module attributes {stable_mosaic.version = 14 : i64} {
  func.func @body(%arg0: memref<64x512xf32, #tpu.memory_space<vmem>>, %arg1: memref<64x512xf32, #tpu.memory_space<vmem>>, %arg2: memref<64x512xf32, #tpu.memory_space<vmem>>) attributes {dimension_semantics = [], scalar_prefetch = 0 : i64, scratch_operands = 0 : i64, tpu.core_type = #tpu.core_type<tc>} {
    %get3A = arith.constant 0 : index
    %get3A_0 = arith.constant 0 : index
    %get3A_1 = vector.load %arg0[%get3A, %get3A_0] : memref<64x512xf32, #tpu.memory_space<vmem>>, vector<64x512xf32>
    %get3A_2 = arith.constant 0 : index
    %get3A_3 = arith.constant 0 : index
    %get3A_4 = vector.load %arg1[%get3A_2, %get3A_3] : memref<64x512xf32, #tpu.memory_space<vmem>>, vector<64x512xf32>
    %max3A = arith.maximumf %get3A_1, %get3A_4 : vector<64x512xf32>
    %swap3A = arith.constant 0 : index
    %swap3A_5 = arith.constant 0 : index
    %swap3A_6 = vector.load %arg2[%swap3A, %swap3A_5] : memref<64x512xf32, #tpu.memory_space<vmem>>, vector<64x512xf32>
    tpu.vector_store %arg2[%swap3A, %swap3A_5], %max3A {strides = array<i32>} : memref<64x512xf32, #tpu.memory_space<vmem>>, vector<64x512xf32>,
    return
  }
}

</mosaic_0001>

<sc_bundles>
// kernel: kernel.5.cloned.1.call-start
scs
__scs_entry_jumppad:
0x0: {  	(pc) =	sbr.rel $0x88, $3  }
0x1: {  	(tag) =	ssettag $0x0;
	lr =	simm.s32 $0x1  }
0x2: {  	[smem:$0x3F9F] =	sst lr;
	_ =	strace $0xD0000000  }
0x3: {  	_ = 	snop  }
0x4: {  	_ = 	snop  }
0x5: {  	_ = 	snop  }
0x6: {  	_ = 	snop  }
0x7: {  	_ = 	snop  }
__scs_overlays_trampoline_lowered:
0x8: {  	[smem:$0x3FAE] =	sst s0  }
0x9: {  	[smem:$0x3FAF] =	sst s1  }
0xa: {  	[smem:$0x3FB0] =	sst s2  }
0xb: {  	[smem:$0x3FB1] =	sst s3  }
0xc: {  	[smem:$0x3FB2] =	sst s4  }
0xd: {  	[smem:$0x3FB3] =	sst s5  }
0xe: {  	[smem:$0x3FB4] =	sst s6  }
0xf: {  	[smem:$0x3FB5] =	sst s7  }
0x10: {  	[smem:$0x3FB6] =	sst s8  }
0x11: {  	[smem:$0x3FB7] =	sst s9;
	s0 =	simm.s32 @!p0 $0x0  }
0x12: {  	s1 =	sld [smem:$0x3F9D];
	s0 =	simm.s32 @p0 $0x1  }
0x13: {  	[smem:$0x3FB8] =	sst s0;
	s0 =	simm.s32 @!p1 $0x0  }
0x14: {  	s2 =	sld [smem:$0x3F9C];
	s0 =	simm.s32 @p1 $0x1  }
0x15: {  	[smem:$0x3FB9] =	sst s0;
	s0 =	simm.s32 @!p2 $0x0  }
0x16: {  	s3 =	sld [smem:$0x3FDB];
	s0 =	simm.s32 @p2 $0x1  }
0x17: {  	s4 =	simm.s32 $0x1BF5;
	[smem:$0x3FBB] =	sst s0  }
0x18: {  	s0 =	sld [smem:$0x3F9E];
	_ =	swait.ge [sflag:s4], $0x0  }
0x19: {  	s7 =	sld [smem:$0x3F9F]  }
0x1a: {  	s8 =	sadd.s32 $0xFFFFE003, lr  }
0x1b: {  	s9 =	sadd.s32 $0xFFFFFEF7, lr;
	s5 =	simm.s32 $0xFFFFFFFF;
	p2 =	slt.u32 s8, $0xFFFFF086  }
0x1c: {  	p1 =	slt.u32 s9, $0xF7A;
	s5 =	simm.s32 @!p2 $0x0  }
0x1d: {  	s5 =	simm.s32 @p1 $0x1;
	p0 =	seq.s32 s7, s2  }
0x1e: {  	s7 =	smul.u32 @!p0 $0xF7A, s2;
	p2 =	seq.s32 @!p0 s5, $0x0  }
0x1f: {  	s9 =	smul.u32 $0xF7A, s1;
	s8 =	simm.s32 @!p0 $0x1BF5;
	p2 =	por !p2, p0  }
0x20: {  	[sflag:s8] =	ssyncset.s32 @!p0 $0xFFFFF086;
	s6 =	sadd.s32 @!p0 s3, s7;
	s7 =	simm.s32 @!p0 $0x108  }
0x21: {  	s3 =	sadd.s32 s3, s9;
	s6 =	sadd.s32 @!p0 $0x88, s6;
	s7 =	simm.s32 @p2 $0x1082  }
0x22: {  	[simem:s7], [sflag:s8] =	dma.local @!p0 [hbm:s6], $0xF7A  }
0x23: {  	s9 =	sor.u32 $0xD0000000, s2;
	s6 =	simm.s32 $0x108;
	_ =	swait.ge @!p0 [sflag:s8], $0x0  }
0x24: {  	s3 =	sadd.s32 $0x88, s3;
	s6 =	simm.s32 @!p1 $0x1082;
	[sflag:s4] =	ssyncset.s32 $0xFFFFF086  }
0x25: {  	[simem:s6], [sflag:s4] =	dma.local [hbm:s3], $0xF7A  }
0x26: {  	[smem:$0x3F9F] =	sst s1;
	(tag) =	ssettag s2;
	_ =	strace s9  }
0x27: {  	s1 =	sld [smem:$0x3FAF]  }
0x28: {  	s2 =	sld [smem:$0x3FB0]  }
0x29: {  	s4 =	sld [smem:$0x3FB2]  }
0x2a: {  	p0 =	seq.s32 s5, $0x0;
	s5 =	sld [smem:$0x3FB3]  }
0x2b: {  	s6 =	sld [smem:$0x3FB4]  }
0x2c: {  	s7 =	sld [smem:$0x3FB5]  }
0x2d: {  	s3 =	simm.s32 $0x108;
	s8 =	sld [smem:$0x3FB6]  }
0x2e: {  	s3 =	simm.s32 @!p0 $0x1082;
	s9 =	sld [smem:$0x3FB7]  }
0x2f: {  	lr =	sadd.s32 s0, s3;
	s0 =	sld [smem:$0x3FAE]  }
0x30: {  	s3 =	sld [smem:$0x3FB1]  }
0x31: {  	[smem:$0x3FBA] =	sst s10  }
0x32: {  	s10 =	sld [smem:$0x3FB8];
	_ =	sdelay $0x3  }
0x33: {  	p0 =	seq.s32 s10, $0x1;
	s10 =	sld [smem:$0x3FBA];
	_ =	sdelay $0x3  }
0x34: {  	[smem:$0x3FBA] =	sst s10  }
0x35: {  	s10 =	sld [smem:$0x3FB9];
	_ =	sdelay $0x3  }
0x36: {  	p1 =	seq.s32 s10, $0x1;
	s10 =	sld [smem:$0x3FBA];
	_ =	sdelay $0x3  }
0x37: {  	[smem:$0x3FBA] =	sst s10  }
0x38: {  	s10 =	sld [smem:$0x3FBB]  }
0x39: {  	_ = 	snop;
	(pc) =	sbr.ind lr, $3  }
0x3a: {  	_ = 	snop  }
0x3b: {  	_ = 	snop  }
0x3c: {  	p2 =	seq.s32 s10, $0x1;
	s10 =	sld [smem:$0x3FBA]  }
0x3d: {  	_ =	shalt  }
0x3e: {  	_ =	shalt  }
0x3f: {  	_ =	shalt  }
0x40: {  	_ =	shalt  }
0x41: {  	_ =	shalt  }
0x42: {  	_ =	shalt  }
0x43: {  	_ =	shalt  }
0x44: {  	_ =	shalt  }
0x45: {  	_ =	shalt  }
0x46: {  	_ =	shalt  }
0x47: {  	_ =	shalt  }
0x48: {  	_ =	shalt  }
0x49: {  	_ =	shalt  }
0x4a: {  	_ =	shalt  }
0x4b: {  	_ =	shalt  }
0x4c: {  	_ =	shalt  }
0x4d: {  	_ =	shalt  }
0x4e: {  	_ =	shalt  }
0x4f: {  	_ =	shalt  }
0x50: {  	_ =	shalt  }
0x51: {  	_ =	shalt  }
0x52: {  	_ =	shalt  }
0x53: {  	_ =	shalt  }
0x54: {  	_ =	shalt  }
0x55: {  	_ =	shalt  }
0x56: {  	_ =	shalt  }
0x57: {  	_ =	shalt  }
0x58: {  	_ =	shalt  }
0x59: {  	_ =	shalt  }
0x5a: {  	_ =	shalt  }
0x5b: {  	_ =	shalt  }
0x5c: {  	_ =	shalt  }
0x5d: {  	_ =	shalt  }
0x5e: {  	_ =	shalt  }
0x5f: {  	_ =	shalt  }
0x60: {  	_ =	shalt  }
0x61: {  	_ =	shalt  }
0x62: {  	_ =	shalt  }
0x63: {  	_ =	shalt  }
0x64: {  	_ =	shalt  }
0x65: {  	_ =	shalt  }
0x66: {  	_ =	shalt  }
0x67: {  	_ =	shalt  }
0x68: {  	_ =	shalt  }
0x69: {  	_ =	shalt  }
0x6a: {  	_ =	shalt  }
0x6b: {  	_ =	shalt  }
0x6c: {  	_ =	shalt  }
0x6d: {  	_ =	shalt  }
0x6e: {  	_ =	shalt  }
0x6f: {  	_ =	shalt  }
0x70: {  	_ =	shalt  }
0x71: {  	_ =	shalt  }
0x72: {  	_ =	shalt  }
0x73: {  	_ =	shalt  }
0x74: {  	_ =	shalt  }
0x75: {  	_ =	shalt  }
0x76: {  	_ =	shalt  }
0x77: {  	_ =	shalt  }
0x78: {  	_ =	shalt  }
0x79: {  	_ =	shalt  }
0x7a: {  	_ =	shalt  }
0x7b: {  	_ =	shalt  }
0x7c: {  	_ =	shalt  }
0x7d: {  	_ =	shalt  }
0x7e: {  	_ =	shalt  }
0x7f: {  	_ =	shalt  }
0x80: {  	_ =	shalt  }
0x81: {  	_ =	shalt  }
0x82: {  	_ =	shalt  }
0x83: {  	_ =	shalt  }
0x84: {  	_ =	shalt  }
0x85: {  	_ =	shalt  }
0x86: {  	_ =	shalt  }
0x87: {  	_ =	shalt  }
.Lfunc_end0:
.L_simem_size_0:
called_computation_lowered:
.L_overlay_start_0:
0x88: {  	s2 =	sld [smem:$0x3FD9]  }
0x89: {  	s3 =	sld [smem:$0x3FFE];
	_ =	sdelay $0x1  }
0x8a: {  	s1 =	srdreg.scid  }
0x8b: {  	s0 =	sand.u32 $0x1, s1  }
0x8c: {  	s17 =	sshll.u32 s0, $0xA;
	s2 =	sadd.s32 s3, s2  }
0x8d: {  	s2 =	sadd.s32 s2, s17  }
0x8e: {  	[smem:$0x3FC6] =	sst s2  }
0x8f: {  	_ = 	snop  }
0x90: {  	s2 =	sld [smem:$0x3FC9]  }
0x91: {  	s18 =	sld [smem:$0x3FD0];
	(tm) =	ssettm $0x1  }
0x92: {  	s4 =	sld [smem:$0x3FFB];
	_ =	sdelay $0x3  }
0x93: {  	_ =	strace s4  }
0x94: {  	s4 =	sld [smem:$0x3FFC];
	_ =	sdelay $0x3  }
0x95: {  	_ =	strace s4  }
0x96: {  	s4 =	sld [smem:$0x3FFD];
	_ =	sdelay $0x3  }
0x97: {  	_ =	strace s4  }
0x98: {  	_ =	strace $0x8FFFFFFF  }
0x99: {  	s19 =	sld [smem:$0x3FDB];
	_ =	sdelay $0x1  }
0x9a: {  	s5 =	simm.s32 $_scs_section_size  }
0x9b: {  	s6 =	simm.s32 $_size__tile_overlayer_lowered;
	s7 =	simm.s32 $_tile_overlayer_lowered  }
0x9c: {  	s22 =	simm.s32 $0x1BFF;
	s21 =	sshll.u32 s7, $0x1;
	s4 =	sadd.s32 s5, s19  }
0x9d: {  	s8 =	simm.s32 $0x0;
	s20 =	sshll.u32 s6, $0x1;
	s6 =	sadd.s32 s21, s4  }
0x9e: {  	[timem:s8], [sflag:s22] =	dma.local [hbm:s6], s20  }
0x9f: {  	_ =	swait.ge [sflag:s22], s20  }
0xa0: {  	s5 =	ssub.s32 $0x0, s20;
	[sflag:s22] =	ssyncset.done $0x0  }
0xa1: {  	[sflag:s22] =	ssyncadd.s32 s5;
	_ =	sdelay $0x1  }
0xa2: {  	s23 =	simm.s32 $0x1B8B  }
0xa3: {  	_ =	swait.ge [sflag:s23], $0x1  }
0xa4: {  	[sflag:s23] =	ssyncset.done $0x0  }
0xa5: {  	s25 =	simm.s32 $0x1B8E;
	s24 =	sld [smem:$0x3FFE];
	[sflag:s23] =	ssyncadd.s32 $0xFFFFFFFF  }
0xa6: {  	s26 =	simm.s32 $execute0_lowered;
	[smem:$0x3FD2] =	sst s25  }
0xa7: {  	s6 =	sshll.u32 s26, $0x1;
	_ =	strace $0x80000046;
	[dreg:$0x1] =	wrdreg $0xFFFFFFFF  }
0xa8: {  	s28 =	simm.s32 $_size_execute0_lowered;
	s4 =	sadd.s32 s4, s6;
	[dreg:$0x0] =	wrdreg $0x0  }
0xa9: {  	s6 =	sshll.u32 s28, $0x1;
	[dreg:$0x2] =	wrdreg s4  }
0xaa: {  	[dreg:$0x3] =	wrdreg s6  }
0xab: {  	[dreg:$0x4] =	wrdreg $0xC0  }
0xac: {  	_ =	task [dreg:s8], $0x5FFFF  }
0xad: {  	[dreg:$0x1] =	wrdreg $0xFFFFFFFF  }
0xae: {  	[dreg:$0x0] =	wrdreg $0x60  }
0xaf: {  	[dreg:$0x2] =	wrdreg s2  }
0xb0: {  	[dreg:$0x3] =	wrdreg s24  }
0xb1: {  	[dreg:$0x4] =	wrdreg s18  }
0xb2: {  	[dreg:$0x5] =	wrdreg $0x9  }
0xb3: {  	_ =	task.clear_ibuf [dreg:s8], $0x6FFFF;
	_ =	strace $0x90000046  }
0xb4: {  	s29 =	simm.s32 $0x9;
	_ =	strace $0x80000048  }
0xb5: {  	_ =	swait.ge [sflag:s29], $0x1  }
0xb6: {  	[sflag:s29] =	ssyncadd.s32 $0xFFFFFFFF  }
0xb7: {  	_ =	strace $0x90000048  }
0xb8: {  	_ =	sfence  }
0xb9: {  	s30 =	sld [smem:$0x0];
	_ =	sdelay $0x2  }
0xba: {  	s31 =	sshll.u32 s1, $0xD;
	s1 =	sshrl.u32 s1, $0x2  }
0xbb: {  	s3 =	sand.u32 $0x4000, s31;
	s1 =	sadd.s32 s1, s30  }
0xbc: {  	s0 =	sor.u32 s3, s0;
	s1 =	sshll.u32 s1, $0x11  }
0xbd: {  	s0 =	sor.u32 s1, s0  }
0xbe: {  	s0 =	sadd.s32 $0x8F2B, s0  }
0xbf: {  	[sflag:s0] =	ssyncadd.remote.s32 $0x1  }
0xc0: {  	_ =	sfence.sel $0xFFFF  }
0xc1: {  	[dreg:$0x0] =	wrdreg $0xFFFFFFFF;
	(pc) =	sbr.abs _section_cstart, $3  }
0xc2: {  	[dreg:$0x1] =	wrdreg $0xFFFFFFFF  }
0xc3: {  	_ =	task.clear_ibuf [dreg:s8], $0x2FFFF;
	_ =	strace $0x9FFFFFFF  }
0xc4: {  	(tm) =	ssettm $0x7FFFFFFF  }
0xc5: {  	_ =	shalt  }
tec
execute0_lowered:
.L_overlay_start_1:
0x0: {  	(tag) =	ssettag $0x1  }
0x1: {  	s1 =	rddreg [dreg:$0x0]  }
0x2: {  	s5 =	rddreg [dreg:$0x1]  }
0x3: {  	s8 =	rddreg [dreg:$0x2]  }
0x4: {  	s0 =	rddreg [dreg:$0x3]  }
0x5: {  	s3 =	simm.s32 $0x0;
	s4 =	srdreg.scid;
	s2 =	stileid.u32  }
0x6: {  	s12 =	simm.s32 $0x10080;
	s13 =	simm.s32 $0x3;
	s14 =	simm.s32 $0x0  }
0x7: {  	[smem:$0x7FF] =	sst s3;
	s6 =	sand.u32 $0x1, s4;
	s31 =	sshll.u32 s2, $0x1  }
.Ltmp0:
0x8: {  	s5 =	sadd.s32 $0x400, s5;
	s4 =	sor.u32 s6, s31;
	(pc) =	sbr.rel .LBB2_1-.Ltmp0, $4  }
0x9: {  	_ =	strace $0x80000047;
	s7 =	ssub.s32 $0x2, s6;
	s6 =	sor.u32 $0x20, s4  }
0xa: {  	s9 =	sshrl.u32 s7, $0x1;
	s10 =	sshll.u32 s4, $0x6;
	s11 =	sshll.u32 s6, $0x6  }
0xb: {  	s9 =	ssub.s32 s7, s9;
	s7 =	sadd.s32 s8, s10;
	s10 =	simm.s32 $0x4  }
0xc: {  	s8 =	sadd.s32 s8, s11;
	s9 =	smax.u32 s9, $0x1;
	s11 =	simm.s32 $0x1  }
.LBB2_23:
0xd: {  	[tilespmem:$0x10080] =	vst v0  }
0xe: {  	[tilespmem:$0x10090] =	vst v30  }
0xf: {  	[tilespmem:$0x100A0] =	vst v31  }
0x10: {  	[tilespmem:$0x100B0] =	vst v29  }
0x11: {  	[tilespmem:$0x100C0] =	vst v27  }
0x12: {  	[tilespmem:$0x100D0] =	vst v28  }
0x13: {  	[tilespmem:$0x100E0] =	vst v26  }
0x14: {  	[tilespmem:$0x100F0] =	vst v24  }
0x15: {  	[tilespmem:$0x10100] =	vst v25  }
0x16: {  	[tilespmem:$0x10110] =	vst v22  }
0x17: {  	[tilespmem:$0x10120] =	vst v18  }
0x18: {  	[tilespmem:$0x10130] =	vst v23  }
0x19: {  	[tilespmem:$0x10140] =	vst v19  }
0x1a: {  	[tilespmem:$0x10150] =	vst v14  }
0x1b: {  	[tilespmem:$0x10160] =	vst v20  }
0x1c: {  	[tilespmem:$0x10170] =	vst v15  }
0x1d: {  	[tilespmem:$0x10180] =	vst v11  }
0x1e: {  	[tilespmem:$0x10190] =	vst v21  }
0x1f: {  	[tilespmem:$0x101A0] =	vst v16  }
0x20: {  	[tilespmem:$0x101B0] =	vst v12  }
0x21: {  	[tilespmem:$0x101C0] =	vst v17  }
0x22: {  	[tilespmem:$0x101D0] =	vst v13  }
0x23: {  	[tilespmem:$0x101E0] =	vst v9  }
0x24: {  	[tilespmem:$0x101F0] =	vst v10  }
0x25: {  	[tilespmem:$0x10200] =	vst v8  }
0x26: {  	[tilespmem:$0x10210] =	vst v6  }
0x27: {  	[tilespmem:$0x10220] =	vst v7  }
0x28: {  	[tilespmem:$0x10230] =	vst v5  }
0x29: {  	[tilespmem:$0x10240] =	vst v4  }
0x2a: {  	[tilespmem:$0x10250] =	vst v3;
	s14 =	sadd.s32 $0x1, s14  }
0x2b: {  	[tilespmem:$0x10260] =	vst v2;
	p0 =	sne.s32 s14, s9  }
.Ltmp1:
0x2c: {  	[tilespmem:$0x10270] =	vst v1;
	(pc) =	sbr.rel @!p0 .LBB2_24-.Ltmp1, $4  }
0x2d: {  	[hbm4b:s8+s3] =	stream.linear.scatter [tilespmem:s12], [sflag:$0x3], $0x200, $0x38;
	[tilespmem:$0x10280] =	vst v63  }
0x2e: {  	_ =	swait.ge [sflag:s13], $0x200  }
0x2f: {  	[sflag:s13] =	ssyncset.done $0x0  }
0x30: {  	[sflag:s13] =	ssyncadd.s32 $0xFFFFFE00  }
.LBB2_1:
0x31: {  	[tilespmem:s3], [sflag:$0x4] =	stream.linear.gather [hbm4b:s5+s3], $0x80, $0x38;
	[tilespmem:$0x10280] =	vst v63  }
0x32: {  	_ =	swait.ge [sflag:s10], $0x80  }
0x33: {  	[sflag:s10] =	ssyncset.done $0x0  }
0x34: {  	[sflag:s10] =	ssyncadd.s32 $0xFFFFFF80  }
0x35: {  	v0 =	vld [tilespmem:s4+$0x0];
	_ =	sdelay $0x4  }
0x36: {  	(v2sf) =	vpush v0, $0x0;
	_ =	sdelay $0x6  }
0x37: {  	(v2sf) =	vpush v0, $0x1;
	_ =	sdelay $0x7  }
0x38: {  	s15 =	spop (v2sf)  }
0x39: {  	p0 =	slt.s32 s15, $0xBB80  }
0x3a: {  	p1 =	slt.s32 s15, $0x1;
	s15 =	simm.s32 @!p0 $0xBB80  }
0x3b: {  	s16 =	sand.u32 $0x7, s15  }
0x3c: {  	s17 =	sshra.s32 s15, $0x1F;
	p2 =	sne.s32 s16, $0x0  }
0x3d: {  	s25 =	sshrl.u32 s17, $0x1D;
	p0 =	por !p1, !p2  }
0x3e: {  	s18 =	simm.s32 $0x1;
	s17 =	sadd.s32 s25, s15;
	p0 =	por !p0, !p0  }
0x3f: {  	s16 =	spop (v2sf);
	s17 =	sshrl.u32 s17, $0x3;
	s18 =	simm.s32 @!p0 $0x0  }
0x40: {  	p0 =	slt.s32 s16, $0xBB80;
	s17 =	ssub.s32 s17, s18  }
0x41: {  	s16 =	simm.s32 @!p0 $0xBB80;
	s17 =	sshll.u32 s17, $0x3  }
0x42: {  	s26 =	ssub.s32 s16, s17  }
0x43: {  	s18 =	sadd.s32 $0x3F, s26  }
0x44: {  	s19 =	sand.u32 $0x3F, s18  }
0x45: {  	s20 =	sshra.s32 s18, $0x1F;
	p3 =	slt.s32 s18, $0x1;
	p4 =	sne.s32 s19, $0x0  }
0x46: {  	s28 =	sshrl.u32 s20, $0x1A;
	p0 =	por !p3, !p4  }
0x47: {  	s19 =	simm.s32 $0x1;
	s18 =	sadd.s32 s28, s18;
	p0 =	por !p0, !p0  }
0x48: {  	s18 =	sshra.s32 s18, $0x6;
	s19 =	simm.s32 @!p0 $0x0  }
0x49: {  	s18 =	ssub.s32 s18, s19  }
0x4a: {  	p0 =	slt.s32 s18, $0x1  }
0x4b: {  	p1 =	slt.s32 @!p0 s17, $0x18660  }
0x4c: {  	s19 =	smov.u32 s17;
	p1 =	por !p1, p0  }
0x4d: {  	s29 =	sadd.s32 $0x1, s18;
	p5 =	slt.s32 s18, $0x0;
	s19 =	simm.s32 @p1 $0x18660  }
0x4e: {  	s20 =	simm.s32 @!p0 $0x0;
	s30 =	sand.u32 $0x1, s29;
	s19 =	sshll.u32 @!p0 s19, $0x6  }
0x4f: {  	s21 =	simm.s32 @!p0 $0x80;
	p6 =	seq.s32 s30, $0x1;
	s19 =	sadd.s32 @!p0 s1, s19  }
0x50: {  	v32 =	vimm.f32 $-Inf;
	v30 =	vimm.f32 $-Inf;
	v31 =	vimm.f32 $-Inf;
	[tilespmem:s21], [sflag:$0x1] =	stream.linear.gather @!p0 [hbm4b:s19+s20], $0x8000, $0x38;
	[tilespmem:$0x10280] =	vst v63  }
0x51: {  	v29 =	vimm.f32 $-Inf;
	v27 =	vimm.f32 $-Inf;
	v28 =	vimm.f32 $-Inf;
	s31 =	sshrl.u32 s29, $0x1F;
	p0 =	por !p5, !p6  }
0x52: {  	v26 =	vimm.f32 $-Inf;
	v24 =	vimm.f32 $-Inf;
	v25 =	vimm.f32 $-Inf;
	s19 =	sadd.s32 s31, s29;
	s20 =	simm.s32 $0x1;
	p0 =	por !p0, !p0  }
0x53: {  	v22 =	vimm.f32 $-Inf;
	v18 =	vimm.f32 $-Inf;
	v23 =	vimm.f32 $-Inf;
	s19 =	sshra.s32 s19, $0x1;
	s20 =	simm.s32 @!p0 $0x0  }
0x54: {  	v19 =	vimm.f32 $-Inf;
	v14 =	vimm.f32 $-Inf;
	v20 =	vimm.f32 $-Inf;
	s19 =	ssub.s32 s19, s20  }
0x55: {  	v15 =	vimm.f32 $-Inf;
	v11 =	vimm.f32 $-Inf;
	v21 =	vimm.f32 $-Inf;
	p0 =	slt.s32 s19, $0x1  }
.Ltmp2:
0x56: {  	v16 =	vimm.f32 $-Inf;
	v12 =	vimm.f32 $-Inf;
	v17 =	vimm.f32 $-Inf;
	(pc) =	sbr.rel @p0 .LBB2_12-.Ltmp2, $4  }
0x57: {  	v13 =	vimm.f32 $-Inf;
	v9 =	vimm.f32 $-Inf;
	v10 =	vimm.f32 $-Inf  }
0x58: {  	v8 =	vimm.f32 $-Inf;
	v6 =	vimm.f32 $-Inf;
	v7 =	vimm.f32 $-Inf  }
0x59: {  	v5 =	vimm.f32 $-Inf;
	v4 =	vimm.f32 $-Inf;
	v3 =	vimm.f32 $-Inf  }
0x5a: {  	v2 =	vimm.f32 $-Inf;
	v1 =	vimm.f32 $-Inf;
	v0 =	vimm.f32 $-Inf  }
0x5b: {  	v1 =	vimm.f32 $-Inf;
	v2 =	vimm.f32 $-Inf  }
0x5c: {  	v3 =	vimm.f32 $-Inf;
	v4 =	vimm.f32 $-Inf;
	v5 =	vimm.f32 $-Inf  }
0x5d: {  	v7 =	vimm.f32 $-Inf;
	v6 =	vimm.f32 $-Inf;
	v8 =	vimm.f32 $-Inf  }
0x5e: {  	v10 =	vimm.f32 $-Inf;
	v9 =	vimm.f32 $-Inf;
	v13 =	vimm.f32 $-Inf  }
0x5f: {  	v17 =	vimm.f32 $-Inf;
	v12 =	vimm.f32 $-Inf;
	v16 =	vimm.f32 $-Inf  }
0x60: {  	v21 =	vimm.f32 $-Inf;
	v11 =	vimm.f32 $-Inf;
	v15 =	vimm.f32 $-Inf  }
.Ltmp3:
0x61: {  	v20 =	vimm.f32 $-Inf;
	v14 =	vimm.f32 $-Inf;
	v19 =	vimm.f32 $-Inf;
	(pc) =	sbr.rel .LBB2_3-.Ltmp3, $4  }
0x62: {  	v23 =	vimm.f32 $-Inf;
	v18 =	vimm.f32 $-Inf;
	v22 =	vimm.f32 $-Inf  }
0x63: {  	v25 =	vimm.f32 $-Inf;
	v24 =	vimm.f32 $-Inf;
	v26 =	vimm.f32 $-Inf  }
0x64: {  	v28 =	vimm.f32 $-Inf;
	v27 =	vimm.f32 $-Inf;
	v29 =	vimm.f32 $-Inf  }
0x65: {  	s20 =	sadd.s32 $0x40, s17;
	s21 =	simm.s32 $0x0;
	s22 =	smov.u32 s17;
	v31 =	vimm.f32 $-Inf;
	v30 =	vimm.f32 $-Inf;
	v32 =	vimm.f32 $-Inf  }
.LBB2_10:
0x66: {  	v38 =	vld [tilespmem:s24+$0x8CD0]  }
0x67: {  	v39 =	vld [tilespmem:s24+$0x8CE0];
	_ =	sdelay $0x2  }
0x68: {  	v8 =	vmax.f32 v8, v33  }
0x69: {  	v6 =	vmax.f32 v6, v34;
	v7 =	vmax.f32 v7, v35;
	v5 =	vmax.f32 v5, v36  }
0x6a: {  	v4 =	vmax.f32 v4, v37;
	v3 =	vmax.f32 v3, v38;
	v2 =	vmax.f32 v2, v39  }
.LBB2_11:
0x6b: {  	s21 =	sadd.s32 $0x1, s21  }
0x6c: {  	p0 =	sne.s32 s21, s19  }
.Ltmp4:
0x6d: {  	_ = 	snop;
	(pc) =	sbr.rel @!p0 .LBB2_12-.Ltmp4, $2  }
0x6e: {  	_ =	sdelay $0x2  }
0x6f: {  	s22 =	sadd.s32 $0x80, s22;
	s20 =	sadd.s32 $0x80, s20  }
.LBB2_3:
0x70: {  	s23 =	sshllo.u32 s21, $0x1  }
0x71: {  	p0 =	sge.s32 s23, s18  }
0x72: {  	s24 =	sshll.u32 @!p0 s23, $0x6  }
0x73: {  	s24 =	sadd.s32 @!p0 s17, s24  }
0x74: {  	p1 =	slt.s32 @!p0 s24, $0x18660  }
0x75: {  	p1 =	por !p1, p0  }
0x76: {  	s24 =	simm.s32 @p1 $0x18660  }
0x77: {  	s31 =	sshll.u32 s21, $0x7;
	s24 =	sshll.u32 @!p0 s24, $0x6  }
0x78: {  	s25 =	simm.s32 @!p0 $0x0;
	s26 =	simm.s32 @!p0 $0x8080;
	s24 =	sadd.s32 @!p0 s1, s24  }
0x79: {  	[tilespmem:s26], [sflag:$0x2] =	stream.linear.gather @!p0 [hbm4b:s24+s25], $0x8000, $0x38;
	[tilespmem:$0x10280] =	vst v63  }
0x7a: {  	s24 =	sadd.s32 s17, s31  }
0x7b: {  	p1 =	slt.s32 s24, $0x18660  }
0x7c: {  	s24 =	simm.s32 @!p1 $0x18660  }
0x7d: {  	s26 =	ssub.s32 s15, s24;
	s24 =	ssub.s32 s16, s24  }
0x7e: {  	p1 =	sgt.s32 s26, $0x0;
	p2 =	slt.s32 s24, $0x40  }
0x7f: {  	s26 =	simm.s32 @!p1 $0x0;
	s24 =	simm.s32 @!p2 $0x40  }
0x80: {  	p1 =	sge.s32 s26, s24  }
.Ltmp5:
0x81: {  	_ = 	snop;
	(pc) =	sbr.rel @p1 .LBB2_7-.Ltmp5, $4  }
0x82: {  	_ = 	snop  }
0x83: {  	_ =	swait.ge [sflag:s11], $0x8000  }
0x84: {  	[sflag:s11] =	ssyncset.done $0x0  }
0x85: {  	[sflag:s11] =	ssyncadd.s32 $0xFFFF8000  }
0x86: {  	p1 =	slt.s32 s22, $0x18660;
	s25 =	smov.u32 s22  }
0x87: {  	s25 =	simm.s32 @!p1 $0x18660  }
0x88: {  	s25 =	ssub.s32 s15, s25  }
0x89: {  	p1 =	sgt.s32 s25, $0x0  }
0x8a: {  	s25 =	simm.s32 @!p1 $0x0  }
0x8b: {  	s28 =	sshll.u32 s25, $0x7;
	s29 =	sshll.u32 s25, $0x9  }
0x8c: {  	s25 =	sand.u32 $0x7FFFF000, s29;
	s30 =	sand.u32 $0x380, s28  }
0x8d: {  	s25 =	sor.u32 s30, s25  }
0x8e: {  	v33 =	vld [tilespmem:s25+$0xCF0]  }
0x8f: {  	v34 =	vld [tilespmem:s25+$0x80]  }
0x90: {  	v35 =	vld [tilespmem:s25+$0x90]  }
0x91: {  	v36 =	vld [tilespmem:s25+$0xA0]  }
0x92: {  	v37 =	vld [tilespmem:s25+$0xB0]  }
0x93: {  	v38 =	vld [tilespmem:s25+$0xC0]  }
0x94: {  	v39 =	vld [tilespmem:s25+$0xD0]  }
0x95: {  	v40 =	vld [tilespmem:s25+$0xE0]  }
0x96: {  	v41 =	vld [tilespmem:s25+$0xF0]  }
0x97: {  	v42 =	vld [tilespmem:s25+$0x480]  }
0x98: {  	v43 =	vld [tilespmem:s25+$0x490]  }
0x99: {  	v44 =	vld [tilespmem:s25+$0x4A0]  }
0x9a: {  	v45 =	vld [tilespmem:s25+$0x4B0]  }
0x9b: {  	v46 =	vld [tilespmem:s25+$0x4C0]  }
0x9c: {  	v47 =	vld [tilespmem:s25+$0x4D0]  }
0x9d: {  	v48 =	vld [tilespmem:s25+$0x4E0]  }
0x9e: {  	v49 =	vld [tilespmem:s25+$0x4F0]  }
0x9f: {  	v50 =	vld [tilespmem:s25+$0x880]  }
0xa0: {  	v51 =	vld [tilespmem:s25+$0x890]  }
0xa1: {  	v52 =	vld [tilespmem:s25+$0x8A0]  }
0xa2: {  	v53 =	vld [tilespmem:s25+$0x8B0]  }
0xa3: {  	v54 =	vld [tilespmem:s25+$0x8C0];
	v1 =	vmax.f32 v1, v33  }
0xa4: {  	v55 =	vld [tilespmem:s25+$0x8D0];
	v32 =	vmax.f32 v32, v34;
	v30 =	vmax.f32 v30, v35;
	v31 =	vmax.f32 v31, v36  }
0xa5: {  	s26 =	sadd.s32 $0x1, s26;
	v62 =	vld [tilespmem:s25+$0x8E0];
	v29 =	vmax.f32 v29, v37;
	v27 =	vmax.f32 v27, v38;
	v28 =	vmax.f32 v28, v39  }
0xa6: {  	p1 =	slt.s32 s26, s24;
	v63 =	vld [tilespmem:s25+$0x8F0];
	v26 =	vmax.f32 v26, v40;
	v24 =	vmax.f32 v24, v41;
	v25 =	vmax.f32 v25, v42  }
.Ltmp6:
0xa7: {  	v22 =	vmax.f32 v22, v43;
	v18 =	vmax.f32 v18, v44;
	v23 =	vmax.f32 v23, v45;
	v33 =	vld [tilespmem:s25+$0xC80];
	(pc) =	sbr.rel @!p1 .LBB2_6-.Ltmp6, $4  }
0xa8: {  	v19 =	vmax.f32 v19, v46;
	v14 =	vmax.f32 v14, v47;
	v20 =	vmax.f32 v20, v48;
	v34 =	vld [tilespmem:s25+$0xC90]  }
0xa9: {  	v15 =	vmax.f32 v15, v49;
	v11 =	vmax.f32 v11, v50;
	v21 =	vmax.f32 v21, v51;
	v35 =	vld [tilespmem:s25+$0xCA0]  }
0xaa: {  	v16 =	vmax.f32 v16, v52;
	v12 =	vmax.f32 v12, v53;
	v17 =	vmax.f32 v17, v54;
	v36 =	vld [tilespmem:s25+$0xCB0]  }
0xab: {  	s28 =	sadd.s32 $0x80, s28;
	s29 =	sadd.s32 $0x200, s29;
	v13 =	vmax.f32 v13, v55;
	v9 =	vmax.f32 v9, v62;
	v10 =	vmax.f32 v10, v63;
	v37 =	vld [tilespmem:s25+$0xCC0]  }
.LBB2_5:
0xac: {  	s30 =	sand.u32 $0x7FFFF000, s29;
	s31 =	sand.u32 $0x380, s28;
	s26 =	sadd.s32 $0x1, s26;
	v8 =	vmax.f32 v8, v33;
	v33 =	vld [tilespmem:s25+$0xCD0]  }
0xad: {  	p1 =	slt.s32 s26, s24;
	v6 =	vmax.f32 v6, v34;
	v34 =	vld [tilespmem:s25+$0xCE0];
	s25 =	sor.u32 s31, s30  }
0xae: {  	v38 =	vld [tilespmem:s25+$0xCF0];
	v7 =	vmax.f32 v7, v35  }
0xaf: {  	v35 =	vld [tilespmem:s25+$0x80];
	v5 =	vmax.f32 v5, v36  }
0xb0: {  	v36 =	vld [tilespmem:s25+$0x90];
	v4 =	vmax.f32 v4, v37  }
0xb1: {  	v37 =	vld [tilespmem:s25+$0xA0];
	v3 =	vmax.f32 v3, v33  }
0xb2: {  	v33 =	vld [tilespmem:s25+$0xB0];
	v2 =	vmax.f32 v2, v34  }
0xb3: {  	v34 =	vld [tilespmem:s25+$0xC0];
	v1 =	vmax.f32 v1, v38  }
0xb4: {  	v32 =	vmax.f32 v32, v35;
	v35 =	vld [tilespmem:s25+$0xD0]  }
0xb5: {  	v30 =	vmax.f32 v30, v36;
	v36 =	vld [tilespmem:s25+$0xE0]  }
0xb6: {  	v31 =	vmax.f32 v31, v37;
	v37 =	vld [tilespmem:s25+$0xF0]  }
0xb7: {  	v29 =	vmax.f32 v29, v33;
	v33 =	vld [tilespmem:s25+$0x480]  }
0xb8: {  	v27 =	vmax.f32 v27, v34;
	v34 =	vld [tilespmem:s25+$0x490]  }
0xb9: {  	v28 =	vmax.f32 v28, v35;
	v35 =	vld [tilespmem:s25+$0x4A0]  }
0xba: {  	v26 =	vmax.f32 v26, v36;
	v36 =	vld [tilespmem:s25+$0x4B0]  }
0xbb: {  	v24 =	vmax.f32 v24, v37;
	v37 =	vld [tilespmem:s25+$0x4C0]  }
0xbc: {  	v25 =	vmax.f32 v25, v33;
	v33 =	vld [tilespmem:s25+$0x4D0]  }
0xbd: {  	v22 =	vmax.f32 v22, v34;
	v34 =	vld [tilespmem:s25+$0x4E0]  }
0xbe: {  	v18 =	vmax.f32 v18, v35;
	v35 =	vld [tilespmem:s25+$0x4F0]  }
0xbf: {  	v23 =	vmax.f32 v23, v36;
	v36 =	vld [tilespmem:s25+$0x880]  }
0xc0: {  	v19 =	vmax.f32 v19, v37;
	v37 =	vld [tilespmem:s25+$0x890]  }
0xc1: {  	v14 =	vmax.f32 v14, v33;
	v33 =	vld [tilespmem:s25+$0x8A0]  }
0xc2: {  	v20 =	vmax.f32 v20, v34;
	v34 =	vld [tilespmem:s25+$0x8B0]  }
0xc3: {  	v15 =	vmax.f32 v15, v35;
	v35 =	vld [tilespmem:s25+$0x8C0]  }
0xc4: {  	v11 =	vmax.f32 v11, v36;
	v36 =	vld [tilespmem:s25+$0x8D0]  }
0xc5: {  	v21 =	vmax.f32 v21, v37;
	v37 =	vld [tilespmem:s25+$0x8E0]  }
0xc6: {  	v16 =	vmax.f32 v16, v33;
	v38 =	vld [tilespmem:s25+$0x8F0]  }
.Ltmp7:
0xc7: {  	v12 =	vmax.f32 v12, v34;
	v33 =	vld [tilespmem:s25+$0xC80];
	(pc) =	sbr.rel @p1 .LBB2_5-.Ltmp7, $4  }
0xc8: {  	v17 =	vmax.f32 v17, v35;
	v34 =	vld [tilespmem:s25+$0xC90]  }
0xc9: {  	v13 =	vmax.f32 v13, v36;
	v35 =	vld [tilespmem:s25+$0xCA0]  }
0xca: {  	v9 =	vmax.f32 v9, v37;
	v36 =	vld [tilespmem:s25+$0xCB0]  }
0xcb: {  	s28 =	sadd.s32 $0x80, s28;
	s29 =	sadd.s32 $0x200, s29;
	v10 =	vmax.f32 v10, v38;
	v37 =	vld [tilespmem:s25+$0xCC0]  }
.LBB2_6:
0xcc: {  	v38 =	vld [tilespmem:s25+$0xCD0]  }
0xcd: {  	v39 =	vld [tilespmem:s25+$0xCE0];
	_ =	sdelay $0x2  }
0xce: {  	v8 =	vmax.f32 v8, v33  }
0xcf: {  	v6 =	vmax.f32 v6, v34;
	v7 =	vmax.f32 v7, v35;
	v5 =	vmax.f32 v5, v36  }
0xd0: {  	v4 =	vmax.f32 v4, v37;
	v3 =	vmax.f32 v3, v38;
	v2 =	vmax.f32 v2, v39  }
.LBB2_7:
0xd1: {  	s24 =	sshll.u32 s21, $0x1  }
0xd2: {  	s24 =	sadd.s32 $0x2, s24  }
0xd3: {  	p1 =	sge.s32 s24, s18  }
0xd4: {  	s24 =	sshll.u32 @!p1 s24, $0x6  }
0xd5: {  	s24 =	sadd.s32 @!p1 s17, s24  }
0xd6: {  	p2 =	slt.s32 @!p1 s24, $0x18660  }
0xd7: {  	p2 =	por !p2, p1  }
0xd8: {  	s23 =	sshll.u32 s23, $0x6;
	s24 =	simm.s32 @p2 $0x18660  }
0xd9: {  	s23 =	sadd.s32 s17, s23;
	s24 =	sshll.u32 @!p1 s24, $0x6  }
0xda: {  	s25 =	simm.s32 @!p1 $0x0;
	s26 =	simm.s32 @!p1 $0x80;
	s24 =	sadd.s32 @!p1 s1, s24  }
0xdb: {  	[tilespmem:s26], [sflag:$0x1] =	stream.linear.gather @!p1 [hbm4b:s24+s25], $0x8000, $0x38;
	[tilespmem:$0x10280] =	vst v63  }
0xdc: {  	p1 =	slt.s32 s23, $0x18660  }
0xdd: {  	s23 =	simm.s32 @!p1 $0x18660  }
0xde: {  	s25 =	ssub.s32 s15, s23;
	s23 =	ssub.s32 s16, s23  }
0xdf: {  	p1 =	sgt.s32 s25, $0x0;
	p2 =	slt.s32 s23, $0x40  }
0xe0: {  	s25 =	simm.s32 @!p1 $0x0;
	s23 =	simm.s32 @!p2 $0x40  }
0xe1: {  	p1 =	sge.s32 s25, s23  }
.Ltmp8:
0xe2: {  	_ = 	snop;
	(pc) =	sbr.rel @p1 .LBB2_11-.Ltmp8, $4  }
0xe3: {  	s24 =	simm.s32 @!p0 $0x2  }
0xe4: {  	_ =	swait.ge @!p0 [sflag:s24], $0x8000  }
0xe5: {  	[sflag:s24] =	ssyncset.done @!p0 $0x0  }
0xe6: {  	[sflag:s24] =	ssyncadd.s32 @!p0 $0xFFFF8000  }
0xe7: {  	p0 =	slt.s32 s20, $0x18660;
	s24 =	smov.u32 s20  }
0xe8: {  	s24 =	simm.s32 @!p0 $0x18660  }
0xe9: {  	s24 =	ssub.s32 s15, s24  }
0xea: {  	p0 =	sgt.s32 s24, $0x0  }
0xeb: {  	s24 =	simm.s32 @!p0 $0x0  }
0xec: {  	s26 =	sshll.u32 s24, $0x7;
	s28 =	sshll.u32 s24, $0x9  }
0xed: {  	s24 =	sand.u32 $0x7FFFF000, s28;
	s29 =	sand.u32 $0x380, s26  }
0xee: {  	s24 =	sor.u32 s29, s24  }
0xef: {  	v33 =	vld [tilespmem:s24+$0x8CF0]  }
0xf0: {  	v34 =	vld [tilespmem:s24+$0x8080]  }
0xf1: {  	v35 =	vld [tilespmem:s24+$0x8090]  }
0xf2: {  	v36 =	vld [tilespmem:s24+$0x80A0]  }
0xf3: {  	v37 =	vld [tilespmem:s24+$0x80B0]  }
0xf4: {  	v38 =	vld [tilespmem:s24+$0x80C0]  }
0xf5: {  	v39 =	vld [tilespmem:s24+$0x80D0]  }
0xf6: {  	v40 =	vld [tilespmem:s24+$0x80E0]  }
0xf7: {  	v41 =	vld [tilespmem:s24+$0x80F0]  }
0xf8: {  	v42 =	vld [tilespmem:s24+$0x8480]  }
0xf9: {  	v43 =	vld [tilespmem:s24+$0x8490]  }
0xfa: {  	v44 =	vld [tilespmem:s24+$0x84A0]  }
0xfb: {  	v45 =	vld [tilespmem:s24+$0x84B0]  }
0xfc: {  	v46 =	vld [tilespmem:s24+$0x84C0]  }
0xfd: {  	v47 =	vld [tilespmem:s24+$0x84D0]  }
0xfe: {  	v48 =	vld [tilespmem:s24+$0x84E0]  }
0xff: {  	v49 =	vld [tilespmem:s24+$0x84F0]  }
0x100: {  	v50 =	vld [tilespmem:s24+$0x8880]  }
0x101: {  	v51 =	vld [tilespmem:s24+$0x8890]  }
0x102: {  	v52 =	vld [tilespmem:s24+$0x88A0]  }
0x103: {  	v53 =	vld [tilespmem:s24+$0x88B0]  }
0x104: {  	v54 =	vld [tilespmem:s24+$0x88C0];
	v1 =	vmax.f32 v1, v33  }
0x105: {  	v55 =	vld [tilespmem:s24+$0x88D0];
	v32 =	vmax.f32 v32, v34;
	v30 =	vmax.f32 v30, v35;
	v31 =	vmax.f32 v31, v36  }
0x106: {  	s25 =	sadd.s32 $0x1, s25;
	v62 =	vld [tilespmem:s24+$0x88E0];
	v29 =	vmax.f32 v29, v37;
	v27 =	vmax.f32 v27, v38;
	v28 =	vmax.f32 v28, v39  }
0x107: {  	p0 =	slt.s32 s25, s23;
	v63 =	vld [tilespmem:s24+$0x88F0];
	v26 =	vmax.f32 v26, v40;
	v24 =	vmax.f32 v24, v41;
	v25 =	vmax.f32 v25, v42  }
.Ltmp9:
0x108: {  	v22 =	vmax.f32 v22, v43;
	v18 =	vmax.f32 v18, v44;
	v23 =	vmax.f32 v23, v45;
	v33 =	vld [tilespmem:s24+$0x8C80];
	(pc) =	sbr.rel @!p0 .LBB2_10-.Ltmp9, $4  }
0x109: {  	v19 =	vmax.f32 v19, v46;
	v14 =	vmax.f32 v14, v47;
	v20 =	vmax.f32 v20, v48;
	v34 =	vld [tilespmem:s24+$0x8C90]  }
0x10a: {  	v15 =	vmax.f32 v15, v49;
	v11 =	vmax.f32 v11, v50;
	v21 =	vmax.f32 v21, v51;
	v35 =	vld [tilespmem:s24+$0x8CA0]  }
0x10b: {  	v16 =	vmax.f32 v16, v52;
	v12 =	vmax.f32 v12, v53;
	v17 =	vmax.f32 v17, v54;
	v36 =	vld [tilespmem:s24+$0x8CB0]  }
0x10c: {  	s26 =	sadd.s32 $0x80, s26;
	s28 =	sadd.s32 $0x200, s28;
	v13 =	vmax.f32 v13, v55;
	v9 =	vmax.f32 v9, v62;
	v10 =	vmax.f32 v10, v63;
	v37 =	vld [tilespmem:s24+$0x8CC0]  }
.LBB2_9:
0x10d: {  	s29 =	sand.u32 $0x7FFFF000, s28;
	s30 =	sand.u32 $0x380, s26;
	s25 =	sadd.s32 $0x1, s25;
	v8 =	vmax.f32 v8, v33;
	v33 =	vld [tilespmem:s24+$0x8CD0]  }
0x10e: {  	v6 =	vmax.f32 v6, v34;
	p0 =	slt.s32 s25, s23;
	v34 =	vld [tilespmem:s24+$0x8CE0];
	s24 =	sor.u32 s30, s29  }
0x10f: {  	v7 =	vmax.f32 v7, v35;
	v38 =	vld [tilespmem:s24+$0x8CF0]  }
0x110: {  	v5 =	vmax.f32 v5, v36;
	v35 =	vld [tilespmem:s24+$0x8080]  }
0x111: {  	v4 =	vmax.f32 v4, v37;
	v36 =	vld [tilespmem:s24+$0x8090]  }
0x112: {  	v37 =	vld [tilespmem:s24+$0x80A0];
	v3 =	vmax.f32 v3, v33  }
0x113: {  	v33 =	vld [tilespmem:s24+$0x80B0];
	v2 =	vmax.f32 v2, v34  }
0x114: {  	v34 =	vld [tilespmem:s24+$0x80C0];
	v1 =	vmax.f32 v1, v38  }
0x115: {  	v32 =	vmax.f32 v32, v35;
	v35 =	vld [tilespmem:s24+$0x80D0]  }
0x116: {  	v30 =	vmax.f32 v30, v36;
	v36 =	vld [tilespmem:s24+$0x80E0]  }
0x117: {  	v31 =	vmax.f32 v31, v37;
	v37 =	vld [tilespmem:s24+$0x80F0]  }
0x118: {  	v29 =	vmax.f32 v29, v33;
	v33 =	vld [tilespmem:s24+$0x8480]  }
0x119: {  	v27 =	vmax.f32 v27, v34;
	v34 =	vld [tilespmem:s24+$0x8490]  }
0x11a: {  	v28 =	vmax.f32 v28, v35;
	v35 =	vld [tilespmem:s24+$0x84A0]  }
0x11b: {  	v26 =	vmax.f32 v26, v36;
	v36 =	vld [tilespmem:s24+$0x84B0]  }
0x11c: {  	v24 =	vmax.f32 v24, v37;
	v37 =	vld [tilespmem:s24+$0x84C0]  }
0x11d: {  	v25 =	vmax.f32 v25, v33;
	v33 =	vld [tilespmem:s24+$0x84D0]  }
0x11e: {  	v22 =	vmax.f32 v22, v34;
	v34 =	vld [tilespmem:s24+$0x84E0]  }
0x11f: {  	v18 =	vmax.f32 v18, v35;
	v35 =	vld [tilespmem:s24+$0x84F0]  }
0x120: {  	v23 =	vmax.f32 v23, v36;
	v36 =	vld [tilespmem:s24+$0x8880]  }
0x121: {  	v19 =	vmax.f32 v19, v37;
	v37 =	vld [tilespmem:s24+$0x8890]  }
0x122: {  	v14 =	vmax.f32 v14, v33;
	v33 =	vld [tilespmem:s24+$0x88A0]  }
0x123: {  	v20 =	vmax.f32 v20, v34;
	v34 =	vld [tilespmem:s24+$0x88B0]  }
0x124: {  	v15 =	vmax.f32 v15, v35;
	v35 =	vld [tilespmem:s24+$0x88C0]  }
0x125: {  	v11 =	vmax.f32 v11, v36;
	v36 =	vld [tilespmem:s24+$0x88D0]  }
0x126: {  	v21 =	vmax.f32 v21, v37;
	v37 =	vld [tilespmem:s24+$0x88E0]  }
0x127: {  	v16 =	vmax.f32 v16, v33;
	v38 =	vld [tilespmem:s24+$0x88F0]  }
.Ltmp10:
0x128: {  	v12 =	vmax.f32 v12, v34;
	v33 =	vld [tilespmem:s24+$0x8C80];
	(pc) =	sbr.rel @p0 .LBB2_9-.Ltmp10, $4  }
0x129: {  	v17 =	vmax.f32 v17, v35;
	v34 =	vld [tilespmem:s24+$0x8C90]  }
0x12a: {  	v13 =	vmax.f32 v13, v36;
	v35 =	vld [tilespmem:s24+$0x8CA0]  }
0x12b: {  	v9 =	vmax.f32 v9, v37;
	v36 =	vld [tilespmem:s24+$0x8CB0]  }
0x12c: {  	s26 =	sadd.s32 $0x80, s26;
	s28 =	sadd.s32 $0x200, s28;
	v10 =	vmax.f32 v10, v38;
	v37 =	vld [tilespmem:s24+$0x8CC0]  }
.Ltmp11:
0x12d: {  	_ = 	snop;
	(pc) =	sbr.rel .LBB2_10-.Ltmp11, $1  }
0x12e: {  	_ =	sdelay $0x3  }
.LBB2_12:
0x12f: {  	[tilespmem:$0x10080] =	vst v32  }
0x130: {  	[tilespmem:$0x10090] =	vst v30  }
0x131: {  	[tilespmem:$0x100A0] =	vst v31  }
0x132: {  	[tilespmem:$0x100B0] =	vst v29  }
0x133: {  	[tilespmem:$0x100C0] =	vst v27  }
0x134: {  	[tilespmem:$0x100D0] =	vst v28  }
0x135: {  	[tilespmem:$0x100E0] =	vst v26  }
0x136: {  	[tilespmem:$0x100F0] =	vst v24  }
0x137: {  	[tilespmem:$0x10100] =	vst v25  }
0x138: {  	[tilespmem:$0x10110] =	vst v22  }
0x139: {  	[tilespmem:$0x10120] =	vst v18  }
0x13a: {  	[tilespmem:$0x10130] =	vst v23  }
0x13b: {  	[tilespmem:$0x10140] =	vst v19  }
0x13c: {  	[tilespmem:$0x10150] =	vst v14  }
0x13d: {  	[tilespmem:$0x10160] =	vst v20  }
0x13e: {  	[tilespmem:$0x10170] =	vst v15  }
0x13f: {  	[tilespmem:$0x10180] =	vst v11  }
0x140: {  	[tilespmem:$0x10190] =	vst v21  }
0x141: {  	[tilespmem:$0x101A0] =	vst v16  }
0x142: {  	[tilespmem:$0x101B0] =	vst v12  }
0x143: {  	[tilespmem:$0x101C0] =	vst v17  }
0x144: {  	[tilespmem:$0x101D0] =	vst v13  }
0x145: {  	[tilespmem:$0x101E0] =	vst v9  }
0x146: {  	[tilespmem:$0x101F0] =	vst v10  }
0x147: {  	[tilespmem:$0x10200] =	vst v8  }
0x148: {  	[tilespmem:$0x10210] =	vst v6  }
0x149: {  	[tilespmem:$0x10220] =	vst v7  }
0x14a: {  	[tilespmem:$0x10230] =	vst v5  }
0x14b: {  	[tilespmem:$0x10240] =	vst v4  }
0x14c: {  	[tilespmem:$0x10250] =	vst v3  }
0x14d: {  	[tilespmem:$0x10260] =	vst v2  }
0x14e: {  	[tilespmem:$0x10270] =	vst v1  }
0x14f: {  	[hbm4b:s7+s3] =	stream.linear.scatter [tilespmem:s12], [sflag:$0x3], $0x200, $0x38;
	[tilespmem:$0x10280] =	vst v63  }
0x150: {  	_ =	swait.ge [sflag:s13], $0x200  }
0x151: {  	[sflag:s13] =	ssyncset.done $0x0  }
0x152: {  	[sflag:s13] =	ssyncadd.s32 $0xFFFFFE00  }
0x153: {  	v1 =	vld [tilespmem:s6+$0x0];
	_ =	sdelay $0x4  }
0x154: {  	(v2sf) =	vpush v1, $0x0;
	_ =	sdelay $0x6  }
0x155: {  	(v2sf) =	vpush v1, $0x1;
	_ =	sdelay $0x7  }
0x156: {  	s15 =	spop (v2sf)  }
0x157: {  	p0 =	slt.s32 s15, $0xBB80  }
0x158: {  	p1 =	slt.s32 s15, $0x1;
	s15 =	simm.s32 @!p0 $0xBB80  }
0x159: {  	s16 =	sand.u32 $0x7, s15  }
0x15a: {  	s17 =	sshra.s32 s15, $0x1F;
	p2 =	sne.s32 s16, $0x0  }
0x15b: {  	s25 =	sshrl.u32 s17, $0x1D;
	p0 =	por !p1, !p2  }
0x15c: {  	s18 =	simm.s32 $0x1;
	s17 =	sadd.s32 s25, s15;
	p0 =	por !p0, !p0  }
0x15d: {  	s16 =	spop (v2sf);
	s17 =	sshrl.u32 s17, $0x3;
	s18 =	simm.s32 @!p0 $0x0  }
0x15e: {  	p0 =	slt.s32 s16, $0xBB80;
	s17 =	ssub.s32 s17, s18  }
0x15f: {  	s16 =	simm.s32 @!p0 $0xBB80;
	s17 =	sshll.u32 s17, $0x3  }
0x160: {  	s26 =	ssub.s32 s16, s17  }
0x161: {  	s18 =	sadd.s32 $0x3F, s26  }
0x162: {  	s19 =	sand.u32 $0x3F, s18  }
0x163: {  	s20 =	sshra.s32 s18, $0x1F;
	p3 =	slt.s32 s18, $0x1;
	p4 =	sne.s32 s19, $0x0  }
0x164: {  	s28 =	sshrl.u32 s20, $0x1A;
	p0 =	por !p3, !p4  }
0x165: {  	s19 =	simm.s32 $0x1;
	s18 =	sadd.s32 s28, s18;
	p0 =	por !p0, !p0  }
0x166: {  	s18 =	sshra.s32 s18, $0x6;
	s19 =	simm.s32 @!p0 $0x0  }
0x167: {  	s18 =	ssub.s32 s18, s19  }
0x168: {  	p0 =	slt.s32 s18, $0x1  }
0x169: {  	p1 =	slt.s32 @!p0 s17, $0x18660  }
0x16a: {  	s19 =	smov.u32 s17;
	p1 =	por !p1, p0  }
0x16b: {  	s29 =	sadd.s32 $0x1, s18;
	p5 =	slt.s32 s18, $0x0;
	s19 =	simm.s32 @p1 $0x18660  }
0x16c: {  	s20 =	simm.s32 @!p0 $0x0;
	s30 =	sand.u32 $0x1, s29;
	s19 =	sshll.u32 @!p0 s19, $0x6  }
0x16d: {  	s21 =	simm.s32 @!p0 $0x80;
	p6 =	seq.s32 s30, $0x1;
	s19 =	sadd.s32 @!p0 s1, s19  }
0x16e: {  	v30 =	vimm.f32 $-Inf;
	[tilespmem:s21], [sflag:$0x1] =	stream.linear.gather @!p0 [hbm4b:s19+s20], $0x8000, $0x38;
	[tilespmem:$0x10280] =	vst v63  }
0x16f: {  	v31 =	vimm.f32 $-Inf;
	v29 =	vimm.f32 $-Inf;
	v27 =	vimm.f32 $-Inf;
	s31 =	sshrl.u32 s29, $0x1F;
	p0 =	por !p5, !p6  }
0x170: {  	v28 =	vimm.f32 $-Inf;
	v26 =	vimm.f32 $-Inf;
	v24 =	vimm.f32 $-Inf;
	s19 =	sadd.s32 s31, s29;
	s20 =	simm.s32 $0x1;
	p0 =	por !p0, !p0  }
0x171: {  	v25 =	vimm.f32 $-Inf;
	v22 =	vimm.f32 $-Inf;
	v18 =	vimm.f32 $-Inf;
	s19 =	sshra.s32 s19, $0x1;
	s20 =	simm.s32 @!p0 $0x0  }
0x172: {  	v23 =	vimm.f32 $-Inf;
	v19 =	vimm.f32 $-Inf;
	v14 =	vimm.f32 $-Inf;
	s19 =	ssub.s32 s19, s20  }
0x173: {  	v20 =	vimm.f32 $-Inf;
	v15 =	vimm.f32 $-Inf;
	v11 =	vimm.f32 $-Inf;
	p0 =	slt.s32 s19, $0x1  }
.Ltmp12:
0x174: {  	v21 =	vimm.f32 $-Inf;
	v16 =	vimm.f32 $-Inf;
	v12 =	vimm.f32 $-Inf;
	(pc) =	sbr.rel @p0 .LBB2_23-.Ltmp12, $4  }
0x175: {  	v17 =	vimm.f32 $-Inf;
	v13 =	vimm.f32 $-Inf;
	v9 =	vimm.f32 $-Inf  }
0x176: {  	v10 =	vimm.f32 $-Inf;
	v8 =	vimm.f32 $-Inf;
	v6 =	vimm.f32 $-Inf  }
0x177: {  	v7 =	vimm.f32 $-Inf;
	v5 =	vimm.f32 $-Inf;
	v4 =	vimm.f32 $-Inf  }
0x178: {  	v3 =	vimm.f32 $-Inf;
	v2 =	vimm.f32 $-Inf;
	v1 =	vimm.f32 $-Inf  }
0x179: {  	v1 =	vimm.f32 $-Inf;
	v2 =	vimm.f32 $-Inf  }
0x17a: {  	v3 =	vimm.f32 $-Inf;
	v4 =	vimm.f32 $-Inf;
	v5 =	vimm.f32 $-Inf  }
0x17b: {  	v7 =	vimm.f32 $-Inf;
	v6 =	vimm.f32 $-Inf;
	v8 =	vimm.f32 $-Inf  }
0x17c: {  	v10 =	vimm.f32 $-Inf;
	v9 =	vimm.f32 $-Inf;
	v13 =	vimm.f32 $-Inf  }
0x17d: {  	v17 =	vimm.f32 $-Inf;
	v12 =	vimm.f32 $-Inf;
	v16 =	vimm.f32 $-Inf  }
0x17e: {  	v21 =	vimm.f32 $-Inf;
	v11 =	vimm.f32 $-Inf;
	v15 =	vimm.f32 $-Inf  }
.Ltmp13:
0x17f: {  	v20 =	vimm.f32 $-Inf;
	v14 =	vimm.f32 $-Inf;
	v19 =	vimm.f32 $-Inf;
	(pc) =	sbr.rel .LBB2_14-.Ltmp13, $4  }
0x180: {  	v23 =	vimm.f32 $-Inf;
	v18 =	vimm.f32 $-Inf;
	v22 =	vimm.f32 $-Inf  }
0x181: {  	v25 =	vimm.f32 $-Inf;
	v24 =	vimm.f32 $-Inf;
	v26 =	vimm.f32 $-Inf  }
0x182: {  	v28 =	vimm.f32 $-Inf;
	v27 =	vimm.f32 $-Inf;
	v29 =	vimm.f32 $-Inf  }
0x183: {  	s20 =	sadd.s32 $0x40, s17;
	s21 =	simm.s32 $0x0;
	s22 =	smov.u32 s17;
	v31 =	vimm.f32 $-Inf;
	v30 =	vimm.f32 $-Inf;
	v0 =	vimm.f32 $-Inf  }
.LBB2_21:
0x184: {  	v37 =	vld [tilespmem:s24+$0x8CD0]  }
0x185: {  	v38 =	vld [tilespmem:s24+$0x8CE0];
	_ =	sdelay $0x2  }
0x186: {  	v8 =	vmax.f32 v8, v32  }
0x187: {  	v6 =	vmax.f32 v6, v33;
	v7 =	vmax.f32 v7, v34;
	v5 =	vmax.f32 v5, v35  }
0x188: {  	v4 =	vmax.f32 v4, v36;
	v3 =	vmax.f32 v3, v37;
	v2 =	vmax.f32 v2, v38  }
.LBB2_22:
0x189: {  	s21 =	sadd.s32 $0x1, s21  }
0x18a: {  	p0 =	sne.s32 s21, s19  }
.Ltmp14:
0x18b: {  	_ = 	snop;
	(pc) =	sbr.rel @!p0 .LBB2_23-.Ltmp14, $2  }
0x18c: {  	_ =	sdelay $0x2  }
0x18d: {  	s22 =	sadd.s32 $0x80, s22;
	s20 =	sadd.s32 $0x80, s20  }
.LBB2_14:
0x18e: {  	s23 =	sshllo.u32 s21, $0x1  }
0x18f: {  	p0 =	sge.s32 s23, s18  }
0x190: {  	s24 =	sshll.u32 @!p0 s23, $0x6  }
0x191: {  	s24 =	sadd.s32 @!p0 s17, s24  }
0x192: {  	p1 =	slt.s32 @!p0 s24, $0x18660  }
0x193: {  	p1 =	por !p1, p0  }
0x194: {  	s24 =	simm.s32 @p1 $0x18660  }
0x195: {  	s31 =	sshll.u32 s21, $0x7;
	s24 =	sshll.u32 @!p0 s24, $0x6  }
0x196: {  	s25 =	simm.s32 @!p0 $0x0;
	s26 =	simm.s32 @!p0 $0x8080;
	s24 =	sadd.s32 @!p0 s1, s24  }
0x197: {  	[tilespmem:s26], [sflag:$0x2] =	stream.linear.gather @!p0 [hbm4b:s24+s25], $0x8000, $0x38;
	[tilespmem:$0x10280] =	vst v63  }
0x198: {  	s24 =	sadd.s32 s17, s31  }
0x199: {  	p1 =	slt.s32 s24, $0x18660  }
0x19a: {  	s24 =	simm.s32 @!p1 $0x18660  }
0x19b: {  	s26 =	ssub.s32 s15, s24;
	s24 =	ssub.s32 s16, s24  }
0x19c: {  	p1 =	sgt.s32 s26, $0x0;
	p2 =	slt.s32 s24, $0x40  }
0x19d: {  	s26 =	simm.s32 @!p1 $0x0;
	s24 =	simm.s32 @!p2 $0x40  }
0x19e: {  	p1 =	sge.s32 s26, s24  }
.Ltmp15:
0x19f: {  	_ = 	snop;
	(pc) =	sbr.rel @p1 .LBB2_18-.Ltmp15, $4  }
0x1a0: {  	_ = 	snop  }
0x1a1: {  	_ =	swait.ge [sflag:s11], $0x8000  }
0x1a2: {  	[sflag:s11] =	ssyncset.done $0x0  }
0x1a3: {  	[sflag:s11] =	ssyncadd.s32 $0xFFFF8000  }
0x1a4: {  	p1 =	slt.s32 s22, $0x18660;
	s25 =	smov.u32 s22  }
0x1a5: {  	s25 =	simm.s32 @!p1 $0x18660  }
0x1a6: {  	s25 =	ssub.s32 s15, s25  }
0x1a7: {  	p1 =	sgt.s32 s25, $0x0  }
0x1a8: {  	s25 =	simm.s32 @!p1 $0x0  }
0x1a9: {  	s28 =	sshll.u32 s25, $0x7;
	s29 =	sshll.u32 s25, $0x9  }
0x1aa: {  	s25 =	sand.u32 $0x7FFFF000, s29;
	s30 =	sand.u32 $0x380, s28  }
0x1ab: {  	s25 =	sor.u32 s30, s25  }
0x1ac: {  	v32 =	vld [tilespmem:s25+$0xCF0]  }
0x1ad: {  	v33 =	vld [tilespmem:s25+$0x80]  }
0x1ae: {  	v34 =	vld [tilespmem:s25+$0x90]  }
0x1af: {  	v35 =	vld [tilespmem:s25+$0xA0]  }
0x1b0: {  	v36 =	vld [tilespmem:s25+$0xB0]  }
0x1b1: {  	v37 =	vld [tilespmem:s25+$0xC0]  }
0x1b2: {  	v38 =	vld [tilespmem:s25+$0xD0]  }
0x1b3: {  	v39 =	vld [tilespmem:s25+$0xE0]  }
0x1b4: {  	v40 =	vld [tilespmem:s25+$0xF0]  }
0x1b5: {  	v41 =	vld [tilespmem:s25+$0x480]  }
0x1b6: {  	v42 =	vld [tilespmem:s25+$0x490]  }
0x1b7: {  	v43 =	vld [tilespmem:s25+$0x4A0]  }
0x1b8: {  	v44 =	vld [tilespmem:s25+$0x4B0]  }
0x1b9: {  	v45 =	vld [tilespmem:s25+$0x4C0]  }
0x1ba: {  	v46 =	vld [tilespmem:s25+$0x4D0]  }
0x1bb: {  	v47 =	vld [tilespmem:s25+$0x4E0]  }
0x1bc: {  	v48 =	vld [tilespmem:s25+$0x4F0]  }
0x1bd: {  	v49 =	vld [tilespmem:s25+$0x880]  }
0x1be: {  	v50 =	vld [tilespmem:s25+$0x890]  }
0x1bf: {  	v51 =	vld [tilespmem:s25+$0x8A0]  }
0x1c0: {  	v52 =	vld [tilespmem:s25+$0x8B0]  }
0x1c1: {  	v53 =	vld [tilespmem:s25+$0x8C0];
	v1 =	vmax.f32 v1, v32  }
0x1c2: {  	v54 =	vld [tilespmem:s25+$0x8D0];
	v0 =	vmax.f32 v0, v33;
	v30 =	vmax.f32 v30, v34;
	v31 =	vmax.f32 v31, v35  }
0x1c3: {  	s26 =	sadd.s32 $0x1, s26;
	v62 =	vld [tilespmem:s25+$0x8E0];
	v29 =	vmax.f32 v29, v36;
	v27 =	vmax.f32 v27, v37;
	v28 =	vmax.f32 v28, v38  }
0x1c4: {  	p1 =	slt.s32 s26, s24;
	v63 =	vld [tilespmem:s25+$0x8F0];
	v26 =	vmax.f32 v26, v39;
	v24 =	vmax.f32 v24, v40;
	v25 =	vmax.f32 v25, v41  }
.Ltmp16:
0x1c5: {  	v22 =	vmax.f32 v22, v42;
	v18 =	vmax.f32 v18, v43;
	v23 =	vmax.f32 v23, v44;
	v32 =	vld [tilespmem:s25+$0xC80];
	(pc) =	sbr.rel @!p1 .LBB2_17-.Ltmp16, $4  }
0x1c6: {  	v19 =	vmax.f32 v19, v45;
	v14 =	vmax.f32 v14, v46;
	v20 =	vmax.f32 v20, v47;
	v33 =	vld [tilespmem:s25+$0xC90]  }
0x1c7: {  	v15 =	vmax.f32 v15, v48;
	v11 =	vmax.f32 v11, v49;
	v21 =	vmax.f32 v21, v50;
	v34 =	vld [tilespmem:s25+$0xCA0]  }
0x1c8: {  	v16 =	vmax.f32 v16, v51;
	v12 =	vmax.f32 v12, v52;
	v17 =	vmax.f32 v17, v53;
	v35 =	vld [tilespmem:s25+$0xCB0]  }
0x1c9: {  	s28 =	sadd.s32 $0x80, s28;
	s29 =	sadd.s32 $0x200, s29;
	v13 =	vmax.f32 v13, v54;
	v9 =	vmax.f32 v9, v62;
	v10 =	vmax.f32 v10, v63;
	v36 =	vld [tilespmem:s25+$0xCC0]  }
.LBB2_16:
0x1ca: {  	s30 =	sand.u32 $0x7FFFF000, s29;
	s31 =	sand.u32 $0x380, s28;
	s26 =	sadd.s32 $0x1, s26;
	v8 =	vmax.f32 v8, v32;
	v32 =	vld [tilespmem:s25+$0xCD0]  }
0x1cb: {  	p1 =	slt.s32 s26, s24;
	v6 =	vmax.f32 v6, v33;
	v33 =	vld [tilespmem:s25+$0xCE0];
	s25 =	sor.u32 s31, s30  }
0x1cc: {  	v37 =	vld [tilespmem:s25+$0xCF0];
	v7 =	vmax.f32 v7, v34  }
0x1cd: {  	v34 =	vld [tilespmem:s25+$0x80];
	v5 =	vmax.f32 v5, v35  }
0x1ce: {  	v35 =	vld [tilespmem:s25+$0x90];
	v4 =	vmax.f32 v4, v36  }
0x1cf: {  	v36 =	vld [tilespmem:s25+$0xA0];
	v3 =	vmax.f32 v3, v32  }
0x1d0: {  	v32 =	vld [tilespmem:s25+$0xB0];
	v2 =	vmax.f32 v2, v33  }
0x1d1: {  	v33 =	vld [tilespmem:s25+$0xC0];
	v1 =	vmax.f32 v1, v37  }
0x1d2: {  	v0 =	vmax.f32 v0, v34;
	v34 =	vld [tilespmem:s25+$0xD0]  }
0x1d3: {  	v30 =	vmax.f32 v30, v35;
	v35 =	vld [tilespmem:s25+$0xE0]  }
0x1d4: {  	v31 =	vmax.f32 v31, v36;
	v36 =	vld [tilespmem:s25+$0xF0]  }
0x1d5: {  	v29 =	vmax.f32 v29, v32;
	v32 =	vld [tilespmem:s25+$0x480]  }
0x1d6: {  	v27 =	vmax.f32 v27, v33;
	v33 =	vld [tilespmem:s25+$0x490]  }
0x1d7: {  	v28 =	vmax.f32 v28, v34;
	v34 =	vld [tilespmem:s25+$0x4A0]  }
0x1d8: {  	v26 =	vmax.f32 v26, v35;
	v35 =	vld [tilespmem:s25+$0x4B0]  }
0x1d9: {  	v24 =	vmax.f32 v24, v36;
	v36 =	vld [tilespmem:s25+$0x4C0]  }
0x1da: {  	v25 =	vmax.f32 v25, v32;
	v32 =	vld [tilespmem:s25+$0x4D0]  }
0x1db: {  	v22 =	vmax.f32 v22, v33;
	v33 =	vld [tilespmem:s25+$0x4E0]  }
0x1dc: {  	v18 =	vmax.f32 v18, v34;
	v34 =	vld [tilespmem:s25+$0x4F0]  }
0x1dd: {  	v23 =	vmax.f32 v23, v35;
	v35 =	vld [tilespmem:s25+$0x880]  }
0x1de: {  	v19 =	vmax.f32 v19, v36;
	v36 =	vld [tilespmem:s25+$0x890]  }
0x1df: {  	v14 =	vmax.f32 v14, v32;
	v32 =	vld [tilespmem:s25+$0x8A0]  }
0x1e0: {  	v20 =	vmax.f32 v20, v33;
	v33 =	vld [tilespmem:s25+$0x8B0]  }
0x1e1: {  	v15 =	vmax.f32 v15, v34;
	v34 =	vld [tilespmem:s25+$0x8C0]  }
0x1e2: {  	v11 =	vmax.f32 v11, v35;
	v35 =	vld [tilespmem:s25+$0x8D0]  }
0x1e3: {  	v21 =	vmax.f32 v21, v36;
	v36 =	vld [tilespmem:s25+$0x8E0]  }
0x1e4: {  	v16 =	vmax.f32 v16, v32;
	v37 =	vld [tilespmem:s25+$0x8F0]  }
.Ltmp17:
0x1e5: {  	v12 =	vmax.f32 v12, v33;
	v32 =	vld [tilespmem:s25+$0xC80];
	(pc) =	sbr.rel @p1 .LBB2_16-.Ltmp17, $4  }
0x1e6: {  	v17 =	vmax.f32 v17, v34;
	v33 =	vld [tilespmem:s25+$0xC90]  }
0x1e7: {  	v13 =	vmax.f32 v13, v35;
	v34 =	vld [tilespmem:s25+$0xCA0]  }
0x1e8: {  	v9 =	vmax.f32 v9, v36;
	v35 =	vld [tilespmem:s25+$0xCB0]  }
0x1e9: {  	s28 =	sadd.s32 $0x80, s28;
	s29 =	sadd.s32 $0x200, s29;
	v10 =	vmax.f32 v10, v37;
	v36 =	vld [tilespmem:s25+$0xCC0]  }
.LBB2_17:
0x1ea: {  	v37 =	vld [tilespmem:s25+$0xCD0]  }
0x1eb: {  	v38 =	vld [tilespmem:s25+$0xCE0];
	_ =	sdelay $0x2  }
0x1ec: {  	v8 =	vmax.f32 v8, v32  }
0x1ed: {  	v6 =	vmax.f32 v6, v33;
	v7 =	vmax.f32 v7, v34;
	v5 =	vmax.f32 v5, v35  }
0x1ee: {  	v4 =	vmax.f32 v4, v36;
	v3 =	vmax.f32 v3, v37;
	v2 =	vmax.f32 v2, v38  }
.LBB2_18:
0x1ef: {  	s24 =	sshll.u32 s21, $0x1  }
0x1f0: {  	s24 =	sadd.s32 $0x2, s24  }
0x1f1: {  	p1 =	sge.s32 s24, s18  }
0x1f2: {  	s24 =	sshll.u32 @!p1 s24, $0x6  }
0x1f3: {  	s24 =	sadd.s32 @!p1 s17, s24  }
0x1f4: {  	p2 =	slt.s32 @!p1 s24, $0x18660  }
0x1f5: {  	p2 =	por !p2, p1  }
0x1f6: {  	s23 =	sshll.u32 s23, $0x6;
	s24 =	simm.s32 @p2 $0x18660  }
0x1f7: {  	s23 =	sadd.s32 s17, s23;
	s24 =	sshll.u32 @!p1 s24, $0x6  }
0x1f8: {  	s25 =	simm.s32 @!p1 $0x0;
	s26 =	simm.s32 @!p1 $0x80;
	s24 =	sadd.s32 @!p1 s1, s24  }
0x1f9: {  	[tilespmem:s26], [sflag:$0x1] =	stream.linear.gather @!p1 [hbm4b:s24+s25], $0x8000, $0x38;
	[tilespmem:$0x10280] =	vst v63  }
0x1fa: {  	p1 =	slt.s32 s23, $0x18660  }
0x1fb: {  	s23 =	simm.s32 @!p1 $0x18660  }
0x1fc: {  	s25 =	ssub.s32 s15, s23;
	s23 =	ssub.s32 s16, s23  }
0x1fd: {  	p1 =	sgt.s32 s25, $0x0;
	p2 =	slt.s32 s23, $0x40  }
0x1fe: {  	s25 =	simm.s32 @!p1 $0x0;
	s23 =	simm.s32 @!p2 $0x40  }
0x1ff: {  	p1 =	sge.s32 s25, s23  }
.Ltmp18:
0x200: {  	_ = 	snop;
	(pc) =	sbr.rel @p1 .LBB2_22-.Ltmp18, $4  }
0x201: {  	s24 =	simm.s32 @!p0 $0x2  }
0x202: {  	_ =	swait.ge @!p0 [sflag:s24], $0x8000  }
0x203: {  	[sflag:s24] =	ssyncset.done @!p0 $0x0  }
0x204: {  	[sflag:s24] =	ssyncadd.s32 @!p0 $0xFFFF8000  }
0x205: {  	p0 =	slt.s32 s20, $0x18660;
	s24 =	smov.u32 s20  }
0x206: {  	s24 =	simm.s32 @!p0 $0x18660  }
0x207: {  	s24 =	ssub.s32 s15, s24  }
0x208: {  	p0 =	sgt.s32 s24, $0x0  }
0x209: {  	s24 =	simm.s32 @!p0 $0x0  }
0x20a: {  	s26 =	sshll.u32 s24, $0x7;
	s28 =	sshll.u32 s24, $0x9  }
0x20b: {  	s24 =	sand.u32 $0x7FFFF000, s28;
	s29 =	sand.u32 $0x380, s26  }
0x20c: {  	s24 =	sor.u32 s29, s24  }
0x20d: {  	v32 =	vld [tilespmem:s24+$0x8CF0]  }
0x20e: {  	v33 =	vld [tilespmem:s24+$0x8080]  }
0x20f: {  	v34 =	vld [tilespmem:s24+$0x8090]  }
0x210: {  	v35 =	vld [tilespmem:s24+$0x80A0]  }
0x211: {  	v36 =	vld [tilespmem:s24+$0x80B0]  }
0x212: {  	v37 =	vld [tilespmem:s24+$0x80C0]  }
0x213: {  	v38 =	vld [tilespmem:s24+$0x80D0]  }
0x214: {  	v39 =	vld [tilespmem:s24+$0x80E0]  }
0x215: {  	v40 =	vld [tilespmem:s24+$0x80F0]  }
0x216: {  	v41 =	vld [tilespmem:s24+$0x8480]  }
0x217: {  	v42 =	vld [tilespmem:s24+$0x8490]  }
0x218: {  	v43 =	vld [tilespmem:s24+$0x84A0]  }
0x219: {  	v44 =	vld [tilespmem:s24+$0x84B0]  }
0x21a: {  	v45 =	vld [tilespmem:s24+$0x84C0]  }
0x21b: {  	v46 =	vld [tilespmem:s24+$0x84D0]  }
0x21c: {  	v47 =	vld [tilespmem:s24+$0x84E0]  }
0x21d: {  	v48 =	vld [tilespmem:s24+$0x84F0]  }
0x21e: {  	v49 =	vld [tilespmem:s24+$0x8880]  }
0x21f: {  	v50 =	vld [tilespmem:s24+$0x8890]  }
0x220: {  	v51 =	vld [tilespmem:s24+$0x88A0]  }
0x221: {  	v52 =	vld [tilespmem:s24+$0x88B0]  }
0x222: {  	v53 =	vld [tilespmem:s24+$0x88C0];
	v1 =	vmax.f32 v1, v32  }
0x223: {  	v54 =	vld [tilespmem:s24+$0x88D0];
	v0 =	vmax.f32 v0, v33;
	v30 =	vmax.f32 v30, v34;
	v31 =	vmax.f32 v31, v35  }
0x224: {  	s25 =	sadd.s32 $0x1, s25;
	v62 =	vld [tilespmem:s24+$0x88E0];
	v29 =	vmax.f32 v29, v36;
	v27 =	vmax.f32 v27, v37;
	v28 =	vmax.f32 v28, v38  }
0x225: {  	p0 =	slt.s32 s25, s23;
	v63 =	vld [tilespmem:s24+$0x88F0];
	v26 =	vmax.f32 v26, v39;
	v24 =	vmax.f32 v24, v40;
	v25 =	vmax.f32 v25, v41  }
.Ltmp19:
0x226: {  	v22 =	vmax.f32 v22, v42;
	v18 =	vmax.f32 v18, v43;
	v23 =	vmax.f32 v23, v44;
	v32 =	vld [tilespmem:s24+$0x8C80];
	(pc) =	sbr.rel @!p0 .LBB2_21-.Ltmp19, $4  }
0x227: {  	v19 =	vmax.f32 v19, v45;
	v14 =	vmax.f32 v14, v46;
	v20 =	vmax.f32 v20, v47;
	v33 =	vld [tilespmem:s24+$0x8C90]  }
0x228: {  	v15 =	vmax.f32 v15, v48;
	v11 =	vmax.f32 v11, v49;
	v21 =	vmax.f32 v21, v50;
	v34 =	vld [tilespmem:s24+$0x8CA0]  }
0x229: {  	v16 =	vmax.f32 v16, v51;
	v12 =	vmax.f32 v12, v52;
	v17 =	vmax.f32 v17, v53;
	v35 =	vld [tilespmem:s24+$0x8CB0]  }
0x22a: {  	s26 =	sadd.s32 $0x80, s26;
	s28 =	sadd.s32 $0x200, s28;
	v13 =	vmax.f32 v13, v54;
	v9 =	vmax.f32 v9, v62;
	v10 =	vmax.f32 v10, v63;
	v36 =	vld [tilespmem:s24+$0x8CC0]  }
.LBB2_20:
0x22b: {  	s29 =	sand.u32 $0x7FFFF000, s28;
	s30 =	sand.u32 $0x380, s26;
	s25 =	sadd.s32 $0x1, s25;
	v8 =	vmax.f32 v8, v32;
	v32 =	vld [tilespmem:s24+$0x8CD0]  }
0x22c: {  	v6 =	vmax.f32 v6, v33;
	p0 =	slt.s32 s25, s23;
	v33 =	vld [tilespmem:s24+$0x8CE0];
	s24 =	sor.u32 s30, s29  }
0x22d: {  	v7 =	vmax.f32 v7, v34;
	v37 =	vld [tilespmem:s24+$0x8CF0]  }
0x22e: {  	v5 =	vmax.f32 v5, v35;
	v34 =	vld [tilespmem:s24+$0x8080]  }
0x22f: {  	v4 =	vmax.f32 v4, v36;
	v35 =	vld [tilespmem:s24+$0x8090]  }
0x230: {  	v36 =	vld [tilespmem:s24+$0x80A0];
	v3 =	vmax.f32 v3, v32  }
0x231: {  	v32 =	vld [tilespmem:s24+$0x80B0];
	v2 =	vmax.f32 v2, v33  }
0x232: {  	v33 =	vld [tilespmem:s24+$0x80C0];
	v1 =	vmax.f32 v1, v37  }
0x233: {  	v0 =	vmax.f32 v0, v34;
	v34 =	vld [tilespmem:s24+$0x80D0]  }
0x234: {  	v30 =	vmax.f32 v30, v35;
	v35 =	vld [tilespmem:s24+$0x80E0]  }
0x235: {  	v31 =	vmax.f32 v31, v36;
	v36 =	vld [tilespmem:s24+$0x80F0]  }
0x236: {  	v29 =	vmax.f32 v29, v32;
	v32 =	vld [tilespmem:s24+$0x8480]  }
0x237: {  	v27 =	vmax.f32 v27, v33;
	v33 =	vld [tilespmem:s24+$0x8490]  }
0x238: {  	v28 =	vmax.f32 v28, v34;
	v34 =	vld [tilespmem:s24+$0x84A0]  }
0x239: {  	v26 =	vmax.f32 v26, v35;
	v35 =	vld [tilespmem:s24+$0x84B0]  }
0x23a: {  	v24 =	vmax.f32 v24, v36;
	v36 =	vld [tilespmem:s24+$0x84C0]  }
0x23b: {  	v25 =	vmax.f32 v25, v32;
	v32 =	vld [tilespmem:s24+$0x84D0]  }
0x23c: {  	v22 =	vmax.f32 v22, v33;
	v33 =	vld [tilespmem:s24+$0x84E0]  }
0x23d: {  	v18 =	vmax.f32 v18, v34;
	v34 =	vld [tilespmem:s24+$0x84F0]  }
0x23e: {  	v23 =	vmax.f32 v23, v35;
	v35 =	vld [tilespmem:s24+$0x8880]  }
0x23f: {  	v19 =	vmax.f32 v19, v36;
	v36 =	vld [tilespmem:s24+$0x8890]  }
0x240: {  	v14 =	vmax.f32 v14, v32;
	v32 =	vld [tilespmem:s24+$0x88A0]  }
0x241: {  	v20 =	vmax.f32 v20, v33;
	v33 =	vld [tilespmem:s24+$0x88B0]  }
0x242: {  	v15 =	vmax.f32 v15, v34;
	v34 =	vld [tilespmem:s24+$0x88C0]  }
0x243: {  	v11 =	vmax.f32 v11, v35;
	v35 =	vld [tilespmem:s24+$0x88D0]  }
0x244: {  	v21 =	vmax.f32 v21, v36;
	v36 =	vld [tilespmem:s24+$0x88E0]  }
0x245: {  	v16 =	vmax.f32 v16, v32;
	v37 =	vld [tilespmem:s24+$0x88F0]  }
.Ltmp20:
0x246: {  	v12 =	vmax.f32 v12, v33;
	v32 =	vld [tilespmem:s24+$0x8C80];
	(pc) =	sbr.rel @p0 .LBB2_20-.Ltmp20, $4  }
0x247: {  	v17 =	vmax.f32 v17, v34;
	v33 =	vld [tilespmem:s24+$0x8C90]  }
0x248: {  	v13 =	vmax.f32 v13, v35;
	v34 =	vld [tilespmem:s24+$0x8CA0]  }
0x249: {  	v9 =	vmax.f32 v9, v36;
	v35 =	vld [tilespmem:s24+$0x8CB0]  }
0x24a: {  	s26 =	sadd.s32 $0x80, s26;
	s28 =	sadd.s32 $0x200, s28;
	v10 =	vmax.f32 v10, v37;
	v36 =	vld [tilespmem:s24+$0x8CC0]  }
.Ltmp21:
0x24b: {  	_ = 	snop;
	(pc) =	sbr.rel .LBB2_21-.Ltmp21, $1  }
0x24c: {  	_ =	sdelay $0x3  }
.LBB2_24:
0x24d: {  	_ =	sfence.sel $0x180000  }
0x24e: {  	[bflag:$0x0] =	sbarrier.arrive $0xFFFF  }
0x24f: {  	p0 =	sne.s32 s2, $0x0;
	_ =	strace $0x90000047  }
0x250: {  	s0 =	sadd.s32 @!p0 $0x100000, s0;
	[bflag:$0x2] =	sbarrier.arrive $0xFFFF  }
0x251: {  	[sflag:s0] =	ssyncadd.tile.s32 @!p0 $0x1;
	_ =	shalt  }
.Lfunc_end2:
_tile_overlayer_lowered:
.L_overlay_start_2:
0x252: {  	(tag) =	ssettag $0x2  }
0x253: {  	s0 =	rddreg [dreg:$0x0];
	s2 =	stileid.u32  }
0x254: {  	s1 =	rddreg [dreg:$0x1];
	p0 =	sne.s32 s2, $0x0  }
0x255: {  	s3 =	rddreg [dreg:$0x2];
	[bflag:$0x3] =	sbarrier.arrive $0xFFFF;
	s2 =	simm.s32 @!p0 $0x1C04  }
0x256: {  	[timem:s3], [sflag:s2] =	dma.local @!p0 [hbm:s0], s1  }
0x257: {  	s0 =	simm.s32 @!p0 $0x4  }
0x258: {  	_ =	swait.ge @!p0 [sflag:s0], s1  }
0x259: {  	s1 =	ssub.s32 @!p0 $0x0, s1;
	[sflag:s0] =	ssyncset.done @!p0 $0x0  }
0x25a: {  	[sflag:s0] =	ssyncadd.s32 @!p0 s1  }
0x25b: {  	[bflag:$0x3] =	sbarrier.arrive $0xFFFF  }
0x25c: {  	_ =	shalt  }

</sc_bundles>
